<compile_context>
chip_gen: v7x
topology: tpu7x:2x2x1
jax: 0.10.2.dev20260603
libtpu: 0.0.44.dev20260713+nightly
codegen_flags: <defaults>
</compile_context>

<pallas_src>
import functools

import jax
import jax.numpy as jnp
from jax import lax
from jax.experimental import pallas as pl
from jax.experimental.pallas import tpu as pltpu
from jax.experimental.pallas import tpu_sc as plsc

B, C, H, W = 64, 768, 24, 24
HW = H * W
E = 8
NEG_INF = float("-inf")

B_TC = 48
B_SC = B - B_TC
W_PER_B = 2
HB = HW // W_PER_B
HBLK = 48
NBLK = HB // HBLK
CCH = C // 16

BB = 8
NSTEPS = B_TC // BB


def _pool_kernel(x_ref, out_ref):
    blk = x_ref[...]
    out_ref[...] = (jnp.max(blk, axis=1)
                    + jnp.sum(blk, axis=1) * (1.0 / HW))


def _route_kernel(ptc_ref, pmax_ref, psum_ref, w0_ref, b0_ref, w1_ref,
                  b1_ref, out_ref):
    psc = (jnp.max(pmax_ref[...], axis=0)
           + jnp.sum(psum_ref[...], axis=0) * (1.0 / HW))
    pooled = jnp.concatenate([ptc_ref[...], psc], axis=0)
    dn = (((1,), (1,)), ((), ()))
    h = jax.lax.dot_general(
        pooled, w0_ref[...], dn,
        preferred_element_type=jnp.float32) + b0_ref[...]
    h = jnp.where(h >= 0.0, h, 0.2 * h)
    z = jax.lax.dot_general(
        pooled, w1_ref[...], dn,
        preferred_element_type=jnp.float32) + b1_ref[...]
    noise = jnp.maximum(z, 0.0) + jnp.log1p(jnp.exp(-jnp.abs(z)))
    nmean = jnp.mean(noise, axis=1, keepdims=True)
    var = jnp.sum((noise - nmean) ** 2, axis=1, keepdims=True) / (E - 1)
    norm_noise = (noise - nmean) * jax.lax.rsqrt(var)
    scores = h + norm_noise
    ii = jax.lax.broadcasted_iota(jnp.int32, (B, E), 1)
    m1 = jnp.max(scores, axis=1, keepdims=True)
    i1 = jnp.min(jnp.where(scores == m1, ii, E), axis=1, keepdims=True)
    oh1 = ii == i1
    s2 = jnp.where(oh1, NEG_INF, scores)
    m2 = jnp.max(s2, axis=1, keepdims=True)
    i2 = jnp.min(jnp.where(s2 == m2, ii, E), axis=1, keepdims=True)
    mask = oh1 | (ii == i2)
    hm = jnp.where(mask, h, NEG_INF)
    mx = jnp.max(hm, axis=1, keepdims=True)
    e = jnp.where(mask, jnp.exp(h - mx), 0.0)
    gate = e / jnp.sum(e, axis=1, keepdims=True)
    out_ref[...] = gate.T


def _sc_pool(x_hbm, pmax_hbm, psum_hbm, xv0, xv1, accm, accs, sem0, sem1):
    nc = 2
    wid = lax.axis_index("s") * nc + lax.axis_index("c")
    b_local = wid // W_PER_B
    wslot = wid % W_PER_B
    b = B_TC + b_local
    h0 = wslot * HB
    bufs = (xv0, xv1)
    sems = (sem0, sem1)

    def dma(i, buf, sem):
        return pltpu.make_async_copy(
            x_hbm.at[b, pl.ds(h0 + i * HBLK, HBLK), :], buf, sem)

    def init_cc(cc, carry):
        accm[pl.ds(cc * 16, 16)] = jnp.full((16,), NEG_INF, jnp.float32)
        accs[pl.ds(cc * 16, 16)] = jnp.zeros((16,), jnp.float32)
        return carry
    lax.fori_loop(0, CCH, init_cc, 0)

    dma(0, bufs[0], sems[0]).start()
    for i in range(NBLK):
        cur = bufs[i % 2]
        dma(i, cur, sems[i % 2]).wait()
        if i + 1 < NBLK:
            dma(i + 1, bufs[(i + 1) % 2], sems[(i + 1) % 2]).start()

        def body(cc, carry):
            c16 = cc * 16
            v0 = cur[0, pl.ds(c16, 16)]
            v1 = cur[1, pl.ds(c16, 16)]
            v2 = cur[2, pl.ds(c16, 16)]
            v3 = cur[3, pl.ds(c16, 16)]
            am0, am1, am2, am3 = v0, v1, v2, v3
            as0, as1, as2, as3 = v0, v1, v2, v3
            for r in range(4, HBLK, 4):
                v0 = cur[r, pl.ds(c16, 16)]
                v1 = cur[r + 1, pl.ds(c16, 16)]
                v2 = cur[r + 2, pl.ds(c16, 16)]
                v3 = cur[r + 3, pl.ds(c16, 16)]
                am0 = jnp.maximum(am0, v0)
                am1 = jnp.maximum(am1, v1)
                am2 = jnp.maximum(am2, v2)
                am3 = jnp.maximum(am3, v3)
                as0 = as0 + v0
                as1 = as1 + v1
                as2 = as2 + v2
                as3 = as3 + v3
            am = jnp.maximum(jnp.maximum(am0, am1), jnp.maximum(am2, am3))
            asum = (as0 + as1) + (as2 + as3)
            accm[pl.ds(c16, 16)] = jnp.maximum(accm[pl.ds(c16, 16)], am)
            accs[pl.ds(c16, 16)] = accs[pl.ds(c16, 16)] + asum
            return carry
        lax.fori_loop(0, CCH, body, 0)

    pltpu.sync_copy(accm, pmax_hbm.at[wslot, b_local, :])
    pltpu.sync_copy(accs, psum_hbm.at[wslot, b_local, :])


@jax.jit
def kernel(x, W0, b0, W1, b1):
    xt = jnp.transpose(x, (0, 2, 3, 1)).reshape(B, HW, C)

    sc_fn = functools.partial(
        pl.kernel,
        out_type=[
            jax.ShapeDtypeStruct((W_PER_B, B_SC, C), jnp.float32),
            jax.ShapeDtypeStruct((W_PER_B, B_SC, C), jnp.float32),
        ],
        mesh=plsc.VectorSubcoreMesh(core_axis_name="c", subcore_axis_name="s"),
        scratch_types=[
            pltpu.VMEM((HBLK, C), jnp.float32),
            pltpu.VMEM((HBLK, C), jnp.float32),
            pltpu.VMEM((C,), jnp.float32),
            pltpu.VMEM((C,), jnp.float32),
            pltpu.SemaphoreType.DMA,
            pltpu.SemaphoreType.DMA,
        ],
    )(_sc_pool)
    pmax, psum = sc_fn(xt)

    ptc = pl.pallas_call(
        _pool_kernel,
        grid=(NSTEPS,),
        in_specs=[pl.BlockSpec((BB, HW, C), lambda j: (j, 0, 0))],
        out_specs=pl.BlockSpec((BB, C), lambda j: (j, 0)),
        out_shape=jax.ShapeDtypeStruct((B_TC, C), jnp.float32),
    )(xt)

    gate_t = pl.pallas_call(
        _route_kernel,
        in_specs=[
            pl.BlockSpec((B_TC, C), lambda: (0, 0)),
            pl.BlockSpec((W_PER_B, B_SC, C), lambda: (0, 0, 0)),
            pl.BlockSpec((W_PER_B, B_SC, C), lambda: (0, 0, 0)),
            pl.BlockSpec((E, C), lambda: (0, 0)),
            pl.BlockSpec((1, E), lambda: (0, 0)),
            pl.BlockSpec((E, C), lambda: (0, 0)),
            pl.BlockSpec((1, E), lambda: (0, 0)),
        ],
        out_specs=pl.BlockSpec((E, B), lambda: (0, 0)),
        out_shape=jax.ShapeDtypeStruct((E, B), jnp.float32),
    )(ptc, pmax, psum, W0, b0.reshape(1, E), W1, b1.reshape(1, E))
    return gate_t.T

# --- scband reference (transcript-rebuilt; emitter-appended) ---
"""Pipeline reference for scband-gate-network-3298534884238 (READ-ONLY COPY).

The authoritative reference and input builder live on the scoring server;
editing this copy changes nothing except your own understanding.
"""

import jax, jax.numpy as jnp
import numpy as np

B, C, H, W = 64, 768, 24, 24
E = 8
TOP_K = 2

def setup_inputs(seed: int = 0) -> dict:
    key = jax.random.key(seed)
    k1, k2, k3, k4 = jax.random.split(key, 4)
    x = jax.random.normal(k1, (B, C, H, W), dtype=jnp.float32)
    lim = 1.0 / np.sqrt(C)
    W0 = jax.random.uniform(k2, (E, C), minval=-lim, maxval=lim, dtype=jnp.float32)
    b0 = jax.random.uniform(k3, (E,), minval=-lim, maxval=lim, dtype=jnp.float32)
    # fc1.weight is zero-initialized in the torch module (init.zeros_), bias stays default-init
    W1 = jnp.zeros((E, C), dtype=jnp.float32)
    b1 = jax.random.uniform(k4, (E,), minval=-lim, maxval=lim, dtype=jnp.float32)
    return {"x": x, "W0": W0, "b0": b0, "W1": W1, "b1": b1}

def reference(x, W0, b0, W1, b1):
    # AdaptiveMaxPool2d(1) + AdaptiveAvgPool2d(1), then flatten to [B, C]
    pooled = jnp.max(x, axis=(2, 3)) + jnp.mean(x, axis=(2, 3))
    inp = pooled
    h = inp @ W0.T + b0
    # LeakyReLU(0.2)
    h = jnp.where(h >= 0, h, 0.2 * h)
    # noisy path: softplus(fc1(inp)), then per-row standardization (torch.std is unbiased, ddof=1)
    noise = jax.nn.softplus(inp @ W1.T + b1)
    noise_mean = jnp.mean(noise, axis=1, keepdims=True)
    std = jnp.std(noise, axis=1, keepdims=True, ddof=1)
    norm_noise = (noise - noise_mean) / std
    scores = h + norm_noise
    _, topk_idx = jax.lax.top_k(scores, TOP_K)
    rows = jnp.arange(h.shape[0])[:, None]
    mask = jnp.zeros_like(h).at[rows, topk_idx].set(1.0)
    masked = jnp.where(mask.astype(bool), h, -jnp.inf)
    gate = jax.nn.softmax(masked, axis=1)
    return gate

if __name__ == "__main__":
    import jax
    _d = setup_inputs()
    print(jax.jit(kernel)(*tuple(_d.values())))

</pallas_src>

<mosaic_0001>
#map = affine_map<(d0, d1) -> (0, 0, 0)>
module attributes {stable_mosaic.version = 14 : i64} {
  func.func @_sc_pool(%arg0: i32, %arg1: i32, %arg2: memref<64x576x768xf32, #tpu.memory_space<hbm>>, %arg3: memref<2x16x768xf32, #tpu.memory_space<hbm>>, %arg4: memref<2x16x768xf32, #tpu.memory_space<hbm>>, %arg5: memref<48x768xf32, #tpu.memory_space<vmem>>, %arg6: memref<48x768xf32, #tpu.memory_space<vmem>>, %arg7: memref<768xf32, #tpu.memory_space<vmem>>, %arg8: memref<768xf32, #tpu.memory_space<vmem>>, %arg9: memref<!tpu.dma_semaphore, #tpu.memory_space<semaphore_mem>>, %arg10: memref<!tpu.dma_semaphore, #tpu.memory_space<semaphore_mem>>) attributes {dimension_semantics = [#tpu.dimension_semantics<core_parallel>, #tpu.dimension_semantics<subcore_parallel>], iteration_bounds = array<i64: 2, 16>, scalar_prefetch = 0 : i64, scratch_operands = 6 : i64, tpu.core_type = #tpu.core_type<sc_vector_subcore>, window_params = [{transform_indices = #map}, {transform_indices = #map}, {transform_indices = #map}]} {
    %mul3A = arith.constant 2 : i32
    %mul3A_0 = arith.muli %arg1, %mul3A : i32
    %add3A = arith.addi %mul3A_0, %arg0 : i32
    %jit3A = arith.constant 2 : i32
    %div3A = arith.divsi %add3A, %jit3A : i32
    %sign3A = arith.constant 0 : i32
    %sign3A_1 = arith.cmpi sgt, %add3A, %sign3A : i32
    %sign3A_2 = arith.extui %sign3A_1 : i1 to i32
    %sign3A_3 = arith.constant 0 : i32
    %sign3A_4 = arith.cmpi slt, %add3A, %sign3A_3 : i32
    %sign3A_5 = arith.extui %sign3A_4 : i1 to i32
    %sign3A_6 = arith.subi %sign3A_2, %sign3A_5 : i32
    %sign3A_7 = arith.constant 0 : i32
    %sign3A_8 = arith.cmpi sgt, %jit3A, %sign3A_7 : i32
    %sign3A_9 = arith.extui %sign3A_8 : i1 to i32
    %sign3A_10 = arith.constant 0 : i32
    %sign3A_11 = arith.cmpi slt, %jit3A, %sign3A_10 : i32
    %sign3A_12 = arith.extui %sign3A_11 : i1 to i32
    %sign3A_13 = arith.subi %sign3A_9, %sign3A_12 : i32
    %ne3A = arith.cmpi ne, %sign3A_6, %sign3A_13 : i32
    %rem3A = arith.remsi %add3A, %jit3A : i32
    %ne3A_14 = arith.constant 0 : i32
    %ne3A_15 = arith.cmpi ne, %rem3A, %ne3A_14 : i32
    %and3A = arith.andi %ne3A, %ne3A_15 : i1
    %sub3A = arith.constant 1 : i32
    %sub3A_16 = arith.subi %div3A, %sub3A : i32
    %select_n3A = arith.select %and3A, %sub3A_16, %div3A : i32
    %jit3A_17 = arith.constant 2 : i32
    %eq3A = arith.constant 0 : i32
    %eq3A_18 = arith.cmpi eq, %jit3A_17, %eq3A : i32
    %jit3A_19 = arith.constant 1 : i32
    %select_n3A_20 = arith.select %eq3A_18, %jit3A_19, %jit3A_17 : i32
    %rem3A_21 = arith.remsi %add3A, %select_n3A_20 : i32
    %ne3A_22 = arith.constant 0 : i32
    %ne3A_23 = arith.cmpi ne, %rem3A_21, %ne3A_22 : i32
    %lt3A = arith.constant 0 : i32
    %lt3A_24 = arith.cmpi slt, %rem3A_21, %lt3A : i32
    %lt3A_25 = arith.constant 0 : i32
    %lt3A_26 = arith.cmpi slt, %select_n3A_20, %lt3A_25 : i32
    %ne3A_27 = arith.xori %lt3A_24, %lt3A_26 : i1
    %and3A_28 = arith.andi %ne3A_27, %ne3A_23 : i1
    %add3A_29 = arith.addi %rem3A_21, %select_n3A_20 : i32
    %select_n3A_30 = arith.select %and3A_28, %add3A_29, %rem3A_21 : i32
    %add3A_31 = arith.constant 48 : i32
    %add3A_32 = arith.addi %add3A_31, %select_n3A : i32
    %mul3A_33 = arith.constant 288 : i32
    %mul3A_34 = arith.muli %select_n3A_30, %mul3A_33 : i32
    %scan3A = arith.constant 0 : i32
    %scan3A_35 = arith.constant 0 : i32
    %scan3A_36 = arith.constant 48 : i32
    %scan3A_37 = arith.addi %scan3A_35, %scan3A_36 : i32
    %scan3A_38 = arith.constant 1 : i32
    scf.for %scan3A_170 = %scan3A_35 to %scan3A_37 step %scan3A_38  : i32 {
      %broadcast_in_dim3A = arith.constant 0xFF800000 : f32
      %broadcast_in_dim3A_171 = vector.broadcast %broadcast_in_dim3A : f32 to vector<16xf32>
      %mul3A_172 = arith.constant 16 : i32
      %mul3A_173 = arith.muli %scan3A_170, %mul3A_172 : i32
      %swap3A = arith.index_cast %mul3A_173 : i32 to index
      %swap3A_174 = tpu.vector_load %arg7[%swap3A] {strides = array<i32>} : memref<768xf32, #tpu.memory_space<vmem>>, vector<16xf32>,
      %swap3A_175 = vector.shape_cast %swap3A_174 : vector<16xf32> to vector<16xf32>
      %swap3A_176 = vector.shape_cast %broadcast_in_dim3A_171 : vector<16xf32> to vector<16xf32>
      tpu.vector_store %arg7[%swap3A], %swap3A_176 {strides = array<i32>} : memref<768xf32, #tpu.memory_space<vmem>>, vector<16xf32>,
      %broadcast_in_dim3A_177 = arith.constant 0.000000e+00 : f32
      %broadcast_in_dim3A_178 = vector.broadcast %broadcast_in_dim3A_177 : f32 to vector<16xf32>
      %mul3A_179 = arith.constant 16 : i32
      %mul3A_180 = arith.muli %scan3A_170, %mul3A_179 : i32
      %swap3A_181 = arith.index_cast %mul3A_180 : i32 to index
      %swap3A_182 = tpu.vector_load %arg8[%swap3A_181] {strides = array<i32>} : memref<768xf32, #tpu.memory_space<vmem>>, vector<16xf32>,
      %swap3A_183 = vector.shape_cast %swap3A_182 : vector<16xf32> to vector<16xf32>
      %swap3A_184 = vector.shape_cast %broadcast_in_dim3A_178 : vector<16xf32> to vector<16xf32>
      tpu.vector_store %arg8[%swap3A_181], %swap3A_184 {strides = array<i32>} : memref<768xf32, #tpu.memory_space<vmem>>, vector<16xf32>,
    }
    %scan3A_39 = arith.constant 48 : i32
    %add3A_40 = arith.constant 0 : i32
    %add3A_41 = arith.addi %mul3A_34, %add3A_40 : i32
    %dma_start3A = arith.constant 0 : i32
    %dma_start3A_42 = tpu.memref_slice %arg2[%add3A_32, %add3A_41, %dma_start3A] : memref<64x576x768xf32, #tpu.memory_space<hbm>> -> memref<1x48x768xf32, #tpu.memory_space<hbm>>
    %dma_start3A_43 = tpu.memref_squeeze %dma_start3A_42 : memref<1x48x768xf32, #tpu.memory_space<hbm>> -> memref<48x768xf32, #tpu.memory_space<hbm>>
    %dma_start3A_44 = arith.constant 0 : i32
    %dma_start3A_45 = tpu.memref_slice %arg2[%add3A_32, %add3A_41, %dma_start3A_44] : memref<64x576x768xf32, #tpu.memory_space<hbm>> -> memref<1x48x768xf32, #tpu.memory_space<hbm>>
    %dma_start3A_46 = tpu.memref_squeeze %dma_start3A_45 : memref<1x48x768xf32, #tpu.memory_space<hbm>> -> memref<48x768xf32, #tpu.memory_space<hbm>>
    tpu.enqueue_dma source(%dma_start3A_46 : memref<48x768xf32, #tpu.memory_space<hbm>>) target(%arg5 : memref<48x768xf32, #tpu.memory_space<vmem>>) target_semaphore(%arg9 : memref<!tpu.dma_semaphore, #tpu.memory_space<semaphore_mem>>)
    %add3A_47 = arith.constant 0 : i32
    %add3A_48 = arith.addi %mul3A_34, %add3A_47 : i32
    %dma_wait3A = arith.constant 0 : i32
    %dma_wait3A_49 = tpu.memref_slice %arg2[%add3A_32, %add3A_48, %dma_wait3A] : memref<64x576x768xf32, #tpu.memory_space<hbm>> -> memref<1x48x768xf32, #tpu.memory_space<hbm>>
    %dma_wait3A_50 = tpu.memref_squeeze %dma_wait3A_49 : memref<1x48x768xf32, #tpu.memory_space<hbm>> -> memref<48x768xf32, #tpu.memory_space<hbm>>
    %dma_wait3A_51 = arith.constant 0 : i32
    %dma_wait3A_52 = tpu.memref_slice %arg2[%add3A_32, %add3A_48, %dma_wait3A_51] : memref<64x576x768xf32, #tpu.memory_space<hbm>> -> memref<1x48x768xf32, #tpu.memory_space<hbm>>
    %dma_wait3A_53 = tpu.memref_squeeze %dma_wait3A_52 : memref<1x48x768xf32, #tpu.memory_space<hbm>> -> memref<48x768xf32, #tpu.memory_space<hbm>>
    tpu.wait_dma2 semaphore(%arg9 : memref<!tpu.dma_semaphore, #tpu.memory_space<semaphore_mem>>) src(%dma_wait3A_53 : memref<48x768xf32, #tpu.memory_space<hbm>>) dst(%arg5 : memref<48x768xf32, #tpu.memory_space<vmem>>)
    %add3A_54 = arith.constant 48 : i32
    %add3A_55 = arith.addi %mul3A_34, %add3A_54 : i32
    %dma_start3A_56 = arith.constant 0 : i32
    %dma_start3A_57 = tpu.memref_slice %arg2[%add3A_32, %add3A_55, %dma_start3A_56] : memref<64x576x768xf32, #tpu.memory_space<hbm>> -> memref<1x48x768xf32, #tpu.memory_space<hbm>>
    %dma_start3A_58 = tpu.memref_squeeze %dma_start3A_57 : memref<1x48x768xf32, #tpu.memory_space<hbm>> -> memref<48x768xf32, #tpu.memory_space<hbm>>
    %dma_start3A_59 = arith.constant 0 : i32
    %dma_start3A_60 = tpu.memref_slice %arg2[%add3A_32, %add3A_55, %dma_start3A_59] : memref<64x576x768xf32, #tpu.memory_space<hbm>> -> memref<1x48x768xf32, #tpu.memory_space<hbm>>
    %dma_start3A_61 = tpu.memref_squeeze %dma_start3A_60 : memref<1x48x768xf32, #tpu.memory_space<hbm>> -> memref<48x768xf32, #tpu.memory_space<hbm>>
    tpu.enqueue_dma source(%dma_start3A_61 : memref<48x768xf32, #tpu.memory_space<hbm>>) target(%arg6 : memref<48x768xf32, #tpu.memory_space<vmem>>) target_semaphore(%arg10 : memref<!tpu.dma_semaphore, #tpu.memory_space<semaphore_mem>>)
    %scan3A_62 = arith.constant 0 : i32
    %scan3A_63 = arith.constant 0 : i32
    %scan3A_64 = arith.constant 48 : i32
    %scan3A_65 = arith.addi %scan3A_63, %scan3A_64 : i32
    %scan3A_66 = arith.constant 1 : i32
    scf.for %scan3A_170 = %scan3A_63 to %scan3A_65 step %scan3A_66  : i32 {
      %mul3A_171 = arith.constant 16 : i32
      %mul3A_172 = arith.muli %scan3A_170, %mul3A_171 : i32
      %get3A = arith.constant 0 : i32
      %get3A_173 = arith.index_cast %get3A : i32 to index
      %get3A_174 = arith.index_cast %mul3A_172 : i32 to index
      %get3A_175 = tpu.vector_load %arg5[%get3A_173, %get3A_174] {strides = array<i32>} : memref<48x768xf32, #tpu.memory_space<vmem>>, vector<1x16xf32>,
      %get3A_176 = vector.shape_cast %get3A_175 : vector<1x16xf32> to vector<16xf32>
      %get3A_177 = arith.constant 1 : i32
      %get3A_178 = arith.index_cast %get3A_177 : i32 to index
      %get3A_179 = arith.index_cast %mul3A_172 : i32 to index
      %get3A_180 = tpu.vector_load %arg5[%get3A_178, %get3A_179] {strides = array<i32>} : memref<48x768xf32, #tpu.memory_space<vmem>>, vector<1x16xf32>,
      %get3A_181 = vector.shape_cast %get3A_180 : vector<1x16xf32> to vector<16xf32>
      %get3A_182 = arith.constant 2 : i32
      %get3A_183 = arith.index_cast %get3A_182 : i32 to index
      %get3A_184 = arith.index_cast %mul3A_172 : i32 to index
      %get3A_185 = tpu.vector_load %arg5[%get3A_183, %get3A_184] {strides = array<i32>} : memref<48x768xf32, #tpu.memory_space<vmem>>, vector<1x16xf32>,
      %get3A_186 = vector.shape_cast %get3A_185 : vector<1x16xf32> to vector<16xf32>
      %get3A_187 = arith.constant 3 : i32
      %get3A_188 = arith.index_cast %get3A_187 : i32 to index
      %get3A_189 = arith.index_cast %mul3A_172 : i32 to index
      %get3A_190 = tpu.vector_load %arg5[%get3A_188, %get3A_189] {strides = array<i32>} : memref<48x768xf32, #tpu.memory_space<vmem>>, vector<1x16xf32>,
      %get3A_191 = vector.shape_cast %get3A_190 : vector<1x16xf32> to vector<16xf32>
      %get3A_192 = arith.constant 4 : i32
      %get3A_193 = arith.index_cast %get3A_192 : i32 to index
      %get3A_194 = arith.index_cast %mul3A_172 : i32 to index
      %get3A_195 = tpu.vector_load %arg5[%get3A_193, %get3A_194] {strides = array<i32>} : memref<48x768xf32, #tpu.memory_space<vmem>>, vector<1x16xf32>,
      %get3A_196 = vector.shape_cast %get3A_195 : vector<1x16xf32> to vector<16xf32>
      %get3A_197 = arith.constant 5 : i32
      %get3A_198 = arith.index_cast %get3A_197 : i32 to index
      %get3A_199 = arith.index_cast %mul3A_172 : i32 to index
      %get3A_200 = tpu.vector_load %arg5[%get3A_198, %get3A_199] {strides = array<i32>} : memref<48x768xf32, #tpu.memory_space<vmem>>, vector<1x16xf32>,
      %get3A_201 = vector.shape_cast %get3A_200 : vector<1x16xf32> to vector<16xf32>
      %get3A_202 = arith.constant 6 : i32
      %get3A_203 = arith.index_cast %get3A_202 : i32 to index
      %get3A_204 = arith.index_cast %mul3A_172 : i32 to index
      %get3A_205 = tpu.vector_load %arg5[%get3A_203, %get3A_204] {strides = array<i32>} : memref<48x768xf32, #tpu.memory_space<vmem>>, vector<1x16xf32>,
      %get3A_206 = vector.shape_cast %get3A_205 : vector<1x16xf32> to vector<16xf32>
      %get3A_207 = arith.constant 7 : i32
      %get3A_208 = arith.index_cast %get3A_207 : i32 to index
      %get3A_209 = arith.index_cast %mul3A_172 : i32 to index
      %get3A_210 = tpu.vector_load %arg5[%get3A_208, %get3A_209] {strides = array<i32>} : memref<48x768xf32, #tpu.memory_space<vmem>>, vector<1x16xf32>,
      %get3A_211 = vector.shape_cast %get3A_210 : vector<1x16xf32> to vector<16xf32>
      %max3A = arith.maximumf %get3A_176, %get3A_196 : vector<16xf32>
      %max3A_212 = arith.maximumf %get3A_181, %get3A_201 : vector<16xf32>
      %max3A_213 = arith.maximumf %get3A_186, %get3A_206 : vector<16xf32>
      %max3A_214 = arith.maximumf %get3A_191, %get3A_211 : vector<16xf32>
      %add3A_215 = arith.addf %get3A_176, %get3A_196 : vector<16xf32>
      %add3A_216 = arith.addf %get3A_181, %get3A_201 : vector<16xf32>
      %add3A_217 = arith.addf %get3A_186, %get3A_206 : vector<16xf32>
      %add3A_218 = arith.addf %get3A_191, %get3A_211 : vector<16xf32>
      %get3A_219 = arith.constant 8 : i32
      %get3A_220 = arith.index_cast %get3A_219 : i32 to index
      %get3A_221 = arith.index_cast %mul3A_172 : i32 to index
      %get3A_222 = tpu.vector_load %arg5[%get3A_220, %get3A_221] {strides = array<i32>} : memref<48x768xf32, #tpu.memory_space<vmem>>, vector<1x16xf32>,
      %get3A_223 = vector.shape_cast %get3A_222 : vector<1x16xf32> to vector<16xf32>
      %get3A_224 = arith.constant 9 : i32
      %get3A_225 = arith.index_cast %get3A_224 : i32 to index
      %get3A_226 = arith.index_cast %mul3A_172 : i32 to index
      %get3A_227 = tpu.vector_load %arg5[%get3A_225, %get3A_226] {strides = array<i32>} : memref<48x768xf32, #tpu.memory_space<vmem>>, vector<1x16xf32>,
      %get3A_228 = vector.shape_cast %get3A_227 : vector<1x16xf32> to vector<16xf32>
      %get3A_229 = arith.constant 10 : i32
      %get3A_230 = arith.index_cast %get3A_229 : i32 to index
      %get3A_231 = arith.index_cast %mul3A_172 : i32 to index
      %get3A_232 = tpu.vector_load %arg5[%get3A_230, %get3A_231] {strides = array<i32>} : memref<48x768xf32, #tpu.memory_space<vmem>>, vector<1x16xf32>,
      %get3A_233 = vector.shape_cast %get3A_232 : vector<1x16xf32> to vector<16xf32>
      %get3A_234 = arith.constant 11 : i32
      %get3A_235 = arith.index_cast %get3A_234 : i32 to index
      %get3A_236 = arith.index_cast %mul3A_172 : i32 to index
      %get3A_237 = tpu.vector_load %arg5[%get3A_235, %get3A_236] {strides = array<i32>} : memref<48x768xf32, #tpu.memory_space<vmem>>, vector<1x16xf32>,
      %get3A_238 = vector.shape_cast %get3A_237 : vector<1x16xf32> to vector<16xf32>
      %max3A_239 = arith.maximumf %max3A, %get3A_223 : vector<16xf32>
      %max3A_240 = arith.maximumf %max3A_212, %get3A_228 : vector<16xf32>
      %max3A_241 = arith.maximumf %max3A_213, %get3A_233 : vector<16xf32>
      %max3A_242 = arith.maximumf %max3A_214, %get3A_238 : vector<16xf32>
      %add3A_243 = arith.addf %add3A_215, %get3A_223 : vector<16xf32>
      %add3A_244 = arith.addf %add3A_216, %get3A_228 : vector<16xf32>
      %add3A_245 = arith.addf %add3A_217, %get3A_233 : vector<16xf32>
      %add3A_246 = arith.addf %add3A_218, %get3A_238 : vector<16xf32>
      %get3A_247 = arith.constant 12 : i32
      %get3A_248 = arith.index_cast %get3A_247 : i32 to index
      %get3A_249 = arith.index_cast %mul3A_172 : i32 to index
      %get3A_250 = tpu.vector_load %arg5[%get3A_248, %get3A_249] {strides = array<i32>} : memref<48x768xf32, #tpu.memory_space<vmem>>, vector<1x16xf32>,
      %get3A_251 = vector.shape_cast %get3A_250 : vector<1x16xf32> to vector<16xf32>
      %get3A_252 = arith.constant 13 : i32
      %get3A_253 = arith.index_cast %get3A_252 : i32 to index
      %get3A_254 = arith.index_cast %mul3A_172 : i32 to index
      %get3A_255 = tpu.vector_load %arg5[%get3A_253, %get3A_254] {strides = array<i32>} : memref<48x768xf32, #tpu.memory_space<vmem>>, vector<1x16xf32>,
      %get3A_256 = vector.shape_cast %get3A_255 : vector<1x16xf32> to vector<16xf32>
      %get3A_257 = arith.constant 14 : i32
      %get3A_258 = arith.index_cast %get3A_257 : i32 to index
      %get3A_259 = arith.index_cast %mul3A_172 : i32 to index
      %get3A_260 = tpu.vector_load %arg5[%get3A_258, %get3A_259] {strides = array<i32>} : memref<48x768xf32, #tpu.memory_space<vmem>>, vector<1x16xf32>,
      %get3A_261 = vector.shape_cast %get3A_260 : vector<1x16xf32> to vector<16xf32>
      %get3A_262 = arith.constant 15 : i32
      %get3A_263 = arith.index_cast %get3A_262 : i32 to index
      %get3A_264 = arith.index_cast %mul3A_172 : i32 to index
      %get3A_265 = tpu.vector_load %arg5[%get3A_263, %get3A_264] {strides = array<i32>} : memref<48x768xf32, #tpu.memory_space<vmem>>, vector<1x16xf32>,
      %get3A_266 = vector.shape_cast %get3A_265 : vector<1x16xf32> to vector<16xf32>
      %max3A_267 = arith.maximumf %max3A_239, %get3A_251 : vector<16xf32>
      %max3A_268 = arith.maximumf %max3A_240, %get3A_256 : vector<16xf32>
      %max3A_269 = arith.maximumf %max3A_241, %get3A_261 : vector<16xf32>
      %max3A_270 = arith.maximumf %max3A_242, %get3A_266 : vector<16xf32>
      %add3A_271 = arith.addf %add3A_243, %get3A_251 : vector<16xf32>
      %add3A_272 = arith.addf %add3A_244, %get3A_256 : vector<16xf32>
      %add3A_273 = arith.addf %add3A_245, %get3A_261 : vector<16xf32>
      %add3A_274 = arith.addf %add3A_246, %get3A_266 : vector<16xf32>
      %get3A_275 = arith.constant 16 : i32
      %get3A_276 = arith.index_cast %get3A_275 : i32 to index
      %get3A_277 = arith.index_cast %mul3A_172 : i32 to index
      %get3A_278 = tpu.vector_load %arg5[%get3A_276, %get3A_277] {strides = array<i32>} : memref<48x768xf32, #tpu.memory_space<vmem>>, vector<1x16xf32>,
      %get3A_279 = vector.shape_cast %get3A_278 : vector<1x16xf32> to vector<16xf32>
      %get3A_280 = arith.constant 17 : i32
      %get3A_281 = arith.index_cast %get3A_280 : i32 to index
      %get3A_282 = arith.index_cast %mul3A_172 : i32 to index
      %get3A_283 = tpu.vector_load %arg5[%get3A_281, %get3A_282] {strides = array<i32>} : memref<48x768xf32, #tpu.memory_space<vmem>>, vector<1x16xf32>,
      %get3A_284 = vector.shape_cast %get3A_283 : vector<1x16xf32> to vector<16xf32>
      %get3A_285 = arith.constant 18 : i32
      %get3A_286 = arith.index_cast %get3A_285 : i32 to index
      %get3A_287 = arith.index_cast %mul3A_172 : i32 to index
      %get3A_288 = tpu.vector_load %arg5[%get3A_286, %get3A_287] {strides = array<i32>} : memref<48x768xf32, #tpu.memory_space<vmem>>, vector<1x16xf32>,
      %get3A_289 = vector.shape_cast %get3A_288 : vector<1x16xf32> to vector<16xf32>
      %get3A_290 = arith.constant 19 : i32
      %get3A_291 = arith.index_cast %get3A_290 : i32 to index
      %get3A_292 = arith.index_cast %mul3A_172 : i32 to index
      %get3A_293 = tpu.vector_load %arg5[%get3A_291, %get3A_292] {strides = array<i32>} : memref<48x768xf32, #tpu.memory_space<vmem>>, vector<1x16xf32>,
      %get3A_294 = vector.shape_cast %get3A_293 : vector<1x16xf32> to vector<16xf32>
      %max3A_295 = arith.maximumf %max3A_267, %get3A_279 : vector<16xf32>
      %max3A_296 = arith.maximumf %max3A_268, %get3A_284 : vector<16xf32>
      %max3A_297 = arith.maximumf %max3A_269, %get3A_289 : vector<16xf32>
      %max3A_298 = arith.maximumf %max3A_270, %get3A_294 : vector<16xf32>
      %add3A_299 = arith.addf %add3A_271, %get3A_279 : vector<16xf32>
      %add3A_300 = arith.addf %add3A_272, %get3A_284 : vector<16xf32>
      %add3A_301 = arith.addf %add3A_273, %get3A_289 : vector<16xf32>
      %add3A_302 = arith.addf %add3A_274, %get3A_294 : vector<16xf32>
      %get3A_303 = arith.constant 20 : i32
      %get3A_304 = arith.index_cast %get3A_303 : i32 to index
      %get3A_305 = arith.index_cast %mul3A_172 : i32 to index
      %get3A_306 = tpu.vector_load %arg5[%get3A_304, %get3A_305] {strides = array<i32>} : memref<48x768xf32, #tpu.memory_space<vmem>>, vector<1x16xf32>,
      %get3A_307 = vector.shape_cast %get3A_306 : vector<1x16xf32> to vector<16xf32>
      %get3A_308 = arith.constant 21 : i32
      %get3A_309 = arith.index_cast %get3A_308 : i32 to index
      %get3A_310 = arith.index_cast %mul3A_172 : i32 to index
      %get3A_311 = tpu.vector_load %arg5[%get3A_309, %get3A_310] {strides = array<i32>} : memref<48x768xf32, #tpu.memory_space<vmem>>, vector<1x16xf32>,
      %get3A_312 = vector.shape_cast %get3A_311 : vector<1x16xf32> to vector<16xf32>
      %get3A_313 = arith.constant 22 : i32
      %get3A_314 = arith.index_cast %get3A_313 : i32 to index
      %get3A_315 = arith.index_cast %mul3A_172 : i32 to index
      %get3A_316 = tpu.vector_load %arg5[%get3A_314, %get3A_315] {strides = array<i32>} : memref<48x768xf32, #tpu.memory_space<vmem>>, vector<1x16xf32>,
      %get3A_317 = vector.shape_cast %get3A_316 : vector<1x16xf32> to vector<16xf32>
      %get3A_318 = arith.constant 23 : i32
      %get3A_319 = arith.index_cast %get3A_318 : i32 to index
      %get3A_320 = arith.index_cast %mul3A_172 : i32 to index
      %get3A_321 = tpu.vector_load %arg5[%get3A_319, %get3A_320] {strides = array<i32>} : memref<48x768xf32, #tpu.memory_space<vmem>>, vector<1x16xf32>,
      %get3A_322 = vector.shape_cast %get3A_321 : vector<1x16xf32> to vector<16xf32>
      %max3A_323 = arith.maximumf %max3A_295, %get3A_307 : vector<16xf32>
      %max3A_324 = arith.maximumf %max3A_296, %get3A_312 : vector<16xf32>
      %max3A_325 = arith.maximumf %max3A_297, %get3A_317 : vector<16xf32>
      %max3A_326 = arith.maximumf %max3A_298, %get3A_322 : vector<16xf32>
      %add3A_327 = arith.addf %add3A_299, %get3A_307 : vector<16xf32>
      %add3A_328 = arith.addf %add3A_300, %get3A_312 : vector<16xf32>
      %add3A_329 = arith.addf %add3A_301, %get3A_317 : vector<16xf32>
      %add3A_330 = arith.addf %add3A_302, %get3A_322 : vector<16xf32>
      %get3A_331 = arith.constant 24 : i32
      %get3A_332 = arith.index_cast %get3A_331 : i32 to index
      %get3A_333 = arith.index_cast %mul3A_172 : i32 to index
      %get3A_334 = tpu.vector_load %arg5[%get3A_332, %get3A_333] {strides = array<i32>} : memref<48x768xf32, #tpu.memory_space<vmem>>, vector<1x16xf32>,
      %get3A_335 = vector.shape_cast %get3A_334 : vector<1x16xf32> to vector<16xf32>
      %get3A_336 = arith.constant 25 : i32
      %get3A_337 = arith.index_cast %get3A_336 : i32 to index
      %get3A_338 = arith.index_cast %mul3A_172 : i32 to index
      %get3A_339 = tpu.vector_load %arg5[%get3A_337, %get3A_338] {strides = array<i32>} : memref<48x768xf32, #tpu.memory_space<vmem>>, vector<1x16xf32>,
      %get3A_340 = vector.shape_cast %get3A_339 : vector<1x16xf32> to vector<16xf32>
      %get3A_341 = arith.constant 26 : i32
      %get3A_342 = arith.index_cast %get3A_341 : i32 to index
      %get3A_343 = arith.index_cast %mul3A_172 : i32 to index
      %get3A_344 = tpu.vector_load %arg5[%get3A_342, %get3A_343] {strides = array<i32>} : memref<48x768xf32, #tpu.memory_space<vmem>>, vector<1x16xf32>,
      %get3A_345 = vector.shape_cast %get3A_344 : vector<1x16xf32> to vector<16xf32>
      %get3A_346 = arith.constant 27 : i32
      %get3A_347 = arith.index_cast %get3A_346 : i32 to index
      %get3A_348 = arith.index_cast %mul3A_172 : i32 to index
      %get3A_349 = tpu.vector_load %arg5[%get3A_347, %get3A_348] {strides = array<i32>} : memref<48x768xf32, #tpu.memory_space<vmem>>, vector<1x16xf32>,
      %get3A_350 = vector.shape_cast %get3A_349 : vector<1x16xf32> to vector<16xf32>
      %max3A_351 = arith.maximumf %max3A_323, %get3A_335 : vector<16xf32>
      %max3A_352 = arith.maximumf %max3A_324, %get3A_340 : vector<16xf32>
      %max3A_353 = arith.maximumf %max3A_325, %get3A_345 : vector<16xf32>
      %max3A_354 = arith.maximumf %max3A_326, %get3A_350 : vector<16xf32>
      %add3A_355 = arith.addf %add3A_327, %get3A_335 : vector<16xf32>
      %add3A_356 = arith.addf %add3A_328, %get3A_340 : vector<16xf32>
      %add3A_357 = arith.addf %add3A_329, %get3A_345 : vector<16xf32>
      %add3A_358 = arith.addf %add3A_330, %get3A_350 : vector<16xf32>
      %get3A_359 = arith.constant 28 : i32
      %get3A_360 = arith.index_cast %get3A_359 : i32 to index
      %get3A_361 = arith.index_cast %mul3A_172 : i32 to index
      %get3A_362 = tpu.vector_load %arg5[%get3A_360, %get3A_361] {strides = array<i32>} : memref<48x768xf32, #tpu.memory_space<vmem>>, vector<1x16xf32>,
      %get3A_363 = vector.shape_cast %get3A_362 : vector<1x16xf32> to vector<16xf32>
      %get3A_364 = arith.constant 29 : i32
      %get3A_365 = arith.index_cast %get3A_364 : i32 to index
      %get3A_366 = arith.index_cast %mul3A_172 : i32 to index
      %get3A_367 = tpu.vector_load %arg5[%get3A_365, %get3A_366] {strides = array<i32>} : memref<48x768xf32, #tpu.memory_space<vmem>>, vector<1x16xf32>,
      %get3A_368 = vector.shape_cast %get3A_367 : vector<1x16xf32> to vector<16xf32>
      %get3A_369 = arith.constant 30 : i32
      %get3A_370 = arith.index_cast %get3A_369 : i32 to index
      %get3A_371 = arith.index_cast %mul3A_172 : i32 to index
      %get3A_372 = tpu.vector_load %arg5[%get3A_370, %get3A_371] {strides = array<i32>} : memref<48x768xf32, #tpu.memory_space<vmem>>, vector<1x16xf32>,
      %get3A_373 = vector.shape_cast %get3A_372 : vector<1x16xf32> to vector<16xf32>
      %get3A_374 = arith.constant 31 : i32
      %get3A_375 = arith.index_cast %get3A_374 : i32 to index
      %get3A_376 = arith.index_cast %mul3A_172 : i32 to index
      %get3A_377 = tpu.vector_load %arg5[%get3A_375, %get3A_376] {strides = array<i32>} : memref<48x768xf32, #tpu.memory_space<vmem>>, vector<1x16xf32>,
      %get3A_378 = vector.shape_cast %get3A_377 : vector<1x16xf32> to vector<16xf32>
      %max3A_379 = arith.maximumf %max3A_351, %get3A_363 : vector<16xf32>
      %max3A_380 = arith.maximumf %max3A_352, %get3A_368 : vector<16xf32>
      %max3A_381 = arith.maximumf %max3A_353, %get3A_373 : vector<16xf32>
      %max3A_382 = arith.maximumf %max3A_354, %get3A_378 : vector<16xf32>
      %add3A_383 = arith.addf %add3A_355, %get3A_363 : vector<16xf32>
      %add3A_384 = arith.addf %add3A_356, %get3A_368 : vector<16xf32>
      %add3A_385 = arith.addf %add3A_357, %get3A_373 : vector<16xf32>
      %add3A_386 = arith.addf %add3A_358, %get3A_378 : vector<16xf32>
      %get3A_387 = arith.constant 32 : i32
      %get3A_388 = arith.index_cast %get3A_387 : i32 to index
      %get3A_389 = arith.index_cast %mul3A_172 : i32 to index
      %get3A_390 = tpu.vector_load %arg5[%get3A_388, %get3A_389] {strides = array<i32>} : memref<48x768xf32, #tpu.memory_space<vmem>>, vector<1x16xf32>,
      %get3A_391 = vector.shape_cast %get3A_390 : vector<1x16xf32> to vector<16xf32>
      %get3A_392 = arith.constant 33 : i32
      %get3A_393 = arith.index_cast %get3A_392 : i32 to index
      %get3A_394 = arith.index_cast %mul3A_172 : i32 to index
      %get3A_395 = tpu.vector_load %arg5[%get3A_393, %get3A_394] {strides = array<i32>} : memref<48x768xf32, #tpu.memory_space<vmem>>, vector<1x16xf32>,
      %get3A_396 = vector.shape_cast %get3A_395 : vector<1x16xf32> to vector<16xf32>
      %get3A_397 = arith.constant 34 : i32
      %get3A_398 = arith.index_cast %get3A_397 : i32 to index
      %get3A_399 = arith.index_cast %mul3A_172 : i32 to index
      %get3A_400 = tpu.vector_load %arg5[%get3A_398, %get3A_399] {strides = array<i32>} : memref<48x768xf32, #tpu.memory_space<vmem>>, vector<1x16xf32>,
      %get3A_401 = vector.shape_cast %get3A_400 : vector<1x16xf32> to vector<16xf32>
      %get3A_402 = arith.constant 35 : i32
      %get3A_403 = arith.index_cast %get3A_402 : i32 to index
      %get3A_404 = arith.index_cast %mul3A_172 : i32 to index
      %get3A_405 = tpu.vector_load %arg5[%get3A_403, %get3A_404] {strides = array<i32>} : memref<48x768xf32, #tpu.memory_space<vmem>>, vector<1x16xf32>,
      %get3A_406 = vector.shape_cast %get3A_405 : vector<1x16xf32> to vector<16xf32>
      %max3A_407 = arith.maximumf %max3A_379, %get3A_391 : vector<16xf32>
      %max3A_408 = arith.maximumf %max3A_380, %get3A_396 : vector<16xf32>
      %max3A_409 = arith.maximumf %max3A_381, %get3A_401 : vector<16xf32>
      %max3A_410 = arith.maximumf %max3A_382, %get3A_406 : vector<16xf32>
      %add3A_411 = arith.addf %add3A_383, %get3A_391 : vector<16xf32>
      %add3A_412 = arith.addf %add3A_384, %get3A_396 : vector<16xf32>
      %add3A_413 = arith.addf %add3A_385, %get3A_401 : vector<16xf32>
      %add3A_414 = arith.addf %add3A_386, %get3A_406 : vector<16xf32>
      %get3A_415 = arith.constant 36 : i32
      %get3A_416 = arith.index_cast %get3A_415 : i32 to index
      %get3A_417 = arith.index_cast %mul3A_172 : i32 to index
      %get3A_418 = tpu.vector_load %arg5[%get3A_416, %get3A_417] {strides = array<i32>} : memref<48x768xf32, #tpu.memory_space<vmem>>, vector<1x16xf32>,
      %get3A_419 = vector.shape_cast %get3A_418 : vector<1x16xf32> to vector<16xf32>
      %get3A_420 = arith.constant 37 : i32
      %get3A_421 = arith.index_cast %get3A_420 : i32 to index
      %get3A_422 = arith.index_cast %mul3A_172 : i32 to index
      %get3A_423 = tpu.vector_load %arg5[%get3A_421, %get3A_422] {strides = array<i32>} : memref<48x768xf32, #tpu.memory_space<vmem>>, vector<1x16xf32>,
      %get3A_424 = vector.shape_cast %get3A_423 : vector<1x16xf32> to vector<16xf32>
      %get3A_425 = arith.constant 38 : i32
      %get3A_426 = arith.index_cast %get3A_425 : i32 to index
      %get3A_427 = arith.index_cast %mul3A_172 : i32 to index
      %get3A_428 = tpu.vector_load %arg5[%get3A_426, %get3A_427] {strides = array<i32>} : memref<48x768xf32, #tpu.memory_space<vmem>>, vector<1x16xf32>,
      %get3A_429 = vector.shape_cast %get3A_428 : vector<1x16xf32> to vector<16xf32>
      %get3A_430 = arith.constant 39 : i32
      %get3A_431 = arith.index_cast %get3A_430 : i32 to index
      %get3A_432 = arith.index_cast %mul3A_172 : i32 to index
      %get3A_433 = tpu.vector_load %arg5[%get3A_431, %get3A_432] {strides = array<i32>} : memref<48x768xf32, #tpu.memory_space<vmem>>, vector<1x16xf32>,
      %get3A_434 = vector.shape_cast %get3A_433 : vector<1x16xf32> to vector<16xf32>
      %max3A_435 = arith.maximumf %max3A_407, %get3A_419 : vector<16xf32>
      %max3A_436 = arith.maximumf %max3A_408, %get3A_424 : vector<16xf32>
      %max3A_437 = arith.maximumf %max3A_409, %get3A_429 : vector<16xf32>
      %max3A_438 = arith.maximumf %max3A_410, %get3A_434 : vector<16xf32>
      %add3A_439 = arith.addf %add3A_411, %get3A_419 : vector<16xf32>
      %add3A_440 = arith.addf %add3A_412, %get3A_424 : vector<16xf32>
      %add3A_441 = arith.addf %add3A_413, %get3A_429 : vector<16xf32>
      %add3A_442 = arith.addf %add3A_414, %get3A_434 : vector<16xf32>
      %get3A_443 = arith.constant 40 : i32
      %get3A_444 = arith.index_cast %get3A_443 : i32 to index
      %get3A_445 = arith.index_cast %mul3A_172 : i32 to index
      %get3A_446 = tpu.vector_load %arg5[%get3A_444, %get3A_445] {strides = array<i32>} : memref<48x768xf32, #tpu.memory_space<vmem>>, vector<1x16xf32>,
      %get3A_447 = vector.shape_cast %get3A_446 : vector<1x16xf32> to vector<16xf32>
      %get3A_448 = arith.constant 41 : i32
      %get3A_449 = arith.index_cast %get3A_448 : i32 to index
      %get3A_450 = arith.index_cast %mul3A_172 : i32 to index
      %get3A_451 = tpu.vector_load %arg5[%get3A_449, %get3A_450] {strides = array<i32>} : memref<48x768xf32, #tpu.memory_space<vmem>>, vector<1x16xf32>,
      %get3A_452 = vector.shape_cast %get3A_451 : vector<1x16xf32> to vector<16xf32>
      %get3A_453 = arith.constant 42 : i32
      %get3A_454 = arith.index_cast %get3A_453 : i32 to index
      %get3A_455 = arith.index_cast %mul3A_172 : i32 to index
      %get3A_456 = tpu.vector_load %arg5[%get3A_454, %get3A_455] {strides = array<i32>} : memref<48x768xf32, #tpu.memory_space<vmem>>, vector<1x16xf32>,
      %get3A_457 = vector.shape_cast %get3A_456 : vector<1x16xf32> to vector<16xf32>
      %get3A_458 = arith.constant 43 : i32
      %get3A_459 = arith.index_cast %get3A_458 : i32 to index
      %get3A_460 = arith.index_cast %mul3A_172 : i32 to index
      %get3A_461 = tpu.vector_load %arg5[%get3A_459, %get3A_460] {strides = array<i32>} : memref<48x768xf32, #tpu.memory_space<vmem>>, vector<1x16xf32>,
      %get3A_462 = vector.shape_cast %get3A_461 : vector<1x16xf32> to vector<16xf32>
      %max3A_463 = arith.maximumf %max3A_435, %get3A_447 : vector<16xf32>
      %max3A_464 = arith.maximumf %max3A_436, %get3A_452 : vector<16xf32>
      %max3A_465 = arith.maximumf %max3A_437, %get3A_457 : vector<16xf32>
      %max3A_466 = arith.maximumf %max3A_438, %get3A_462 : vector<16xf32>
      %add3A_467 = arith.addf %add3A_439, %get3A_447 : vector<16xf32>
      %add3A_468 = arith.addf %add3A_440, %get3A_452 : vector<16xf32>
      %add3A_469 = arith.addf %add3A_441, %get3A_457 : vector<16xf32>
      %add3A_470 = arith.addf %add3A_442, %get3A_462 : vector<16xf32>
      %get3A_471 = arith.constant 44 : i32
      %get3A_472 = arith.index_cast %get3A_471 : i32 to index
      %get3A_473 = arith.index_cast %mul3A_172 : i32 to index
      %get3A_474 = tpu.vector_load %arg5[%get3A_472, %get3A_473] {strides = array<i32>} : memref<48x768xf32, #tpu.memory_space<vmem>>, vector<1x16xf32>,
      %get3A_475 = vector.shape_cast %get3A_474 : vector<1x16xf32> to vector<16xf32>
      %get3A_476 = arith.constant 45 : i32
      %get3A_477 = arith.index_cast %get3A_476 : i32 to index
      %get3A_478 = arith.index_cast %mul3A_172 : i32 to index
      %get3A_479 = tpu.vector_load %arg5[%get3A_477, %get3A_478] {strides = array<i32>} : memref<48x768xf32, #tpu.memory_space<vmem>>, vector<1x16xf32>,
      %get3A_480 = vector.shape_cast %get3A_479 : vector<1x16xf32> to vector<16xf32>
      %get3A_481 = arith.constant 46 : i32
      %get3A_482 = arith.index_cast %get3A_481 : i32 to index
      %get3A_483 = arith.index_cast %mul3A_172 : i32 to index
      %get3A_484 = tpu.vector_load %arg5[%get3A_482, %get3A_483] {strides = array<i32>} : memref<48x768xf32, #tpu.memory_space<vmem>>, vector<1x16xf32>,
      %get3A_485 = vector.shape_cast %get3A_484 : vector<1x16xf32> to vector<16xf32>
      %get3A_486 = arith.constant 47 : i32
      %get3A_487 = arith.index_cast %get3A_486 : i32 to index
      %get3A_488 = arith.index_cast %mul3A_172 : i32 to index
      %get3A_489 = tpu.vector_load %arg5[%get3A_487, %get3A_488] {strides = array<i32>} : memref<48x768xf32, #tpu.memory_space<vmem>>, vector<1x16xf32>,
      %get3A_490 = vector.shape_cast %get3A_489 : vector<1x16xf32> to vector<16xf32>
      %max3A_491 = arith.maximumf %max3A_463, %get3A_475 : vector<16xf32>
      %max3A_492 = arith.maximumf %max3A_464, %get3A_480 : vector<16xf32>
      %max3A_493 = arith.maximumf %max3A_465, %get3A_485 : vector<16xf32>
      %max3A_494 = arith.maximumf %max3A_466, %get3A_490 : vector<16xf32>
      %add3A_495 = arith.addf %add3A_467, %get3A_475 : vector<16xf32>
      %add3A_496 = arith.addf %add3A_468, %get3A_480 : vector<16xf32>
      %add3A_497 = arith.addf %add3A_469, %get3A_485 : vector<16xf32>
      %add3A_498 = arith.addf %add3A_470, %get3A_490 : vector<16xf32>
      %max3A_499 = arith.maximumf %max3A_491, %max3A_492 : vector<16xf32>
      %max3A_500 = arith.maximumf %max3A_493, %max3A_494 : vector<16xf32>
      %max3A_501 = arith.maximumf %max3A_499, %max3A_500 : vector<16xf32>
      %add3A_502 = arith.addf %add3A_495, %add3A_496 : vector<16xf32>
      %add3A_503 = arith.addf %add3A_497, %add3A_498 : vector<16xf32>
      %add3A_504 = arith.addf %add3A_502, %add3A_503 : vector<16xf32>
      %get3A_505 = arith.index_cast %mul3A_172 : i32 to index
      %get3A_506 = tpu.vector_load %arg7[%get3A_505] {strides = array<i32>} : memref<768xf32, #tpu.memory_space<vmem>>, vector<16xf32>,
      %get3A_507 = vector.shape_cast %get3A_506 : vector<16xf32> to vector<16xf32>
      %max3A_508 = arith.maximumf %get3A_507, %max3A_501 : vector<16xf32>
      %swap3A = arith.index_cast %mul3A_172 : i32 to index
      %swap3A_509 = tpu.vector_load %arg7[%swap3A] {strides = array<i32>} : memref<768xf32, #tpu.memory_space<vmem>>, vector<16xf32>,
      %swap3A_510 = vector.shape_cast %swap3A_509 : vector<16xf32> to vector<16xf32>
      %swap3A_511 = vector.shape_cast %max3A_508 : vector<16xf32> to vector<16xf32>
      tpu.vector_store %arg7[%swap3A], %swap3A_511 {strides = array<i32>} : memref<768xf32, #tpu.memory_space<vmem>>, vector<16xf32>,
      %get3A_512 = arith.index_cast %mul3A_172 : i32 to index
      %get3A_513 = tpu.vector_load %arg8[%get3A_512] {strides = array<i32>} : memref<768xf32, #tpu.memory_space<vmem>>, vector<16xf32>,
      %get3A_514 = vector.shape_cast %get3A_513 : vector<16xf32> to vector<16xf32>
      %add3A_515 = arith.addf %get3A_514, %add3A_504 : vector<16xf32>
      %swap3A_516 = arith.index_cast %mul3A_172 : i32 to index
      %swap3A_517 = tpu.vector_load %arg8[%swap3A_516] {strides = array<i32>} : memref<768xf32, #tpu.memory_space<vmem>>, vector<16xf32>,
      %swap3A_518 = vector.shape_cast %swap3A_517 : vector<16xf32> to vector<16xf32>
      %swap3A_519 = vector.shape_cast %add3A_515 : vector<16xf32> to vector<16xf32>
      tpu.vector_store %arg8[%swap3A_516], %swap3A_519 {strides = array<i32>} : memref<768xf32, #tpu.memory_space<vmem>>, vector<16xf32>,
    }
    %scan3A_67 = arith.constant 48 : i32
    %add3A_68 = arith.constant 48 : i32
    %add3A_69 = arith.addi %mul3A_34, %add3A_68 : i32
    %dma_wait3A_70 = arith.constant 0 : i32
    %dma_wait3A_71 = tpu.memref_slice %arg2[%add3A_32, %add3A_69, %dma_wait3A_70] : memref<64x576x768xf32, #tpu.memory_space<hbm>> -> memref<1x48x768xf32, #tpu.memory_space<hbm>>
    %dma_wait3A_72 = tpu.memref_squeeze %dma_wait3A_71 : memref<1x48x768xf32, #tpu.memory_space<hbm>> -> memref<48x768xf32, #tpu.memory_space<hbm>>
    %dma_wait3A_73 = arith.constant 0 : i32
    %dma_wait3A_74 = tpu.memref_slice %arg2[%add3A_32, %add3A_69, %dma_wait3A_73] : memref<64x576x768xf32, #tpu.memory_space<hbm>> -> memref<1x48x768xf32, #tpu.memory_space<hbm>>
    %dma_wait3A_75 = tpu.memref_squeeze %dma_wait3A_74 : memref<1x48x768xf32, #tpu.memory_space<hbm>> -> memref<48x768xf32, #tpu.memory_space<hbm>>
    tpu.wait_dma2 semaphore(%arg10 : memref<!tpu.dma_semaphore, #tpu.memory_space<semaphore_mem>>) src(%dma_wait3A_75 : memref<48x768xf32, #tpu.memory_space<hbm>>) dst(%arg6 : memref<48x768xf32, #tpu.memory_space<vmem>>)
    %add3A_76 = arith.constant 96 : i32
    %add3A_77 = arith.addi %mul3A_34, %add3A_76 : i32
    %dma_start3A_78 = arith.constant 0 : i32
    %dma_start3A_79 = tpu.memref_slice %arg2[%add3A_32, %add3A_77, %dma_start3A_78] : memref<64x576x768xf32, #tpu.memory_space<hbm>> -> memref<1x48x768xf32, #tpu.memory_space<hbm>>
    %dma_start3A_80 = tpu.memref_squeeze %dma_start3A_79 : memref<1x48x768xf32, #tpu.memory_space<hbm>> -> memref<48x768xf32, #tpu.memory_space<hbm>>
    %dma_start3A_81 = arith.constant 0 : i32
    %dma_start3A_82 = tpu.memref_slice %arg2[%add3A_32, %add3A_77, %dma_start3A_81] : memref<64x576x768xf32, #tpu.memory_space<hbm>> -> memref<1x48x768xf32, #tpu.memory_space<hbm>>
    %dma_start3A_83 = tpu.memref_squeeze %dma_start3A_82 : memref<1x48x768xf32, #tpu.memory_space<hbm>> -> memref<48x768xf32, #tpu.memory_space<hbm>>
    tpu.enqueue_dma source(%dma_start3A_83 : memref<48x768xf32, #tpu.memory_space<hbm>>) target(%arg5 : memref<48x768xf32, #tpu.memory_space<vmem>>) target_semaphore(%arg9 : memref<!tpu.dma_semaphore, #tpu.memory_space<semaphore_mem>>)
    %scan3A_84 = arith.constant 0 : i32
    %scan3A_85 = arith.constant 0 : i32
    %scan3A_86 = arith.constant 48 : i32
    %scan3A_87 = arith.addi %scan3A_85, %scan3A_86 : i32
    %scan3A_88 = arith.constant 1 : i32
    scf.for %scan3A_170 = %scan3A_85 to %scan3A_87 step %scan3A_88  : i32 {
      %mul3A_171 = arith.constant 16 : i32
      %mul3A_172 = arith.muli %scan3A_170, %mul3A_171 : i32
      %get3A = arith.constant 0 : i32
      %get3A_173 = arith.index_cast %get3A : i32 to index
      %get3A_174 = arith.index_cast %mul3A_172 : i32 to index
      %get3A_175 = tpu.vector_load %arg6[%get3A_173, %get3A_174] {strides = array<i32>} : memref<48x768xf32, #tpu.memory_space<vmem>>, vector<1x16xf32>,
      %get3A_176 = vector.shape_cast %get3A_175 : vector<1x16xf32> to vector<16xf32>
      %get3A_177 = arith.constant 1 : i32
      %get3A_178 = arith.index_cast %get3A_177 : i32 to index
      %get3A_179 = arith.index_cast %mul3A_172 : i32 to index
      %get3A_180 = tpu.vector_load %arg6[%get3A_178, %get3A_179] {strides = array<i32>} : memref<48x768xf32, #tpu.memory_space<vmem>>, vector<1x16xf32>,
      %get3A_181 = vector.shape_cast %get3A_180 : vector<1x16xf32> to vector<16xf32>
      %get3A_182 = arith.constant 2 : i32
      %get3A_183 = arith.index_cast %get3A_182 : i32 to index
      %get3A_184 = arith.index_cast %mul3A_172 : i32 to index
      %get3A_185 = tpu.vector_load %arg6[%get3A_183, %get3A_184] {strides = array<i32>} : memref<48x768xf32, #tpu.memory_space<vmem>>, vector<1x16xf32>,
      %get3A_186 = vector.shape_cast %get3A_185 : vector<1x16xf32> to vector<16xf32>
      %get3A_187 = arith.constant 3 : i32
      %get3A_188 = arith.index_cast %get3A_187 : i32 to index
      %get3A_189 = arith.index_cast %mul3A_172 : i32 to index
      %get3A_190 = tpu.vector_load %arg6[%get3A_188, %get3A_189] {strides = array<i32>} : memref<48x768xf32, #tpu.memory_space<vmem>>, vector<1x16xf32>,
      %get3A_191 = vector.shape_cast %get3A_190 : vector<1x16xf32> to vector<16xf32>
      %get3A_192 = arith.constant 4 : i32
      %get3A_193 = arith.index_cast %get3A_192 : i32 to index
      %get3A_194 = arith.index_cast %mul3A_172 : i32 to index
      %get3A_195 = tpu.vector_load %arg6[%get3A_193, %get3A_194] {strides = array<i32>} : memref<48x768xf32, #tpu.memory_space<vmem>>, vector<1x16xf32>,
      %get3A_196 = vector.shape_cast %get3A_195 : vector<1x16xf32> to vector<16xf32>
      %get3A_197 = arith.constant 5 : i32
      %get3A_198 = arith.index_cast %get3A_197 : i32 to index
      %get3A_199 = arith.index_cast %mul3A_172 : i32 to index
      %get3A_200 = tpu.vector_load %arg6[%get3A_198, %get3A_199] {strides = array<i32>} : memref<48x768xf32, #tpu.memory_space<vmem>>, vector<1x16xf32>,
      %get3A_201 = vector.shape_cast %get3A_200 : vector<1x16xf32> to vector<16xf32>
      %get3A_202 = arith.constant 6 : i32
      %get3A_203 = arith.index_cast %get3A_202 : i32 to index
      %get3A_204 = arith.index_cast %mul3A_172 : i32 to index
      %get3A_205 = tpu.vector_load %arg6[%get3A_203, %get3A_204] {strides = array<i32>} : memref<48x768xf32, #tpu.memory_space<vmem>>, vector<1x16xf32>,
      %get3A_206 = vector.shape_cast %get3A_205 : vector<1x16xf32> to vector<16xf32>
      %get3A_207 = arith.constant 7 : i32
      %get3A_208 = arith.index_cast %get3A_207 : i32 to index
      %get3A_209 = arith.index_cast %mul3A_172 : i32 to index
      %get3A_210 = tpu.vector_load %arg6[%get3A_208, %get3A_209] {strides = array<i32>} : memref<48x768xf32, #tpu.memory_space<vmem>>, vector<1x16xf32>,
      %get3A_211 = vector.shape_cast %get3A_210 : vector<1x16xf32> to vector<16xf32>
      %max3A = arith.maximumf %get3A_176, %get3A_196 : vector<16xf32>
      %max3A_212 = arith.maximumf %get3A_181, %get3A_201 : vector<16xf32>
      %max3A_213 = arith.maximumf %get3A_186, %get3A_206 : vector<16xf32>
      %max3A_214 = arith.maximumf %get3A_191, %get3A_211 : vector<16xf32>
      %add3A_215 = arith.addf %get3A_176, %get3A_196 : vector<16xf32>
      %add3A_216 = arith.addf %get3A_181, %get3A_201 : vector<16xf32>
      %add3A_217 = arith.addf %get3A_186, %get3A_206 : vector<16xf32>
      %add3A_218 = arith.addf %get3A_191, %get3A_211 : vector<16xf32>
      %get3A_219 = arith.constant 8 : i32
      %get3A_220 = arith.index_cast %get3A_219 : i32 to index
      %get3A_221 = arith.index_cast %mul3A_172 : i32 to index
      %get3A_222 = tpu.vector_load %arg6[%get3A_220, %get3A_221] {strides = array<i32>} : memref<48x768xf32, #tpu.memory_space<vmem>>, vector<1x16xf32>,
      %get3A_223 = vector.shape_cast %get3A_222 : vector<1x16xf32> to vector<16xf32>
      %get3A_224 = arith.constant 9 : i32
      %get3A_225 = arith.index_cast %get3A_224 : i32 to index
      %get3A_226 = arith.index_cast %mul3A_172 : i32 to index
      %get3A_227 = tpu.vector_load %arg6[%get3A_225, %get3A_226] {strides = array<i32>} : memref<48x768xf32, #tpu.memory_space<vmem>>, vector<1x16xf32>,
      %get3A_228 = vector.shape_cast %get3A_227 : vector<1x16xf32> to vector<16xf32>
      %get3A_229 = arith.constant 10 : i32
      %get3A_230 = arith.index_cast %get3A_229 : i32 to index
      %get3A_231 = arith.index_cast %mul3A_172 : i32 to index
      %get3A_232 = tpu.vector_load %arg6[%get3A_230, %get3A_231] {strides = array<i32>} : memref<48x768xf32, #tpu.memory_space<vmem>>, vector<1x16xf32>,
      %get3A_233 = vector.shape_cast %get3A_232 : vector<1x16xf32> to vector<16xf32>
      %get3A_234 = arith.constant 11 : i32
      %get3A_235 = arith.index_cast %get3A_234 : i32 to index
      %get3A_236 = arith.index_cast %mul3A_172 : i32 to index
      %get3A_237 = tpu.vector_load %arg6[%get3A_235, %get3A_236] {strides = array<i32>} : memref<48x768xf32, #tpu.memory_space<vmem>>, vector<1x16xf32>,
      %get3A_238 = vector.shape_cast %get3A_237 : vector<1x16xf32> to vector<16xf32>
      %max3A_239 = arith.maximumf %max3A, %get3A_223 : vector<16xf32>
      %max3A_240 = arith.maximumf %max3A_212, %get3A_228 : vector<16xf32>
      %max3A_241 = arith.maximumf %max3A_213, %get3A_233 : vector<16xf32>
      %max3A_242 = arith.maximumf %max3A_214, %get3A_238 : vector<16xf32>
      %add3A_243 = arith.addf %add3A_215, %get3A_223 : vector<16xf32>
      %add3A_244 = arith.addf %add3A_216, %get3A_228 : vector<16xf32>
      %add3A_245 = arith.addf %add3A_217, %get3A_233 : vector<16xf32>
      %add3A_246 = arith.addf %add3A_218, %get3A_238 : vector<16xf32>
      %get3A_247 = arith.constant 12 : i32
      %get3A_248 = arith.index_cast %get3A_247 : i32 to index
      %get3A_249 = arith.index_cast %mul3A_172 : i32 to index
      %get3A_250 = tpu.vector_load %arg6[%get3A_248, %get3A_249] {strides = array<i32>} : memref<48x768xf32, #tpu.memory_space<vmem>>, vector<1x16xf32>,
      %get3A_251 = vector.shape_cast %get3A_250 : vector<1x16xf32> to vector<16xf32>
      %get3A_252 = arith.constant 13 : i32
      %get3A_253 = arith.index_cast %get3A_252 : i32 to index
      %get3A_254 = arith.index_cast %mul3A_172 : i32 to index
      %get3A_255 = tpu.vector_load %arg6[%get3A_253, %get3A_254] {strides = array<i32>} : memref<48x768xf32, #tpu.memory_space<vmem>>, vector<1x16xf32>,
      %get3A_256 = vector.shape_cast %get3A_255 : vector<1x16xf32> to vector<16xf32>
      %get3A_257 = arith.constant 14 : i32
      %get3A_258 = arith.index_cast %get3A_257 : i32 to index
      %get3A_259 = arith.index_cast %mul3A_172 : i32 to index
      %get3A_260 = tpu.vector_load %arg6[%get3A_258, %get3A_259] {strides = array<i32>} : memref<48x768xf32, #tpu.memory_space<vmem>>, vector<1x16xf32>,
      %get3A_261 = vector.shape_cast %get3A_260 : vector<1x16xf32> to vector<16xf32>
      %get3A_262 = arith.constant 15 : i32
      %get3A_263 = arith.index_cast %get3A_262 : i32 to index
      %get3A_264 = arith.index_cast %mul3A_172 : i32 to index
      %get3A_265 = tpu.vector_load %arg6[%get3A_263, %get3A_264] {strides = array<i32>} : memref<48x768xf32, #tpu.memory_space<vmem>>, vector<1x16xf32>,
      %get3A_266 = vector.shape_cast %get3A_265 : vector<1x16xf32> to vector<16xf32>
      %max3A_267 = arith.maximumf %max3A_239, %get3A_251 : vector<16xf32>
      %max3A_268 = arith.maximumf %max3A_240, %get3A_256 : vector<16xf32>
      %max3A_269 = arith.maximumf %max3A_241, %get3A_261 : vector<16xf32>
      %max3A_270 = arith.maximumf %max3A_242, %get3A_266 : vector<16xf32>
      %add3A_271 = arith.addf %add3A_243, %get3A_251 : vector<16xf32>
      %add3A_272 = arith.addf %add3A_244, %get3A_256 : vector<16xf32>
      %add3A_273 = arith.addf %add3A_245, %get3A_261 : vector<16xf32>
      %add3A_274 = arith.addf %add3A_246, %get3A_266 : vector<16xf32>
      %get3A_275 = arith.constant 16 : i32
      %get3A_276 = arith.index_cast %get3A_275 : i32 to index
      %get3A_277 = arith.index_cast %mul3A_172 : i32 to index
      %get3A_278 = tpu.vector_load %arg6[%get3A_276, %get3A_277] {strides = array<i32>} : memref<48x768xf32, #tpu.memory_space<vmem>>, vector<1x16xf32>,
      %get3A_279 = vector.shape_cast %get3A_278 : vector<1x16xf32> to vector<16xf32>
      %get3A_280 = arith.constant 17 : i32
      %get3A_281 = arith.index_cast %get3A_280 : i32 to index
      %get3A_282 = arith.index_cast %mul3A_172 : i32 to index
      %get3A_283 = tpu.vector_load %arg6[%get3A_281, %get3A_282] {strides = array<i32>} : memref<48x768xf32, #tpu.memory_space<vmem>>, vector<1x16xf32>,
      %get3A_284 = vector.shape_cast %get3A_283 : vector<1x16xf32> to vector<16xf32>
      %get3A_285 = arith.constant 18 : i32
      %get3A_286 = arith.index_cast %get3A_285 : i32 to index
      %get3A_287 = arith.index_cast %mul3A_172 : i32 to index
      %get3A_288 = tpu.vector_load %arg6[%get3A_286, %get3A_287] {strides = array<i32>} : memref<48x768xf32, #tpu.memory_space<vmem>>, vector<1x16xf32>,
      %get3A_289 = vector.shape_cast %get3A_288 : vector<1x16xf32> to vector<16xf32>
      %get3A_290 = arith.constant 19 : i32
      %get3A_291 = arith.index_cast %get3A_290 : i32 to index
      %get3A_292 = arith.index_cast %mul3A_172 : i32 to index
      %get3A_293 = tpu.vector_load %arg6[%get3A_291, %get3A_292] {strides = array<i32>} : memref<48x768xf32, #tpu.memory_space<vmem>>, vector<1x16xf32>,
      %get3A_294 = vector.shape_cast %get3A_293 : vector<1x16xf32> to vector<16xf32>
      %max3A_295 = arith.maximumf %max3A_267, %get3A_279 : vector<16xf32>
      %max3A_296 = arith.maximumf %max3A_268, %get3A_284 : vector<16xf32>
      %max3A_297 = arith.maximumf %max3A_269, %get3A_289 : vector<16xf32>
      %max3A_298 = arith.maximumf %max3A_270, %get3A_294 : vector<16xf32>
      %add3A_299 = arith.addf %add3A_271, %get3A_279 : vector<16xf32>
      %add3A_300 = arith.addf %add3A_272, %get3A_284 : vector<16xf32>
      %add3A_301 = arith.addf %add3A_273, %get3A_289 : vector<16xf32>
      %add3A_302 = arith.addf %add3A_274, %get3A_294 : vector<16xf32>
      %get3A_303 = arith.constant 20 : i32
      %get3A_304 = arith.index_cast %get3A_303 : i32 to index
      %get3A_305 = arith.index_cast %mul3A_172 : i32 to index
      %get3A_306 = tpu.vector_load %arg6[%get3A_304, %get3A_305] {strides = array<i32>} : memref<48x768xf32, #tpu.memory_space<vmem>>, vector<1x16xf32>,
      %get3A_307 = vector.shape_cast %get3A_306 : vector<1x16xf32> to vector<16xf32>
      %get3A_308 = arith.constant 21 : i32
      %get3A_309 = arith.index_cast %get3A_308 : i32 to index
      %get3A_310 = arith.index_cast %mul3A_172 : i32 to index
      %get3A_311 = tpu.vector_load %arg6[%get3A_309, %get3A_310] {strides = array<i32>} : memref<48x768xf32, #tpu.memory_space<vmem>>, vector<1x16xf32>,
      %get3A_312 = vector.shape_cast %get3A_311 : vector<1x16xf32> to vector<16xf32>
      %get3A_313 = arith.constant 22 : i32
      %get3A_314 = arith.index_cast %get3A_313 : i32 to index
      %get3A_315 = arith.index_cast %mul3A_172 : i32 to index
      %get3A_316 = tpu.vector_load %arg6[%get3A_314, %get3A_315] {strides = array<i32>} : memref<48x768xf32, #tpu.memory_space<vmem>>, vector<1x16xf32>,
      %get3A_317 = vector.shape_cast %get3A_316 : vector<1x16xf32> to vector<16xf32>
      %get3A_318 = arith.constant 23 : i32
      %get3A_319 = arith.index_cast %get3A_318 : i32 to index
      %get3A_320 = arith.index_cast %mul3A_172 : i32 to index
      %get3A_321 = tpu.vector_load %arg6[%get3A_319, %get3A_320] {strides = array<i32>} : memref<48x768xf32, #tpu.memory_space<vmem>>, vector<1x16xf32>,
      %get3A_322 = vector.shape_cast %get3A_321 : vector<1x16xf32> to vector<16xf32>
      %max3A_323 = arith.maximumf %max3A_295, %get3A_307 : vector<16xf32>
      %max3A_324 = arith.maximumf %max3A_296, %get3A_312 : vector<16xf32>
      %max3A_325 = arith.maximumf %max3A_297, %get3A_317 : vector<16xf32>
      %max3A_326 = arith.maximumf %max3A_298, %get3A_322 : vector<16xf32>
      %add3A_327 = arith.addf %add3A_299, %get3A_307 : vector<16xf32>
      %add3A_328 = arith.addf %add3A_300, %get3A_312 : vector<16xf32>
      %add3A_329 = arith.addf %add3A_301, %get3A_317 : vector<16xf32>
      %add3A_330 = arith.addf %add3A_302, %get3A_322 : vector<16xf32>
      %get3A_331 = arith.constant 24 : i32
      %get3A_332 = arith.index_cast %get3A_331 : i32 to index
      %get3A_333 = arith.index_cast %mul3A_172 : i32 to index
      %get3A_334 = tpu.vector_load %arg6[%get3A_332, %get3A_333] {strides = array<i32>} : memref<48x768xf32, #tpu.memory_space<vmem>>, vector<1x16xf32>,
      %get3A_335 = vector.shape_cast %get3A_334 : vector<1x16xf32> to vector<16xf32>
      %get3A_336 = arith.constant 25 : i32
      %get3A_337 = arith.index_cast %get3A_336 : i32 to index
      %get3A_338 = arith.index_cast %mul3A_172 : i32 to index
      %get3A_339 = tpu.vector_load %arg6[%get3A_337, %get3A_338] {strides = array<i32>} : memref<48x768xf32, #tpu.memory_space<vmem>>, vector<1x16xf32>,
      %get3A_340 = vector.shape_cast %get3A_339 : vector<1x16xf32> to vector<16xf32>
      %get3A_341 = arith.constant 26 : i32
      %get3A_342 = arith.index_cast %get3A_341 : i32 to index
      %get3A_343 = arith.index_cast %mul3A_172 : i32 to index
      %get3A_344 = tpu.vector_load %arg6[%get3A_342, %get3A_343] {strides = array<i32>} : memref<48x768xf32, #tpu.memory_space<vmem>>, vector<1x16xf32>,
      %get3A_345 = vector.shape_cast %get3A_344 : vector<1x16xf32> to vector<16xf32>
      %get3A_346 = arith.constant 27 : i32
      %get3A_347 = arith.index_cast %get3A_346 : i32 to index
      %get3A_348 = arith.index_cast %mul3A_172 : i32 to index
      %get3A_349 = tpu.vector_load %arg6[%get3A_347, %get3A_348] {strides = array<i32>} : memref<48x768xf32, #tpu.memory_space<vmem>>, vector<1x16xf32>,
      %get3A_350 = vector.shape_cast %get3A_349 : vector<1x16xf32> to vector<16xf32>
      %max3A_351 = arith.maximumf %max3A_323, %get3A_335 : vector<16xf32>
      %max3A_352 = arith.maximumf %max3A_324, %get3A_340 : vector<16xf32>
      %max3A_353 = arith.maximumf %max3A_325, %get3A_345 : vector<16xf32>
      %max3A_354 = arith.maximumf %max3A_326, %get3A_350 : vector<16xf32>
      %add3A_355 = arith.addf %add3A_327, %get3A_335 : vector<16xf32>
      %add3A_356 = arith.addf %add3A_328, %get3A_340 : vector<16xf32>
      %add3A_357 = arith.addf %add3A_329, %get3A_345 : vector<16xf32>
      %add3A_358 = arith.addf %add3A_330, %get3A_350 : vector<16xf32>
      %get3A_359 = arith.constant 28 : i32
      %get3A_360 = arith.index_cast %get3A_359 : i32 to index
      %get3A_361 = arith.index_cast %mul3A_172 : i32 to index
      %get3A_362 = tpu.vector_load %arg6[%get3A_360, %get3A_361] {strides = array<i32>} : memref<48x768xf32, #tpu.memory_space<vmem>>, vector<1x16xf32>,
      %get3A_363 = vector.shape_cast %get3A_362 : vector<1x16xf32> to vector<16xf32>
      %get3A_364 = arith.constant 29 : i32
      %get3A_365 = arith.index_cast %get3A_364 : i32 to index
      %get3A_366 = arith.index_cast %mul3A_172 : i32 to index
      %get3A_367 = tpu.vector_load %arg6[%get3A_365, %get3A_366] {strides = array<i32>} : memref<48x768xf32, #tpu.memory_space<vmem>>, vector<1x16xf32>,
      %get3A_368 = vector.shape_cast %get3A_367 : vector<1x16xf32> to vector<16xf32>
      %get3A_369 = arith.constant 30 : i32
      %get3A_370 = arith.index_cast %get3A_369 : i32 to index
      %get3A_371 = arith.index_cast %mul3A_172 : i32 to index
      %get3A_372 = tpu.vector_load %arg6[%get3A_370, %get3A_371] {strides = array<i32>} : memref<48x768xf32, #tpu.memory_space<vmem>>, vector<1x16xf32>,
      %get3A_373 = vector.shape_cast %get3A_372 : vector<1x16xf32> to vector<16xf32>
      %get3A_374 = arith.constant 31 : i32
      %get3A_375 = arith.index_cast %get3A_374 : i32 to index
      %get3A_376 = arith.index_cast %mul3A_172 : i32 to index
      %get3A_377 = tpu.vector_load %arg6[%get3A_375, %get3A_376] {strides = array<i32>} : memref<48x768xf32, #tpu.memory_space<vmem>>, vector<1x16xf32>,
      %get3A_378 = vector.shape_cast %get3A_377 : vector<1x16xf32> to vector<16xf32>
      %max3A_379 = arith.maximumf %max3A_351, %get3A_363 : vector<16xf32>
      %max3A_380 = arith.maximumf %max3A_352, %get3A_368 : vector<16xf32>
      %max3A_381 = arith.maximumf %max3A_353, %get3A_373 : vector<16xf32>
      %max3A_382 = arith.maximumf %max3A_354, %get3A_378 : vector<16xf32>
      %add3A_383 = arith.addf %add3A_355, %get3A_363 : vector<16xf32>
      %add3A_384 = arith.addf %add3A_356, %get3A_368 : vector<16xf32>
      %add3A_385 = arith.addf %add3A_357, %get3A_373 : vector<16xf32>
      %add3A_386 = arith.addf %add3A_358, %get3A_378 : vector<16xf32>
      %get3A_387 = arith.constant 32 : i32
      %get3A_388 = arith.index_cast %get3A_387 : i32 to index
      %get3A_389 = arith.index_cast %mul3A_172 : i32 to index
      %get3A_390 = tpu.vector_load %arg6[%get3A_388, %get3A_389] {strides = array<i32>} : memref<48x768xf32, #tpu.memory_space<vmem>>, vector<1x16xf32>,
      %get3A_391 = vector.shape_cast %get3A_390 : vector<1x16xf32> to vector<16xf32>
      %get3A_392 = arith.constant 33 : i32
      %get3A_393 = arith.index_cast %get3A_392 : i32 to index
      %get3A_394 = arith.index_cast %mul3A_172 : i32 to index
      %get3A_395 = tpu.vector_load %arg6[%get3A_393, %get3A_394] {strides = array<i32>} : memref<48x768xf32, #tpu.memory_space<vmem>>, vector<1x16xf32>,
      %get3A_396 = vector.shape_cast %get3A_395 : vector<1x16xf32> to vector<16xf32>
      %get3A_397 = arith.constant 34 : i32
      %get3A_398 = arith.index_cast %get3A_397 : i32 to index
      %get3A_399 = arith.index_cast %mul3A_172 : i32 to index
      %get3A_400 = tpu.vector_load %arg6[%get3A_398, %get3A_399] {strides = array<i32>} : memref<48x768xf32, #tpu.memory_space<vmem>>, vector<1x16xf32>,
      %get3A_401 = vector.shape_cast %get3A_400 : vector<1x16xf32> to vector<16xf32>
      %get3A_402 = arith.constant 35 : i32
      %get3A_403 = arith.index_cast %get3A_402 : i32 to index
      %get3A_404 = arith.index_cast %mul3A_172 : i32 to index
      %get3A_405 = tpu.vector_load %arg6[%get3A_403, %get3A_404] {strides = array<i32>} : memref<48x768xf32, #tpu.memory_space<vmem>>, vector<1x16xf32>,
      %get3A_406 = vector.shape_cast %get3A_405 : vector<1x16xf32> to vector<16xf32>
      %max3A_407 = arith.maximumf %max3A_379, %get3A_391 : vector<16xf32>
      %max3A_408 = arith.maximumf %max3A_380, %get3A_396 : vector<16xf32>
      %max3A_409 = arith.maximumf %max3A_381, %get3A_401 : vector<16xf32>
      %max3A_410 = arith.maximumf %max3A_382, %get3A_406 : vector<16xf32>
      %add3A_411 = arith.addf %add3A_383, %get3A_391 : vector<16xf32>
      %add3A_412 = arith.addf %add3A_384, %get3A_396 : vector<16xf32>
      %add3A_413 = arith.addf %add3A_385, %get3A_401 : vector<16xf32>
      %add3A_414 = arith.addf %add3A_386, %get3A_406 : vector<16xf32>
      %get3A_415 = arith.constant 36 : i32
      %get3A_416 = arith.index_cast %get3A_415 : i32 to index
      %get3A_417 = arith.index_cast %mul3A_172 : i32 to index
      %get3A_418 = tpu.vector_load %arg6[%get3A_416, %get3A_417] {strides = array<i32>} : memref<48x768xf32, #tpu.memory_space<vmem>>, vector<1x16xf32>,
      %get3A_419 = vector.shape_cast %get3A_418 : vector<1x16xf32> to vector<16xf32>
      %get3A_420 = arith.constant 37 : i32
      %get3A_421 = arith.index_cast %get3A_420 : i32 to index
      %get3A_422 = arith.index_cast %mul3A_172 : i32 to index
      %get3A_423 = tpu.vector_load %arg6[%get3A_421, %get3A_422] {strides = array<i32>} : memref<48x768xf32, #tpu.memory_space<vmem>>, vector<1x16xf32>,
      %get3A_424 = vector.shape_cast %get3A_423 : vector<1x16xf32> to vector<16xf32>
      %get3A_425 = arith.constant 38 : i32
      %get3A_426 = arith.index_cast %get3A_425 : i32 to index
      %get3A_427 = arith.index_cast %mul3A_172 : i32 to index
      %get3A_428 = tpu.vector_load %arg6[%get3A_426, %get3A_427] {strides = array<i32>} : memref<48x768xf32, #tpu.memory_space<vmem>>, vector<1x16xf32>,
      %get3A_429 = vector.shape_cast %get3A_428 : vector<1x16xf32> to vector<16xf32>
      %get3A_430 = arith.constant 39 : i32
      %get3A_431 = arith.index_cast %get3A_430 : i32 to index
      %get3A_432 = arith.index_cast %mul3A_172 : i32 to index
      %get3A_433 = tpu.vector_load %arg6[%get3A_431, %get3A_432] {strides = array<i32>} : memref<48x768xf32, #tpu.memory_space<vmem>>, vector<1x16xf32>,
      %get3A_434 = vector.shape_cast %get3A_433 : vector<1x16xf32> to vector<16xf32>
      %max3A_435 = arith.maximumf %max3A_407, %get3A_419 : vector<16xf32>
      %max3A_436 = arith.maximumf %max3A_408, %get3A_424 : vector<16xf32>
      %max3A_437 = arith.maximumf %max3A_409, %get3A_429 : vector<16xf32>
      %max3A_438 = arith.maximumf %max3A_410, %get3A_434 : vector<16xf32>
      %add3A_439 = arith.addf %add3A_411, %get3A_419 : vector<16xf32>
      %add3A_440 = arith.addf %add3A_412, %get3A_424 : vector<16xf32>
      %add3A_441 = arith.addf %add3A_413, %get3A_429 : vector<16xf32>
      %add3A_442 = arith.addf %add3A_414, %get3A_434 : vector<16xf32>
      %get3A_443 = arith.constant 40 : i32
      %get3A_444 = arith.index_cast %get3A_443 : i32 to index
      %get3A_445 = arith.index_cast %mul3A_172 : i32 to index
      %get3A_446 = tpu.vector_load %arg6[%get3A_444, %get3A_445] {strides = array<i32>} : memref<48x768xf32, #tpu.memory_space<vmem>>, vector<1x16xf32>,
      %get3A_447 = vector.shape_cast %get3A_446 : vector<1x16xf32> to vector<16xf32>
      %get3A_448 = arith.constant 41 : i32
      %get3A_449 = arith.index_cast %get3A_448 : i32 to index
      %get3A_450 = arith.index_cast %mul3A_172 : i32 to index
      %get3A_451 = tpu.vector_load %arg6[%get3A_449, %get3A_450] {strides = array<i32>} : memref<48x768xf32, #tpu.memory_space<vmem>>, vector<1x16xf32>,
      %get3A_452 = vector.shape_cast %get3A_451 : vector<1x16xf32> to vector<16xf32>
      %get3A_453 = arith.constant 42 : i32
      %get3A_454 = arith.index_cast %get3A_453 : i32 to index
      %get3A_455 = arith.index_cast %mul3A_172 : i32 to index
      %get3A_456 = tpu.vector_load %arg6[%get3A_454, %get3A_455] {strides = array<i32>} : memref<48x768xf32, #tpu.memory_space<vmem>>, vector<1x16xf32>,
      %get3A_457 = vector.shape_cast %get3A_456 : vector<1x16xf32> to vector<16xf32>
      %get3A_458 = arith.constant 43 : i32
      %get3A_459 = arith.index_cast %get3A_458 : i32 to index
      %get3A_460 = arith.index_cast %mul3A_172 : i32 to index
      %get3A_461 = tpu.vector_load %arg6[%get3A_459, %get3A_460] {strides = array<i32>} : memref<48x768xf32, #tpu.memory_space<vmem>>, vector<1x16xf32>,
      %get3A_462 = vector.shape_cast %get3A_461 : vector<1x16xf32> to vector<16xf32>
      %max3A_463 = arith.maximumf %max3A_435, %get3A_447 : vector<16xf32>
      %max3A_464 = arith.maximumf %max3A_436, %get3A_452 : vector<16xf32>
      %max3A_465 = arith.maximumf %max3A_437, %get3A_457 : vector<16xf32>
      %max3A_466 = arith.maximumf %max3A_438, %get3A_462 : vector<16xf32>
      %add3A_467 = arith.addf %add3A_439, %get3A_447 : vector<16xf32>
      %add3A_468 = arith.addf %add3A_440, %get3A_452 : vector<16xf32>
      %add3A_469 = arith.addf %add3A_441, %get3A_457 : vector<16xf32>
      %add3A_470 = arith.addf %add3A_442, %get3A_462 : vector<16xf32>
      %get3A_471 = arith.constant 44 : i32
      %get3A_472 = arith.index_cast %get3A_471 : i32 to index
      %get3A_473 = arith.index_cast %mul3A_172 : i32 to index
      %get3A_474 = tpu.vector_load %arg6[%get3A_472, %get3A_473] {strides = array<i32>} : memref<48x768xf32, #tpu.memory_space<vmem>>, vector<1x16xf32>,
      %get3A_475 = vector.shape_cast %get3A_474 : vector<1x16xf32> to vector<16xf32>
      %get3A_476 = arith.constant 45 : i32
      %get3A_477 = arith.index_cast %get3A_476 : i32 to index
      %get3A_478 = arith.index_cast %mul3A_172 : i32 to index
      %get3A_479 = tpu.vector_load %arg6[%get3A_477, %get3A_478] {strides = array<i32>} : memref<48x768xf32, #tpu.memory_space<vmem>>, vector<1x16xf32>,
      %get3A_480 = vector.shape_cast %get3A_479 : vector<1x16xf32> to vector<16xf32>
      %get3A_481 = arith.constant 46 : i32
      %get3A_482 = arith.index_cast %get3A_481 : i32 to index
      %get3A_483 = arith.index_cast %mul3A_172 : i32 to index
      %get3A_484 = tpu.vector_load %arg6[%get3A_482, %get3A_483] {strides = array<i32>} : memref<48x768xf32, #tpu.memory_space<vmem>>, vector<1x16xf32>,
      %get3A_485 = vector.shape_cast %get3A_484 : vector<1x16xf32> to vector<16xf32>
      %get3A_486 = arith.constant 47 : i32
      %get3A_487 = arith.index_cast %get3A_486 : i32 to index
      %get3A_488 = arith.index_cast %mul3A_172 : i32 to index
      %get3A_489 = tpu.vector_load %arg6[%get3A_487, %get3A_488] {strides = array<i32>} : memref<48x768xf32, #tpu.memory_space<vmem>>, vector<1x16xf32>,
      %get3A_490 = vector.shape_cast %get3A_489 : vector<1x16xf32> to vector<16xf32>
      %max3A_491 = arith.maximumf %max3A_463, %get3A_475 : vector<16xf32>
      %max3A_492 = arith.maximumf %max3A_464, %get3A_480 : vector<16xf32>
      %max3A_493 = arith.maximumf %max3A_465, %get3A_485 : vector<16xf32>
      %max3A_494 = arith.maximumf %max3A_466, %get3A_490 : vector<16xf32>
      %add3A_495 = arith.addf %add3A_467, %get3A_475 : vector<16xf32>
      %add3A_496 = arith.addf %add3A_468, %get3A_480 : vector<16xf32>
      %add3A_497 = arith.addf %add3A_469, %get3A_485 : vector<16xf32>
      %add3A_498 = arith.addf %add3A_470, %get3A_490 : vector<16xf32>
      %max3A_499 = arith.maximumf %max3A_491, %max3A_492 : vector<16xf32>
      %max3A_500 = arith.maximumf %max3A_493, %max3A_494 : vector<16xf32>
      %max3A_501 = arith.maximumf %max3A_499, %max3A_500 : vector<16xf32>
      %add3A_502 = arith.addf %add3A_495, %add3A_496 : vector<16xf32>
      %add3A_503 = arith.addf %add3A_497, %add3A_498 : vector<16xf32>
      %add3A_504 = arith.addf %add3A_502, %add3A_503 : vector<16xf32>
      %get3A_505 = arith.index_cast %mul3A_172 : i32 to index
      %get3A_506 = tpu.vector_load %arg7[%get3A_505] {strides = array<i32>} : memref<768xf32, #tpu.memory_space<vmem>>, vector<16xf32>,
      %get3A_507 = vector.shape_cast %get3A_506 : vector<16xf32> to vector<16xf32>
      %max3A_508 = arith.maximumf %get3A_507, %max3A_501 : vector<16xf32>
      %swap3A = arith.index_cast %mul3A_172 : i32 to index
      %swap3A_509 = tpu.vector_load %arg7[%swap3A] {strides = array<i32>} : memref<768xf32, #tpu.memory_space<vmem>>, vector<16xf32>,
      %swap3A_510 = vector.shape_cast %swap3A_509 : vector<16xf32> to vector<16xf32>
      %swap3A_511 = vector.shape_cast %max3A_508 : vector<16xf32> to vector<16xf32>
      tpu.vector_store %arg7[%swap3A], %swap3A_511 {strides = array<i32>} : memref<768xf32, #tpu.memory_space<vmem>>, vector<16xf32>,
      %get3A_512 = arith.index_cast %mul3A_172 : i32 to index
      %get3A_513 = tpu.vector_load %arg8[%get3A_512] {strides = array<i32>} : memref<768xf32, #tpu.memory_space<vmem>>, vector<16xf32>,
      %get3A_514 = vector.shape_cast %get3A_513 : vector<16xf32> to vector<16xf32>
      %add3A_515 = arith.addf %get3A_514, %add3A_504 : vector<16xf32>
      %swap3A_516 = arith.index_cast %mul3A_172 : i32 to index
      %swap3A_517 = tpu.vector_load %arg8[%swap3A_516] {strides = array<i32>} : memref<768xf32, #tpu.memory_space<vmem>>, vector<16xf32>,
      %swap3A_518 = vector.shape_cast %swap3A_517 : vector<16xf32> to vector<16xf32>
      %swap3A_519 = vector.shape_cast %add3A_515 : vector<16xf32> to vector<16xf32>
      tpu.vector_store %arg8[%swap3A_516], %swap3A_519 {strides = array<i32>} : memref<768xf32, #tpu.memory_space<vmem>>, vector<16xf32>,
    }
    %scan3A_89 = arith.constant 48 : i32
    %add3A_90 = arith.constant 96 : i32
    %add3A_91 = arith.addi %mul3A_34, %add3A_90 : i32
    %dma_wait3A_92 = arith.constant 0 : i32
    %dma_wait3A_93 = tpu.memref_slice %arg2[%add3A_32, %add3A_91, %dma_wait3A_92] : memref<64x576x768xf32, #tpu.memory_space<hbm>> -> memref<1x48x768xf32, #tpu.memory_space<hbm>>
    %dma_wait3A_94 = tpu.memref_squeeze %dma_wait3A_93 : memref<1x48x768xf32, #tpu.memory_space<hbm>> -> memref<48x768xf32, #tpu.memory_space<hbm>>
    %dma_wait3A_95 = arith.constant 0 : i32
    %dma_wait3A_96 = tpu.memref_slice %arg2[%add3A_32, %add3A_91, %dma_wait3A_95] : memref<64x576x768xf32, #tpu.memory_space<hbm>> -> memref<1x48x768xf32, #tpu.memory_space<hbm>>
    %dma_wait3A_97 = tpu.memref_squeeze %dma_wait3A_96 : memref<1x48x768xf32, #tpu.memory_space<hbm>> -> memref<48x768xf32, #tpu.memory_space<hbm>>
    tpu.wait_dma2 semaphore(%arg9 : memref<!tpu.dma_semaphore, #tpu.memory_space<semaphore_mem>>) src(%dma_wait3A_97 : memref<48x768xf32, #tpu.memory_space<hbm>>) dst(%arg5 : memref<48x768xf32, #tpu.memory_space<vmem>>)
    %add3A_98 = arith.constant 144 : i32
    %add3A_99 = arith.addi %mul3A_34, %add3A_98 : i32
    %dma_start3A_100 = arith.constant 0 : i32
    %dma_start3A_101 = tpu.memref_slice %arg2[%add3A_32, %add3A_99, %dma_start3A_100] : memref<64x576x768xf32, #tpu.memory_space<hbm>> -> memref<1x48x768xf32, #tpu.memory_space<hbm>>
    %dma_start3A_102 = tpu.memref_squeeze %dma_start3A_101 : memref<1x48x768xf32, #tpu.memory_space<hbm>> -> memref<48x768xf32, #tpu.memory_space<hbm>>
    %dma_start3A_103 = arith.constant 0 : i32
    %dma_start3A_104 = tpu.memref_slice %arg2[%add3A_32, %add3A_99, %dma_start3A_103] : memref<64x576x768xf32, #tpu.memory_space<hbm>> -> memref<1x48x768xf32, #tpu.memory_space<hbm>>
    %dma_start3A_105 = tpu.memref_squeeze %dma_start3A_104 : memref<1x48x768xf32, #tpu.memory_space<hbm>> -> memref<48x768xf32, #tpu.memory_space<hbm>>
    tpu.enqueue_dma source(%dma_start3A_105 : memref<48x768xf32, #tpu.memory_space<hbm>>) target(%arg6 : memref<48x768xf32, #tpu.memory_space<vmem>>) target_semaphore(%arg10 : memref<!tpu.dma_semaphore, #tpu.memory_space<semaphore_mem>>)
    %scan3A_106 = arith.constant 0 : i32
    %scan3A_107 = arith.constant 0 : i32
    %scan3A_108 = arith.constant 48 : i32
    %scan3A_109 = arith.addi %scan3A_107, %scan3A_108 : i32
    %scan3A_110 = arith.constant 1 : i32
    scf.for %scan3A_170 = %scan3A_107 to %scan3A_109 step %scan3A_110  : i32 {
      %mul3A_171 = arith.constant 16 : i32
      %mul3A_172 = arith.muli %scan3A_170, %mul3A_171 : i32
      %get3A = arith.constant 0 : i32
      %get3A_173 = arith.index_cast %get3A : i32 to index
      %get3A_174 = arith.index_cast %mul3A_172 : i32 to index
      %get3A_175 = tpu.vector_load %arg5[%get3A_173, %get3A_174] {strides = array<i32>} : memref<48x768xf32, #tpu.memory_space<vmem>>, vector<1x16xf32>,
      %get3A_176 = vector.shape_cast %get3A_175 : vector<1x16xf32> to vector<16xf32>
      %get3A_177 = arith.constant 1 : i32
      %get3A_178 = arith.index_cast %get3A_177 : i32 to index
      %get3A_179 = arith.index_cast %mul3A_172 : i32 to index
      %get3A_180 = tpu.vector_load %arg5[%get3A_178, %get3A_179] {strides = array<i32>} : memref<48x768xf32, #tpu.memory_space<vmem>>, vector<1x16xf32>,
      %get3A_181 = vector.shape_cast %get3A_180 : vector<1x16xf32> to vector<16xf32>
      %get3A_182 = arith.constant 2 : i32
      %get3A_183 = arith.index_cast %get3A_182 : i32 to index
      %get3A_184 = arith.index_cast %mul3A_172 : i32 to index
      %get3A_185 = tpu.vector_load %arg5[%get3A_183, %get3A_184] {strides = array<i32>} : memref<48x768xf32, #tpu.memory_space<vmem>>, vector<1x16xf32>,
      %get3A_186 = vector.shape_cast %get3A_185 : vector<1x16xf32> to vector<16xf32>
      %get3A_187 = arith.constant 3 : i32
      %get3A_188 = arith.index_cast %get3A_187 : i32 to index
      %get3A_189 = arith.index_cast %mul3A_172 : i32 to index
      %get3A_190 = tpu.vector_load %arg5[%get3A_188, %get3A_189] {strides = array<i32>} : memref<48x768xf32, #tpu.memory_space<vmem>>, vector<1x16xf32>,
      %get3A_191 = vector.shape_cast %get3A_190 : vector<1x16xf32> to vector<16xf32>
      %get3A_192 = arith.constant 4 : i32
      %get3A_193 = arith.index_cast %get3A_192 : i32 to index
      %get3A_194 = arith.index_cast %mul3A_172 : i32 to index
      %get3A_195 = tpu.vector_load %arg5[%get3A_193, %get3A_194] {strides = array<i32>} : memref<48x768xf32, #tpu.memory_space<vmem>>, vector<1x16xf32>,
      %get3A_196 = vector.shape_cast %get3A_195 : vector<1x16xf32> to vector<16xf32>
      %get3A_197 = arith.constant 5 : i32
      %get3A_198 = arith.index_cast %get3A_197 : i32 to index
      %get3A_199 = arith.index_cast %mul3A_172 : i32 to index
      %get3A_200 = tpu.vector_load %arg5[%get3A_198, %get3A_199] {strides = array<i32>} : memref<48x768xf32, #tpu.memory_space<vmem>>, vector<1x16xf32>,
      %get3A_201 = vector.shape_cast %get3A_200 : vector<1x16xf32> to vector<16xf32>
      %get3A_202 = arith.constant 6 : i32
      %get3A_203 = arith.index_cast %get3A_202 : i32 to index
      %get3A_204 = arith.index_cast %mul3A_172 : i32 to index
      %get3A_205 = tpu.vector_load %arg5[%get3A_203, %get3A_204] {strides = array<i32>} : memref<48x768xf32, #tpu.memory_space<vmem>>, vector<1x16xf32>,
      %get3A_206 = vector.shape_cast %get3A_205 : vector<1x16xf32> to vector<16xf32>
      %get3A_207 = arith.constant 7 : i32
      %get3A_208 = arith.index_cast %get3A_207 : i32 to index
      %get3A_209 = arith.index_cast %mul3A_172 : i32 to index
      %get3A_210 = tpu.vector_load %arg5[%get3A_208, %get3A_209] {strides = array<i32>} : memref<48x768xf32, #tpu.memory_space<vmem>>, vector<1x16xf32>,
      %get3A_211 = vector.shape_cast %get3A_210 : vector<1x16xf32> to vector<16xf32>
      %max3A = arith.maximumf %get3A_176, %get3A_196 : vector<16xf32>
      %max3A_212 = arith.maximumf %get3A_181, %get3A_201 : vector<16xf32>
      %max3A_213 = arith.maximumf %get3A_186, %get3A_206 : vector<16xf32>
      %max3A_214 = arith.maximumf %get3A_191, %get3A_211 : vector<16xf32>
      %add3A_215 = arith.addf %get3A_176, %get3A_196 : vector<16xf32>
      %add3A_216 = arith.addf %get3A_181, %get3A_201 : vector<16xf32>
      %add3A_217 = arith.addf %get3A_186, %get3A_206 : vector<16xf32>
      %add3A_218 = arith.addf %get3A_191, %get3A_211 : vector<16xf32>
      %get3A_219 = arith.constant 8 : i32
      %get3A_220 = arith.index_cast %get3A_219 : i32 to index
      %get3A_221 = arith.index_cast %mul3A_172 : i32 to index
      %get3A_222 = tpu.vector_load %arg5[%get3A_220, %get3A_221] {strides = array<i32>} : memref<48x768xf32, #tpu.memory_space<vmem>>, vector<1x16xf32>,
      %get3A_223 = vector.shape_cast %get3A_222 : vector<1x16xf32> to vector<16xf32>
      %get3A_224 = arith.constant 9 : i32
      %get3A_225 = arith.index_cast %get3A_224 : i32 to index
      %get3A_226 = arith.index_cast %mul3A_172 : i32 to index
      %get3A_227 = tpu.vector_load %arg5[%get3A_225, %get3A_226] {strides = array<i32>} : memref<48x768xf32, #tpu.memory_space<vmem>>, vector<1x16xf32>,
      %get3A_228 = vector.shape_cast %get3A_227 : vector<1x16xf32> to vector<16xf32>
      %get3A_229 = arith.constant 10 : i32
      %get3A_230 = arith.index_cast %get3A_229 : i32 to index
      %get3A_231 = arith.index_cast %mul3A_172 : i32 to index
      %get3A_232 = tpu.vector_load %arg5[%get3A_230, %get3A_231] {strides = array<i32>} : memref<48x768xf32, #tpu.memory_space<vmem>>, vector<1x16xf32>,
      %get3A_233 = vector.shape_cast %get3A_232 : vector<1x16xf32> to vector<16xf32>
      %get3A_234 = arith.constant 11 : i32
      %get3A_235 = arith.index_cast %get3A_234 : i32 to index
      %get3A_236 = arith.index_cast %mul3A_172 : i32 to index
      %get3A_237 = tpu.vector_load %arg5[%get3A_235, %get3A_236] {strides = array<i32>} : memref<48x768xf32, #tpu.memory_space<vmem>>, vector<1x16xf32>,
      %get3A_238 = vector.shape_cast %get3A_237 : vector<1x16xf32> to vector<16xf32>
      %max3A_239 = arith.maximumf %max3A, %get3A_223 : vector<16xf32>
      %max3A_240 = arith.maximumf %max3A_212, %get3A_228 : vector<16xf32>
      %max3A_241 = arith.maximumf %max3A_213, %get3A_233 : vector<16xf32>
      %max3A_242 = arith.maximumf %max3A_214, %get3A_238 : vector<16xf32>
      %add3A_243 = arith.addf %add3A_215, %get3A_223 : vector<16xf32>
      %add3A_244 = arith.addf %add3A_216, %get3A_228 : vector<16xf32>
      %add3A_245 = arith.addf %add3A_217, %get3A_233 : vector<16xf32>
      %add3A_246 = arith.addf %add3A_218, %get3A_238 : vector<16xf32>
      %get3A_247 = arith.constant 12 : i32
      %get3A_248 = arith.index_cast %get3A_247 : i32 to index
      %get3A_249 = arith.index_cast %mul3A_172 : i32 to index
      %get3A_250 = tpu.vector_load %arg5[%get3A_248, %get3A_249] {strides = array<i32>} : memref<48x768xf32, #tpu.memory_space<vmem>>, vector<1x16xf32>,
      %get3A_251 = vector.shape_cast %get3A_250 : vector<1x16xf32> to vector<16xf32>
      %get3A_252 = arith.constant 13 : i32
      %get3A_253 = arith.index_cast %get3A_252 : i32 to index
      %get3A_254 = arith.index_cast %mul3A_172 : i32 to index
      %get3A_255 = tpu.vector_load %arg5[%get3A_253, %get3A_254] {strides = array<i32>} : memref<48x768xf32, #tpu.memory_space<vmem>>, vector<1x16xf32>,
      %get3A_256 = vector.shape_cast %get3A_255 : vector<1x16xf32> to vector<16xf32>
      %get3A_257 = arith.constant 14 : i32
      %get3A_258 = arith.index_cast %get3A_257 : i32 to index
      %get3A_259 = arith.index_cast %mul3A_172 : i32 to index
      %get3A_260 = tpu.vector_load %arg5[%get3A_258, %get3A_259] {strides = array<i32>} : memref<48x768xf32, #tpu.memory_space<vmem>>, vector<1x16xf32>,
      %get3A_261 = vector.shape_cast %get3A_260 : vector<1x16xf32> to vector<16xf32>
      %get3A_262 = arith.constant 15 : i32
      %get3A_263 = arith.index_cast %get3A_262 : i32 to index
      %get3A_264 = arith.index_cast %mul3A_172 : i32 to index
      %get3A_265 = tpu.vector_load %arg5[%get3A_263, %get3A_264] {strides = array<i32>} : memref<48x768xf32, #tpu.memory_space<vmem>>, vector<1x16xf32>,
      %get3A_266 = vector.shape_cast %get3A_265 : vector<1x16xf32> to vector<16xf32>
      %max3A_267 = arith.maximumf %max3A_239, %get3A_251 : vector<16xf32>
      %max3A_268 = arith.maximumf %max3A_240, %get3A_256 : vector<16xf32>
      %max3A_269 = arith.maximumf %max3A_241, %get3A_261 : vector<16xf32>
      %max3A_270 = arith.maximumf %max3A_242, %get3A_266 : vector<16xf32>
      %add3A_271 = arith.addf %add3A_243, %get3A_251 : vector<16xf32>
      %add3A_272 = arith.addf %add3A_244, %get3A_256 : vector<16xf32>
      %add3A_273 = arith.addf %add3A_245, %get3A_261 : vector<16xf32>
      %add3A_274 = arith.addf %add3A_246, %get3A_266 : vector<16xf32>
      %get3A_275 = arith.constant 16 : i32
      %get3A_276 = arith.index_cast %get3A_275 : i32 to index
      %get3A_277 = arith.index_cast %mul3A_172 : i32 to index
      %get3A_278 = tpu.vector_load %arg5[%get3A_276, %get3A_277] {strides = array<i32>} : memref<48x768xf32, #tpu.memory_space<vmem>>, vector<1x16xf32>,
      %get3A_279 = vector.shape_cast %get3A_278 : vector<1x16xf32> to vector<16xf32>
      %get3A_280 = arith.constant 17 : i32
      %get3A_281 = arith.index_cast %get3A_280 : i32 to index
      %get3A_282 = arith.index_cast %mul3A_172 : i32 to index
      %get3A_283 = tpu.vector_load %arg5[%get3A_281, %get3A_282] {strides = array<i32>} : memref<48x768xf32, #tpu.memory_space<vmem>>, vector<1x16xf32>,
      %get3A_284 = vector.shape_cast %get3A_283 : vector<1x16xf32> to vector<16xf32>
      %get3A_285 = arith.constant 18 : i32
      %get3A_286 = arith.index_cast %get3A_285 : i32 to index
      %get3A_287 = arith.index_cast %mul3A_172 : i32 to index
      %get3A_288 = tpu.vector_load %arg5[%get3A_286, %get3A_287] {strides = array<i32>} : memref<48x768xf32, #tpu.memory_space<vmem>>, vector<1x16xf32>,
      %get3A_289 = vector.shape_cast %get3A_288 : vector<1x16xf32> to vector<16xf32>
      %get3A_290 = arith.constant 19 : i32
      %get3A_291 = arith.index_cast %get3A_290 : i32 to index
      %get3A_292 = arith.index_cast %mul3A_172 : i32 to index
      %get3A_293 = tpu.vector_load %arg5[%get3A_291, %get3A_292] {strides = array<i32>} : memref<48x768xf32, #tpu.memory_space<vmem>>, vector<1x16xf32>,
      %get3A_294 = vector.shape_cast %get3A_293 : vector<1x16xf32> to vector<16xf32>
      %max3A_295 = arith.maximumf %max3A_267, %get3A_279 : vector<16xf32>
      %max3A_296 = arith.maximumf %max3A_268, %get3A_284 : vector<16xf32>
      %max3A_297 = arith.maximumf %max3A_269, %get3A_289 : vector<16xf32>
      %max3A_298 = arith.maximumf %max3A_270, %get3A_294 : vector<16xf32>
      %add3A_299 = arith.addf %add3A_271, %get3A_279 : vector<16xf32>
      %add3A_300 = arith.addf %add3A_272, %get3A_284 : vector<16xf32>
      %add3A_301 = arith.addf %add3A_273, %get3A_289 : vector<16xf32>
      %add3A_302 = arith.addf %add3A_274, %get3A_294 : vector<16xf32>
      %get3A_303 = arith.constant 20 : i32
      %get3A_304 = arith.index_cast %get3A_303 : i32 to index
      %get3A_305 = arith.index_cast %mul3A_172 : i32 to index
      %get3A_306 = tpu.vector_load %arg5[%get3A_304, %get3A_305] {strides = array<i32>} : memref<48x768xf32, #tpu.memory_space<vmem>>, vector<1x16xf32>,
      %get3A_307 = vector.shape_cast %get3A_306 : vector<1x16xf32> to vector<16xf32>
      %get3A_308 = arith.constant 21 : i32
      %get3A_309 = arith.index_cast %get3A_308 : i32 to index
      %get3A_310 = arith.index_cast %mul3A_172 : i32 to index
      %get3A_311 = tpu.vector_load %arg5[%get3A_309, %get3A_310] {strides = array<i32>} : memref<48x768xf32, #tpu.memory_space<vmem>>, vector<1x16xf32>,
      %get3A_312 = vector.shape_cast %get3A_311 : vector<1x16xf32> to vector<16xf32>
      %get3A_313 = arith.constant 22 : i32
      %get3A_314 = arith.index_cast %get3A_313 : i32 to index
      %get3A_315 = arith.index_cast %mul3A_172 : i32 to index
      %get3A_316 = tpu.vector_load %arg5[%get3A_314, %get3A_315] {strides = array<i32>} : memref<48x768xf32, #tpu.memory_space<vmem>>, vector<1x16xf32>,
      %get3A_317 = vector.shape_cast %get3A_316 : vector<1x16xf32> to vector<16xf32>
      %get3A_318 = arith.constant 23 : i32
      %get3A_319 = arith.index_cast %get3A_318 : i32 to index
      %get3A_320 = arith.index_cast %mul3A_172 : i32 to index
      %get3A_321 = tpu.vector_load %arg5[%get3A_319, %get3A_320] {strides = array<i32>} : memref<48x768xf32, #tpu.memory_space<vmem>>, vector<1x16xf32>,
      %get3A_322 = vector.shape_cast %get3A_321 : vector<1x16xf32> to vector<16xf32>
      %max3A_323 = arith.maximumf %max3A_295, %get3A_307 : vector<16xf32>
      %max3A_324 = arith.maximumf %max3A_296, %get3A_312 : vector<16xf32>
      %max3A_325 = arith.maximumf %max3A_297, %get3A_317 : vector<16xf32>
      %max3A_326 = arith.maximumf %max3A_298, %get3A_322 : vector<16xf32>
      %add3A_327 = arith.addf %add3A_299, %get3A_307 : vector<16xf32>
      %add3A_328 = arith.addf %add3A_300, %get3A_312 : vector<16xf32>
      %add3A_329 = arith.addf %add3A_301, %get3A_317 : vector<16xf32>
      %add3A_330 = arith.addf %add3A_302, %get3A_322 : vector<16xf32>
      %get3A_331 = arith.constant 24 : i32
      %get3A_332 = arith.index_cast %get3A_331 : i32 to index
      %get3A_333 = arith.index_cast %mul3A_172 : i32 to index
      %get3A_334 = tpu.vector_load %arg5[%get3A_332, %get3A_333] {strides = array<i32>} : memref<48x768xf32, #tpu.memory_space<vmem>>, vector<1x16xf32>,
      %get3A_335 = vector.shape_cast %get3A_334 : vector<1x16xf32> to vector<16xf32>
      %get3A_336 = arith.constant 25 : i32
      %get3A_337 = arith.index_cast %get3A_336 : i32 to index
      %get3A_338 = arith.index_cast %mul3A_172 : i32 to index
      %get3A_339 = tpu.vector_load %arg5[%get3A_337, %get3A_338] {strides = array<i32>} : memref<48x768xf32, #tpu.memory_space<vmem>>, vector<1x16xf32>,
      %get3A_340 = vector.shape_cast %get3A_339 : vector<1x16xf32> to vector<16xf32>
      %get3A_341 = arith.constant 26 : i32
      %get3A_342 = arith.index_cast %get3A_341 : i32 to index
      %get3A_343 = arith.index_cast %mul3A_172 : i32 to index
      %get3A_344 = tpu.vector_load %arg5[%get3A_342, %get3A_343] {strides = array<i32>} : memref<48x768xf32, #tpu.memory_space<vmem>>, vector<1x16xf32>,
      %get3A_345 = vector.shape_cast %get3A_344 : vector<1x16xf32> to vector<16xf32>
      %get3A_346 = arith.constant 27 : i32
      %get3A_347 = arith.index_cast %get3A_346 : i32 to index
      %get3A_348 = arith.index_cast %mul3A_172 : i32 to index
      %get3A_349 = tpu.vector_load %arg5[%get3A_347, %get3A_348] {strides = array<i32>} : memref<48x768xf32, #tpu.memory_space<vmem>>, vector<1x16xf32>,
      %get3A_350 = vector.shape_cast %get3A_349 : vector<1x16xf32> to vector<16xf32>
      %max3A_351 = arith.maximumf %max3A_323, %get3A_335 : vector<16xf32>
      %max3A_352 = arith.maximumf %max3A_324, %get3A_340 : vector<16xf32>
      %max3A_353 = arith.maximumf %max3A_325, %get3A_345 : vector<16xf32>
      %max3A_354 = arith.maximumf %max3A_326, %get3A_350 : vector<16xf32>
      %add3A_355 = arith.addf %add3A_327, %get3A_335 : vector<16xf32>
      %add3A_356 = arith.addf %add3A_328, %get3A_340 : vector<16xf32>
      %add3A_357 = arith.addf %add3A_329, %get3A_345 : vector<16xf32>
      %add3A_358 = arith.addf %add3A_330, %get3A_350 : vector<16xf32>
      %get3A_359 = arith.constant 28 : i32
      %get3A_360 = arith.index_cast %get3A_359 : i32 to index
      %get3A_361 = arith.index_cast %mul3A_172 : i32 to index
      %get3A_362 = tpu.vector_load %arg5[%get3A_360, %get3A_361] {strides = array<i32>} : memref<48x768xf32, #tpu.memory_space<vmem>>, vector<1x16xf32>,
      %get3A_363 = vector.shape_cast %get3A_362 : vector<1x16xf32> to vector<16xf32>
      %get3A_364 = arith.constant 29 : i32
      %get3A_365 = arith.index_cast %get3A_364 : i32 to index
      %get3A_366 = arith.index_cast %mul3A_172 : i32 to index
      %get3A_367 = tpu.vector_load %arg5[%get3A_365, %get3A_366] {strides = array<i32>} : memref<48x768xf32, #tpu.memory_space<vmem>>, vector<1x16xf32>,
      %get3A_368 = vector.shape_cast %get3A_367 : vector<1x16xf32> to vector<16xf32>
      %get3A_369 = arith.constant 30 : i32
      %get3A_370 = arith.index_cast %get3A_369 : i32 to index
      %get3A_371 = arith.index_cast %mul3A_172 : i32 to index
      %get3A_372 = tpu.vector_load %arg5[%get3A_370, %get3A_371] {strides = array<i32>} : memref<48x768xf32, #tpu.memory_space<vmem>>, vector<1x16xf32>,
      %get3A_373 = vector.shape_cast %get3A_372 : vector<1x16xf32> to vector<16xf32>
      %get3A_374 = arith.constant 31 : i32
      %get3A_375 = arith.index_cast %get3A_374 : i32 to index
      %get3A_376 = arith.index_cast %mul3A_172 : i32 to index
      %get3A_377 = tpu.vector_load %arg5[%get3A_375, %get3A_376] {strides = array<i32>} : memref<48x768xf32, #tpu.memory_space<vmem>>, vector<1x16xf32>,
      %get3A_378 = vector.shape_cast %get3A_377 : vector<1x16xf32> to vector<16xf32>
      %max3A_379 = arith.maximumf %max3A_351, %get3A_363 : vector<16xf32>
      %max3A_380 = arith.maximumf %max3A_352, %get3A_368 : vector<16xf32>
      %max3A_381 = arith.maximumf %max3A_353, %get3A_373 : vector<16xf32>
      %max3A_382 = arith.maximumf %max3A_354, %get3A_378 : vector<16xf32>
      %add3A_383 = arith.addf %add3A_355, %get3A_363 : vector<16xf32>
      %add3A_384 = arith.addf %add3A_356, %get3A_368 : vector<16xf32>
      %add3A_385 = arith.addf %add3A_357, %get3A_373 : vector<16xf32>
      %add3A_386 = arith.addf %add3A_358, %get3A_378 : vector<16xf32>
      %get3A_387 = arith.constant 32 : i32
      %get3A_388 = arith.index_cast %get3A_387 : i32 to index
      %get3A_389 = arith.index_cast %mul3A_172 : i32 to index
      %get3A_390 = tpu.vector_load %arg5[%get3A_388, %get3A_389] {strides = array<i32>} : memref<48x768xf32, #tpu.memory_space<vmem>>, vector<1x16xf32>,
      %get3A_391 = vector.shape_cast %get3A_390 : vector<1x16xf32> to vector<16xf32>
      %get3A_392 = arith.constant 33 : i32
      %get3A_393 = arith.index_cast %get3A_392 : i32 to index
      %get3A_394 = arith.index_cast %mul3A_172 : i32 to index
      %get3A_395 = tpu.vector_load %arg5[%get3A_393, %get3A_394] {strides = array<i32>} : memref<48x768xf32, #tpu.memory_space<vmem>>, vector<1x16xf32>,
      %get3A_396 = vector.shape_cast %get3A_395 : vector<1x16xf32> to vector<16xf32>
      %get3A_397 = arith.constant 34 : i32
      %get3A_398 = arith.index_cast %get3A_397 : i32 to index
      %get3A_399 = arith.index_cast %mul3A_172 : i32 to index
      %get3A_400 = tpu.vector_load %arg5[%get3A_398, %get3A_399] {strides = array<i32>} : memref<48x768xf32, #tpu.memory_space<vmem>>, vector<1x16xf32>,
      %get3A_401 = vector.shape_cast %get3A_400 : vector<1x16xf32> to vector<16xf32>
      %get3A_402 = arith.constant 35 : i32
      %get3A_403 = arith.index_cast %get3A_402 : i32 to index
      %get3A_404 = arith.index_cast %mul3A_172 : i32 to index
      %get3A_405 = tpu.vector_load %arg5[%get3A_403, %get3A_404] {strides = array<i32>} : memref<48x768xf32, #tpu.memory_space<vmem>>, vector<1x16xf32>,
      %get3A_406 = vector.shape_cast %get3A_405 : vector<1x16xf32> to vector<16xf32>
      %max3A_407 = arith.maximumf %max3A_379, %get3A_391 : vector<16xf32>
      %max3A_408 = arith.maximumf %max3A_380, %get3A_396 : vector<16xf32>
      %max3A_409 = arith.maximumf %max3A_381, %get3A_401 : vector<16xf32>
      %max3A_410 = arith.maximumf %max3A_382, %get3A_406 : vector<16xf32>
      %add3A_411 = arith.addf %add3A_383, %get3A_391 : vector<16xf32>
      %add3A_412 = arith.addf %add3A_384, %get3A_396 : vector<16xf32>
      %add3A_413 = arith.addf %add3A_385, %get3A_401 : vector<16xf32>
      %add3A_414 = arith.addf %add3A_386, %get3A_406 : vector<16xf32>
      %get3A_415 = arith.constant 36 : i32
      %get3A_416 = arith.index_cast %get3A_415 : i32 to index
      %get3A_417 = arith.index_cast %mul3A_172 : i32 to index
      %get3A_418 = tpu.vector_load %arg5[%get3A_416, %get3A_417] {strides = array<i32>} : memref<48x768xf32, #tpu.memory_space<vmem>>, vector<1x16xf32>,
      %get3A_419 = vector.shape_cast %get3A_418 : vector<1x16xf32> to vector<16xf32>
      %get3A_420 = arith.constant 37 : i32
      %get3A_421 = arith.index_cast %get3A_420 : i32 to index
      %get3A_422 = arith.index_cast %mul3A_172 : i32 to index
      %get3A_423 = tpu.vector_load %arg5[%get3A_421, %get3A_422] {strides = array<i32>} : memref<48x768xf32, #tpu.memory_space<vmem>>, vector<1x16xf32>,
      %get3A_424 = vector.shape_cast %get3A_423 : vector<1x16xf32> to vector<16xf32>
      %get3A_425 = arith.constant 38 : i32
      %get3A_426 = arith.index_cast %get3A_425 : i32 to index
      %get3A_427 = arith.index_cast %mul3A_172 : i32 to index
      %get3A_428 = tpu.vector_load %arg5[%get3A_426, %get3A_427] {strides = array<i32>} : memref<48x768xf32, #tpu.memory_space<vmem>>, vector<1x16xf32>,
      %get3A_429 = vector.shape_cast %get3A_428 : vector<1x16xf32> to vector<16xf32>
      %get3A_430 = arith.constant 39 : i32
      %get3A_431 = arith.index_cast %get3A_430 : i32 to index
      %get3A_432 = arith.index_cast %mul3A_172 : i32 to index
      %get3A_433 = tpu.vector_load %arg5[%get3A_431, %get3A_432] {strides = array<i32>} : memref<48x768xf32, #tpu.memory_space<vmem>>, vector<1x16xf32>,
      %get3A_434 = vector.shape_cast %get3A_433 : vector<1x16xf32> to vector<16xf32>
      %max3A_435 = arith.maximumf %max3A_407, %get3A_419 : vector<16xf32>
      %max3A_436 = arith.maximumf %max3A_408, %get3A_424 : vector<16xf32>
      %max3A_437 = arith.maximumf %max3A_409, %get3A_429 : vector<16xf32>
      %max3A_438 = arith.maximumf %max3A_410, %get3A_434 : vector<16xf32>
      %add3A_439 = arith.addf %add3A_411, %get3A_419 : vector<16xf32>
      %add3A_440 = arith.addf %add3A_412, %get3A_424 : vector<16xf32>
      %add3A_441 = arith.addf %add3A_413, %get3A_429 : vector<16xf32>
      %add3A_442 = arith.addf %add3A_414, %get3A_434 : vector<16xf32>
      %get3A_443 = arith.constant 40 : i32
      %get3A_444 = arith.index_cast %get3A_443 : i32 to index
      %get3A_445 = arith.index_cast %mul3A_172 : i32 to index
      %get3A_446 = tpu.vector_load %arg5[%get3A_444, %get3A_445] {strides = array<i32>} : memref<48x768xf32, #tpu.memory_space<vmem>>, vector<1x16xf32>,
      %get3A_447 = vector.shape_cast %get3A_446 : vector<1x16xf32> to vector<16xf32>
      %get3A_448 = arith.constant 41 : i32
      %get3A_449 = arith.index_cast %get3A_448 : i32 to index
      %get3A_450 = arith.index_cast %mul3A_172 : i32 to index
      %get3A_451 = tpu.vector_load %arg5[%get3A_449, %get3A_450] {strides = array<i32>} : memref<48x768xf32, #tpu.memory_space<vmem>>, vector<1x16xf32>,
      %get3A_452 = vector.shape_cast %get3A_451 : vector<1x16xf32> to vector<16xf32>
      %get3A_453 = arith.constant 42 : i32
      %get3A_454 = arith.index_cast %get3A_453 : i32 to index
      %get3A_455 = arith.index_cast %mul3A_172 : i32 to index
      %get3A_456 = tpu.vector_load %arg5[%get3A_454, %get3A_455] {strides = array<i32>} : memref<48x768xf32, #tpu.memory_space<vmem>>, vector<1x16xf32>,
      %get3A_457 = vector.shape_cast %get3A_456 : vector<1x16xf32> to vector<16xf32>
      %get3A_458 = arith.constant 43 : i32
      %get3A_459 = arith.index_cast %get3A_458 : i32 to index
      %get3A_460 = arith.index_cast %mul3A_172 : i32 to index
      %get3A_461 = tpu.vector_load %arg5[%get3A_459, %get3A_460] {strides = array<i32>} : memref<48x768xf32, #tpu.memory_space<vmem>>, vector<1x16xf32>,
      %get3A_462 = vector.shape_cast %get3A_461 : vector<1x16xf32> to vector<16xf32>
      %max3A_463 = arith.maximumf %max3A_435, %get3A_447 : vector<16xf32>
      %max3A_464 = arith.maximumf %max3A_436, %get3A_452 : vector<16xf32>
      %max3A_465 = arith.maximumf %max3A_437, %get3A_457 : vector<16xf32>
      %max3A_466 = arith.maximumf %max3A_438, %get3A_462 : vector<16xf32>
      %add3A_467 = arith.addf %add3A_439, %get3A_447 : vector<16xf32>
      %add3A_468 = arith.addf %add3A_440, %get3A_452 : vector<16xf32>
      %add3A_469 = arith.addf %add3A_441, %get3A_457 : vector<16xf32>
      %add3A_470 = arith.addf %add3A_442, %get3A_462 : vector<16xf32>
      %get3A_471 = arith.constant 44 : i32
      %get3A_472 = arith.index_cast %get3A_471 : i32 to index
      %get3A_473 = arith.index_cast %mul3A_172 : i32 to index
      %get3A_474 = tpu.vector_load %arg5[%get3A_472, %get3A_473] {strides = array<i32>} : memref<48x768xf32, #tpu.memory_space<vmem>>, vector<1x16xf32>,
      %get3A_475 = vector.shape_cast %get3A_474 : vector<1x16xf32> to vector<16xf32>
      %get3A_476 = arith.constant 45 : i32
      %get3A_477 = arith.index_cast %get3A_476 : i32 to index
      %get3A_478 = arith.index_cast %mul3A_172 : i32 to index
      %get3A_479 = tpu.vector_load %arg5[%get3A_477, %get3A_478] {strides = array<i32>} : memref<48x768xf32, #tpu.memory_space<vmem>>, vector<1x16xf32>,
      %get3A_480 = vector.shape_cast %get3A_479 : vector<1x16xf32> to vector<16xf32>
      %get3A_481 = arith.constant 46 : i32
      %get3A_482 = arith.index_cast %get3A_481 : i32 to index
      %get3A_483 = arith.index_cast %mul3A_172 : i32 to index
      %get3A_484 = tpu.vector_load %arg5[%get3A_482, %get3A_483] {strides = array<i32>} : memref<48x768xf32, #tpu.memory_space<vmem>>, vector<1x16xf32>,
      %get3A_485 = vector.shape_cast %get3A_484 : vector<1x16xf32> to vector<16xf32>
      %get3A_486 = arith.constant 47 : i32
      %get3A_487 = arith.index_cast %get3A_486 : i32 to index
      %get3A_488 = arith.index_cast %mul3A_172 : i32 to index
      %get3A_489 = tpu.vector_load %arg5[%get3A_487, %get3A_488] {strides = array<i32>} : memref<48x768xf32, #tpu.memory_space<vmem>>, vector<1x16xf32>,
      %get3A_490 = vector.shape_cast %get3A_489 : vector<1x16xf32> to vector<16xf32>
      %max3A_491 = arith.maximumf %max3A_463, %get3A_475 : vector<16xf32>
      %max3A_492 = arith.maximumf %max3A_464, %get3A_480 : vector<16xf32>
      %max3A_493 = arith.maximumf %max3A_465, %get3A_485 : vector<16xf32>
      %max3A_494 = arith.maximumf %max3A_466, %get3A_490 : vector<16xf32>
      %add3A_495 = arith.addf %add3A_467, %get3A_475 : vector<16xf32>
      %add3A_496 = arith.addf %add3A_468, %get3A_480 : vector<16xf32>
      %add3A_497 = arith.addf %add3A_469, %get3A_485 : vector<16xf32>
      %add3A_498 = arith.addf %add3A_470, %get3A_490 : vector<16xf32>
      %max3A_499 = arith.maximumf %max3A_491, %max3A_492 : vector<16xf32>
      %max3A_500 = arith.maximumf %max3A_493, %max3A_494 : vector<16xf32>
      %max3A_501 = arith.maximumf %max3A_499, %max3A_500 : vector<16xf32>
      %add3A_502 = arith.addf %add3A_495, %add3A_496 : vector<16xf32>
      %add3A_503 = arith.addf %add3A_497, %add3A_498 : vector<16xf32>
      %add3A_504 = arith.addf %add3A_502, %add3A_503 : vector<16xf32>
      %get3A_505 = arith.index_cast %mul3A_172 : i32 to index
      %get3A_506 = tpu.vector_load %arg7[%get3A_505] {strides = array<i32>} : memref<768xf32, #tpu.memory_space<vmem>>, vector<16xf32>,
      %get3A_507 = vector.shape_cast %get3A_506 : vector<16xf32> to vector<16xf32>
      %max3A_508 = arith.maximumf %get3A_507, %max3A_501 : vector<16xf32>
      %swap3A = arith.index_cast %mul3A_172 : i32 to index
      %swap3A_509 = tpu.vector_load %arg7[%swap3A] {strides = array<i32>} : memref<768xf32, #tpu.memory_space<vmem>>, vector<16xf32>,
      %swap3A_510 = vector.shape_cast %swap3A_509 : vector<16xf32> to vector<16xf32>
      %swap3A_511 = vector.shape_cast %max3A_508 : vector<16xf32> to vector<16xf32>
      tpu.vector_store %arg7[%swap3A], %swap3A_511 {strides = array<i32>} : memref<768xf32, #tpu.memory_space<vmem>>, vector<16xf32>,
      %get3A_512 = arith.index_cast %mul3A_172 : i32 to index
      %get3A_513 = tpu.vector_load %arg8[%get3A_512] {strides = array<i32>} : memref<768xf32, #tpu.memory_space<vmem>>, vector<16xf32>,
      %get3A_514 = vector.shape_cast %get3A_513 : vector<16xf32> to vector<16xf32>
      %add3A_515 = arith.addf %get3A_514, %add3A_504 : vector<16xf32>
      %swap3A_516 = arith.index_cast %mul3A_172 : i32 to index
      %swap3A_517 = tpu.vector_load %arg8[%swap3A_516] {strides = array<i32>} : memref<768xf32, #tpu.memory_space<vmem>>, vector<16xf32>,
      %swap3A_518 = vector.shape_cast %swap3A_517 : vector<16xf32> to vector<16xf32>
      %swap3A_519 = vector.shape_cast %add3A_515 : vector<16xf32> to vector<16xf32>
      tpu.vector_store %arg8[%swap3A_516], %swap3A_519 {strides = array<i32>} : memref<768xf32, #tpu.memory_space<vmem>>, vector<16xf32>,
    }
    %scan3A_111 = arith.constant 48 : i32
    %add3A_112 = arith.constant 144 : i32
    %add3A_113 = arith.addi %mul3A_34, %add3A_112 : i32
    %dma_wait3A_114 = arith.constant 0 : i32
    %dma_wait3A_115 = tpu.memref_slice %arg2[%add3A_32, %add3A_113, %dma_wait3A_114] : memref<64x576x768xf32, #tpu.memory_space<hbm>> -> memref<1x48x768xf32, #tpu.memory_space<hbm>>
    %dma_wait3A_116 = tpu.memref_squeeze %dma_wait3A_115 : memref<1x48x768xf32, #tpu.memory_space<hbm>> -> memref<48x768xf32, #tpu.memory_space<hbm>>
    %dma_wait3A_117 = arith.constant 0 : i32
    %dma_wait3A_118 = tpu.memref_slice %arg2[%add3A_32, %add3A_113, %dma_wait3A_117] : memref<64x576x768xf32, #tpu.memory_space<hbm>> -> memref<1x48x768xf32, #tpu.memory_space<hbm>>
    %dma_wait3A_119 = tpu.memref_squeeze %dma_wait3A_118 : memref<1x48x768xf32, #tpu.memory_space<hbm>> -> memref<48x768xf32, #tpu.memory_space<hbm>>
    tpu.wait_dma2 semaphore(%arg10 : memref<!tpu.dma_semaphore, #tpu.memory_space<semaphore_mem>>) src(%dma_wait3A_119 : memref<48x768xf32, #tpu.memory_space<hbm>>) dst(%arg6 : memref<48x768xf32, #tpu.memory_space<vmem>>)
    %add3A_120 = arith.constant 192 : i32
    %add3A_121 = arith.addi %mul3A_34, %add3A_120 : i32
    %dma_start3A_122 = arith.constant 0 : i32
    %dma_start3A_123 = tpu.memref_slice %arg2[%add3A_32, %add3A_121, %dma_start3A_122] : memref<64x576x768xf32, #tpu.memory_space<hbm>> -> memref<1x48x768xf32, #tpu.memory_space<hbm>>
    %dma_start3A_124 = tpu.memref_squeeze %dma_start3A_123 : memref<1x48x768xf32, #tpu.memory_space<hbm>> -> memref<48x768xf32, #tpu.memory_space<hbm>>
    %dma_start3A_125 = arith.constant 0 : i32
    %dma_start3A_126 = tpu.memref_slice %arg2[%add3A_32, %add3A_121, %dma_start3A_125] : memref<64x576x768xf32, #tpu.memory_space<hbm>> -> memref<1x48x768xf32, #tpu.memory_space<hbm>>
    %dma_start3A_127 = tpu.memref_squeeze %dma_start3A_126 : memref<1x48x768xf32, #tpu.memory_space<hbm>> -> memref<48x768xf32, #tpu.memory_space<hbm>>
    tpu.enqueue_dma source(%dma_start3A_127 : memref<48x768xf32, #tpu.memory_space<hbm>>) target(%arg5 : memref<48x768xf32, #tpu.memory_space<vmem>>) target_semaphore(%arg9 : memref<!tpu.dma_semaphore, #tpu.memory_space<semaphore_mem>>)
    %scan3A_128 = arith.constant 0 : i32
    %scan3A_129 = arith.constant 0 : i32
    %scan3A_130 = arith.constant 48 : i32
    %scan3A_131 = arith.addi %scan3A_129, %scan3A_130 : i32
    %scan3A_132 = arith.constant 1 : i32
    scf.for %scan3A_170 = %scan3A_129 to %scan3A_131 step %scan3A_132  : i32 {
      %mul3A_171 = arith.constant 16 : i32
      %mul3A_172 = arith.muli %scan3A_170, %mul3A_171 : i32
      %get3A = arith.constant 0 : i32
      %get3A_173 = arith.index_cast %get3A : i32 to index
      %get3A_174 = arith.index_cast %mul3A_172 : i32 to index
      %get3A_175 = tpu.vector_load %arg6[%get3A_173, %get3A_174] {strides = array<i32>} : memref<48x768xf32, #tpu.memory_space<vmem>>, vector<1x16xf32>,
      %get3A_176 = vector.shape_cast %get3A_175 : vector<1x16xf32> to vector<16xf32>
      %get3A_177 = arith.constant 1 : i32
      %get3A_178 = arith.index_cast %get3A_177 : i32 to index
      %get3A_179 = arith.index_cast %mul3A_172 : i32 to index
      %get3A_180 = tpu.vector_load %arg6[%get3A_178, %get3A_179] {strides = array<i32>} : memref<48x768xf32, #tpu.memory_space<vmem>>, vector<1x16xf32>,
      %get3A_181 = vector.shape_cast %get3A_180 : vector<1x16xf32> to vector<16xf32>
      %get3A_182 = arith.constant 2 : i32
      %get3A_183 = arith.index_cast %get3A_182 : i32 to index
      %get3A_184 = arith.index_cast %mul3A_172 : i32 to index
      %get3A_185 = tpu.vector_load %arg6[%get3A_183, %get3A_184] {strides = array<i32>} : memref<48x768xf32, #tpu.memory_space<vmem>>, vector<1x16xf32>,
      %get3A_186 = vector.shape_cast %get3A_185 : vector<1x16xf32> to vector<16xf32>
      %get3A_187 = arith.constant 3 : i32
      %get3A_188 = arith.index_cast %get3A_187 : i32 to index
      %get3A_189 = arith.index_cast %mul3A_172 : i32 to index
      %get3A_190 = tpu.vector_load %arg6[%get3A_188, %get3A_189] {strides = array<i32>} : memref<48x768xf32, #tpu.memory_space<vmem>>, vector<1x16xf32>,
      %get3A_191 = vector.shape_cast %get3A_190 : vector<1x16xf32> to vector<16xf32>
      %get3A_192 = arith.constant 4 : i32
      %get3A_193 = arith.index_cast %get3A_192 : i32 to index
      %get3A_194 = arith.index_cast %mul3A_172 : i32 to index
      %get3A_195 = tpu.vector_load %arg6[%get3A_193, %get3A_194] {strides = array<i32>} : memref<48x768xf32, #tpu.memory_space<vmem>>, vector<1x16xf32>,
      %get3A_196 = vector.shape_cast %get3A_195 : vector<1x16xf32> to vector<16xf32>
      %get3A_197 = arith.constant 5 : i32
      %get3A_198 = arith.index_cast %get3A_197 : i32 to index
      %get3A_199 = arith.index_cast %mul3A_172 : i32 to index
      %get3A_200 = tpu.vector_load %arg6[%get3A_198, %get3A_199] {strides = array<i32>} : memref<48x768xf32, #tpu.memory_space<vmem>>, vector<1x16xf32>,
      %get3A_201 = vector.shape_cast %get3A_200 : vector<1x16xf32> to vector<16xf32>
      %get3A_202 = arith.constant 6 : i32
      %get3A_203 = arith.index_cast %get3A_202 : i32 to index
      %get3A_204 = arith.index_cast %mul3A_172 : i32 to index
      %get3A_205 = tpu.vector_load %arg6[%get3A_203, %get3A_204] {strides = array<i32>} : memref<48x768xf32, #tpu.memory_space<vmem>>, vector<1x16xf32>,
      %get3A_206 = vector.shape_cast %get3A_205 : vector<1x16xf32> to vector<16xf32>
      %get3A_207 = arith.constant 7 : i32
      %get3A_208 = arith.index_cast %get3A_207 : i32 to index
      %get3A_209 = arith.index_cast %mul3A_172 : i32 to index
      %get3A_210 = tpu.vector_load %arg6[%get3A_208, %get3A_209] {strides = array<i32>} : memref<48x768xf32, #tpu.memory_space<vmem>>, vector<1x16xf32>,
      %get3A_211 = vector.shape_cast %get3A_210 : vector<1x16xf32> to vector<16xf32>
      %max3A = arith.maximumf %get3A_176, %get3A_196 : vector<16xf32>
      %max3A_212 = arith.maximumf %get3A_181, %get3A_201 : vector<16xf32>
      %max3A_213 = arith.maximumf %get3A_186, %get3A_206 : vector<16xf32>
      %max3A_214 = arith.maximumf %get3A_191, %get3A_211 : vector<16xf32>
      %add3A_215 = arith.addf %get3A_176, %get3A_196 : vector<16xf32>
      %add3A_216 = arith.addf %get3A_181, %get3A_201 : vector<16xf32>
      %add3A_217 = arith.addf %get3A_186, %get3A_206 : vector<16xf32>
      %add3A_218 = arith.addf %get3A_191, %get3A_211 : vector<16xf32>
      %get3A_219 = arith.constant 8 : i32
      %get3A_220 = arith.index_cast %get3A_219 : i32 to index
      %get3A_221 = arith.index_cast %mul3A_172 : i32 to index
      %get3A_222 = tpu.vector_load %arg6[%get3A_220, %get3A_221] {strides = array<i32>} : memref<48x768xf32, #tpu.memory_space<vmem>>, vector<1x16xf32>,
      %get3A_223 = vector.shape_cast %get3A_222 : vector<1x16xf32> to vector<16xf32>
      %get3A_224 = arith.constant 9 : i32
      %get3A_225 = arith.index_cast %get3A_224 : i32 to index
      %get3A_226 = arith.index_cast %mul3A_172 : i32 to index
      %get3A_227 = tpu.vector_load %arg6[%get3A_225, %get3A_226] {strides = array<i32>} : memref<48x768xf32, #tpu.memory_space<vmem>>, vector<1x16xf32>,
      %get3A_228 = vector.shape_cast %get3A_227 : vector<1x16xf32> to vector<16xf32>
      %get3A_229 = arith.constant 10 : i32
      %get3A_230 = arith.index_cast %get3A_229 : i32 to index
      %get3A_231 = arith.index_cast %mul3A_172 : i32 to index
      %get3A_232 = tpu.vector_load %arg6[%get3A_230, %get3A_231] {strides = array<i32>} : memref<48x768xf32, #tpu.memory_space<vmem>>, vector<1x16xf32>,
      %get3A_233 = vector.shape_cast %get3A_232 : vector<1x16xf32> to vector<16xf32>
      %get3A_234 = arith.constant 11 : i32
      %get3A_235 = arith.index_cast %get3A_234 : i32 to index
      %get3A_236 = arith.index_cast %mul3A_172 : i32 to index
      %get3A_237 = tpu.vector_load %arg6[%get3A_235, %get3A_236] {strides = array<i32>} : memref<48x768xf32, #tpu.memory_space<vmem>>, vector<1x16xf32>,
      %get3A_238 = vector.shape_cast %get3A_237 : vector<1x16xf32> to vector<16xf32>
      %max3A_239 = arith.maximumf %max3A, %get3A_223 : vector<16xf32>
      %max3A_240 = arith.maximumf %max3A_212, %get3A_228 : vector<16xf32>
      %max3A_241 = arith.maximumf %max3A_213, %get3A_233 : vector<16xf32>
      %max3A_242 = arith.maximumf %max3A_214, %get3A_238 : vector<16xf32>
      %add3A_243 = arith.addf %add3A_215, %get3A_223 : vector<16xf32>
      %add3A_244 = arith.addf %add3A_216, %get3A_228 : vector<16xf32>
      %add3A_245 = arith.addf %add3A_217, %get3A_233 : vector<16xf32>
      %add3A_246 = arith.addf %add3A_218, %get3A_238 : vector<16xf32>
      %get3A_247 = arith.constant 12 : i32
      %get3A_248 = arith.index_cast %get3A_247 : i32 to index
      %get3A_249 = arith.index_cast %mul3A_172 : i32 to index
      %get3A_250 = tpu.vector_load %arg6[%get3A_248, %get3A_249] {strides = array<i32>} : memref<48x768xf32, #tpu.memory_space<vmem>>, vector<1x16xf32>,
      %get3A_251 = vector.shape_cast %get3A_250 : vector<1x16xf32> to vector<16xf32>
      %get3A_252 = arith.constant 13 : i32
      %get3A_253 = arith.index_cast %get3A_252 : i32 to index
      %get3A_254 = arith.index_cast %mul3A_172 : i32 to index
      %get3A_255 = tpu.vector_load %arg6[%get3A_253, %get3A_254] {strides = array<i32>} : memref<48x768xf32, #tpu.memory_space<vmem>>, vector<1x16xf32>,
      %get3A_256 = vector.shape_cast %get3A_255 : vector<1x16xf32> to vector<16xf32>
      %get3A_257 = arith.constant 14 : i32
      %get3A_258 = arith.index_cast %get3A_257 : i32 to index
      %get3A_259 = arith.index_cast %mul3A_172 : i32 to index
      %get3A_260 = tpu.vector_load %arg6[%get3A_258, %get3A_259] {strides = array<i32>} : memref<48x768xf32, #tpu.memory_space<vmem>>, vector<1x16xf32>,
      %get3A_261 = vector.shape_cast %get3A_260 : vector<1x16xf32> to vector<16xf32>
      %get3A_262 = arith.constant 15 : i32
      %get3A_263 = arith.index_cast %get3A_262 : i32 to index
      %get3A_264 = arith.index_cast %mul3A_172 : i32 to index
      %get3A_265 = tpu.vector_load %arg6[%get3A_263, %get3A_264] {strides = array<i32>} : memref<48x768xf32, #tpu.memory_space<vmem>>, vector<1x16xf32>,
      %get3A_266 = vector.shape_cast %get3A_265 : vector<1x16xf32> to vector<16xf32>
      %max3A_267 = arith.maximumf %max3A_239, %get3A_251 : vector<16xf32>
      %max3A_268 = arith.maximumf %max3A_240, %get3A_256 : vector<16xf32>
      %max3A_269 = arith.maximumf %max3A_241, %get3A_261 : vector<16xf32>
      %max3A_270 = arith.maximumf %max3A_242, %get3A_266 : vector<16xf32>
      %add3A_271 = arith.addf %add3A_243, %get3A_251 : vector<16xf32>
      %add3A_272 = arith.addf %add3A_244, %get3A_256 : vector<16xf32>
      %add3A_273 = arith.addf %add3A_245, %get3A_261 : vector<16xf32>
      %add3A_274 = arith.addf %add3A_246, %get3A_266 : vector<16xf32>
      %get3A_275 = arith.constant 16 : i32
      %get3A_276 = arith.index_cast %get3A_275 : i32 to index
      %get3A_277 = arith.index_cast %mul3A_172 : i32 to index
      %get3A_278 = tpu.vector_load %arg6[%get3A_276, %get3A_277] {strides = array<i32>} : memref<48x768xf32, #tpu.memory_space<vmem>>, vector<1x16xf32>,
      %get3A_279 = vector.shape_cast %get3A_278 : vector<1x16xf32> to vector<16xf32>
      %get3A_280 = arith.constant 17 : i32
      %get3A_281 = arith.index_cast %get3A_280 : i32 to index
      %get3A_282 = arith.index_cast %mul3A_172 : i32 to index
      %get3A_283 = tpu.vector_load %arg6[%get3A_281, %get3A_282] {strides = array<i32>} : memref<48x768xf32, #tpu.memory_space<vmem>>, vector<1x16xf32>,
      %get3A_284 = vector.shape_cast %get3A_283 : vector<1x16xf32> to vector<16xf32>
      %get3A_285 = arith.constant 18 : i32
      %get3A_286 = arith.index_cast %get3A_285 : i32 to index
      %get3A_287 = arith.index_cast %mul3A_172 : i32 to index
      %get3A_288 = tpu.vector_load %arg6[%get3A_286, %get3A_287] {strides = array<i32>} : memref<48x768xf32, #tpu.memory_space<vmem>>, vector<1x16xf32>,
      %get3A_289 = vector.shape_cast %get3A_288 : vector<1x16xf32> to vector<16xf32>
      %get3A_290 = arith.constant 19 : i32
      %get3A_291 = arith.index_cast %get3A_290 : i32 to index
      %get3A_292 = arith.index_cast %mul3A_172 : i32 to index
      %get3A_293 = tpu.vector_load %arg6[%get3A_291, %get3A_292] {strides = array<i32>} : memref<48x768xf32, #tpu.memory_space<vmem>>, vector<1x16xf32>,
      %get3A_294 = vector.shape_cast %get3A_293 : vector<1x16xf32> to vector<16xf32>
      %max3A_295 = arith.maximumf %max3A_267, %get3A_279 : vector<16xf32>
      %max3A_296 = arith.maximumf %max3A_268, %get3A_284 : vector<16xf32>
      %max3A_297 = arith.maximumf %max3A_269, %get3A_289 : vector<16xf32>
      %max3A_298 = arith.maximumf %max3A_270, %get3A_294 : vector<16xf32>
      %add3A_299 = arith.addf %add3A_271, %get3A_279 : vector<16xf32>
      %add3A_300 = arith.addf %add3A_272, %get3A_284 : vector<16xf32>
      %add3A_301 = arith.addf %add3A_273, %get3A_289 : vector<16xf32>
      %add3A_302 = arith.addf %add3A_274, %get3A_294 : vector<16xf32>
      %get3A_303 = arith.constant 20 : i32
      %get3A_304 = arith.index_cast %get3A_303 : i32 to index
      %get3A_305 = arith.index_cast %mul3A_172 : i32 to index
      %get3A_306 = tpu.vector_load %arg6[%get3A_304, %get3A_305] {strides = array<i32>} : memref<48x768xf32, #tpu.memory_space<vmem>>, vector<1x16xf32>,
      %get3A_307 = vector.shape_cast %get3A_306 : vector<1x16xf32> to vector<16xf32>
      %get3A_308 = arith.constant 21 : i32
      %get3A_309 = arith.index_cast %get3A_308 : i32 to index
      %get3A_310 = arith.index_cast %mul3A_172 : i32 to index
      %get3A_311 = tpu.vector_load %arg6[%get3A_309, %get3A_310] {strides = array<i32>} : memref<48x768xf32, #tpu.memory_space<vmem>>, vector<1x16xf32>,
      %get3A_312 = vector.shape_cast %get3A_311 : vector<1x16xf32> to vector<16xf32>
      %get3A_313 = arith.constant 22 : i32
      %get3A_314 = arith.index_cast %get3A_313 : i32 to index
      %get3A_315 = arith.index_cast %mul3A_172 : i32 to index
      %get3A_316 = tpu.vector_load %arg6[%get3A_314, %get3A_315] {strides = array<i32>} : memref<48x768xf32, #tpu.memory_space<vmem>>, vector<1x16xf32>,
      %get3A_317 = vector.shape_cast %get3A_316 : vector<1x16xf32> to vector<16xf32>
      %get3A_318 = arith.constant 23 : i32
      %get3A_319 = arith.index_cast %get3A_318 : i32 to index
      %get3A_320 = arith.index_cast %mul3A_172 : i32 to index
      %get3A_321 = tpu.vector_load %arg6[%get3A_319, %get3A_320] {strides = array<i32>} : memref<48x768xf32, #tpu.memory_space<vmem>>, vector<1x16xf32>,
      %get3A_322 = vector.shape_cast %get3A_321 : vector<1x16xf32> to vector<16xf32>
      %max3A_323 = arith.maximumf %max3A_295, %get3A_307 : vector<16xf32>
      %max3A_324 = arith.maximumf %max3A_296, %get3A_312 : vector<16xf32>
      %max3A_325 = arith.maximumf %max3A_297, %get3A_317 : vector<16xf32>
      %max3A_326 = arith.maximumf %max3A_298, %get3A_322 : vector<16xf32>
      %add3A_327 = arith.addf %add3A_299, %get3A_307 : vector<16xf32>
      %add3A_328 = arith.addf %add3A_300, %get3A_312 : vector<16xf32>
      %add3A_329 = arith.addf %add3A_301, %get3A_317 : vector<16xf32>
      %add3A_330 = arith.addf %add3A_302, %get3A_322 : vector<16xf32>
      %get3A_331 = arith.constant 24 : i32
      %get3A_332 = arith.index_cast %get3A_331 : i32 to index
      %get3A_333 = arith.index_cast %mul3A_172 : i32 to index
      %get3A_334 = tpu.vector_load %arg6[%get3A_332, %get3A_333] {strides = array<i32>} : memref<48x768xf32, #tpu.memory_space<vmem>>, vector<1x16xf32>,
      %get3A_335 = vector.shape_cast %get3A_334 : vector<1x16xf32> to vector<16xf32>
      %get3A_336 = arith.constant 25 : i32
      %get3A_337 = arith.index_cast %get3A_336 : i32 to index
      %get3A_338 = arith.index_cast %mul3A_172 : i32 to index
      %get3A_339 = tpu.vector_load %arg6[%get3A_337, %get3A_338] {strides = array<i32>} : memref<48x768xf32, #tpu.memory_space<vmem>>, vector<1x16xf32>,
      %get3A_340 = vector.shape_cast %get3A_339 : vector<1x16xf32> to vector<16xf32>
      %get3A_341 = arith.constant 26 : i32
      %get3A_342 = arith.index_cast %get3A_341 : i32 to index
      %get3A_343 = arith.index_cast %mul3A_172 : i32 to index
      %get3A_344 = tpu.vector_load %arg6[%get3A_342, %get3A_343] {strides = array<i32>} : memref<48x768xf32, #tpu.memory_space<vmem>>, vector<1x16xf32>,
      %get3A_345 = vector.shape_cast %get3A_344 : vector<1x16xf32> to vector<16xf32>
      %get3A_346 = arith.constant 27 : i32
      %get3A_347 = arith.index_cast %get3A_346 : i32 to index
      %get3A_348 = arith.index_cast %mul3A_172 : i32 to index
      %get3A_349 = tpu.vector_load %arg6[%get3A_347, %get3A_348] {strides = array<i32>} : memref<48x768xf32, #tpu.memory_space<vmem>>, vector<1x16xf32>,
      %get3A_350 = vector.shape_cast %get3A_349 : vector<1x16xf32> to vector<16xf32>
      %max3A_351 = arith.maximumf %max3A_323, %get3A_335 : vector<16xf32>
      %max3A_352 = arith.maximumf %max3A_324, %get3A_340 : vector<16xf32>
      %max3A_353 = arith.maximumf %max3A_325, %get3A_345 : vector<16xf32>
      %max3A_354 = arith.maximumf %max3A_326, %get3A_350 : vector<16xf32>
      %add3A_355 = arith.addf %add3A_327, %get3A_335 : vector<16xf32>
      %add3A_356 = arith.addf %add3A_328, %get3A_340 : vector<16xf32>
      %add3A_357 = arith.addf %add3A_329, %get3A_345 : vector<16xf32>
      %add3A_358 = arith.addf %add3A_330, %get3A_350 : vector<16xf32>
      %get3A_359 = arith.constant 28 : i32
      %get3A_360 = arith.index_cast %get3A_359 : i32 to index
      %get3A_361 = arith.index_cast %mul3A_172 : i32 to index
      %get3A_362 = tpu.vector_load %arg6[%get3A_360, %get3A_361] {strides = array<i32>} : memref<48x768xf32, #tpu.memory_space<vmem>>, vector<1x16xf32>,
      %get3A_363 = vector.shape_cast %get3A_362 : vector<1x16xf32> to vector<16xf32>
      %get3A_364 = arith.constant 29 : i32
      %get3A_365 = arith.index_cast %get3A_364 : i32 to index
      %get3A_366 = arith.index_cast %mul3A_172 : i32 to index
      %get3A_367 = tpu.vector_load %arg6[%get3A_365, %get3A_366] {strides = array<i32>} : memref<48x768xf32, #tpu.memory_space<vmem>>, vector<1x16xf32>,
      %get3A_368 = vector.shape_cast %get3A_367 : vector<1x16xf32> to vector<16xf32>
      %get3A_369 = arith.constant 30 : i32
      %get3A_370 = arith.index_cast %get3A_369 : i32 to index
      %get3A_371 = arith.index_cast %mul3A_172 : i32 to index
      %get3A_372 = tpu.vector_load %arg6[%get3A_370, %get3A_371] {strides = array<i32>} : memref<48x768xf32, #tpu.memory_space<vmem>>, vector<1x16xf32>,
      %get3A_373 = vector.shape_cast %get3A_372 : vector<1x16xf32> to vector<16xf32>
      %get3A_374 = arith.constant 31 : i32
      %get3A_375 = arith.index_cast %get3A_374 : i32 to index
      %get3A_376 = arith.index_cast %mul3A_172 : i32 to index
      %get3A_377 = tpu.vector_load %arg6[%get3A_375, %get3A_376] {strides = array<i32>} : memref<48x768xf32, #tpu.memory_space<vmem>>, vector<1x16xf32>,
      %get3A_378 = vector.shape_cast %get3A_377 : vector<1x16xf32> to vector<16xf32>
      %max3A_379 = arith.maximumf %max3A_351, %get3A_363 : vector<16xf32>
      %max3A_380 = arith.maximumf %max3A_352, %get3A_368 : vector<16xf32>
      %max3A_381 = arith.maximumf %max3A_353, %get3A_373 : vector<16xf32>
      %max3A_382 = arith.maximumf %max3A_354, %get3A_378 : vector<16xf32>
      %add3A_383 = arith.addf %add3A_355, %get3A_363 : vector<16xf32>
      %add3A_384 = arith.addf %add3A_356, %get3A_368 : vector<16xf32>
      %add3A_385 = arith.addf %add3A_357, %get3A_373 : vector<16xf32>
      %add3A_386 = arith.addf %add3A_358, %get3A_378 : vector<16xf32>
      %get3A_387 = arith.constant 32 : i32
      %get3A_388 = arith.index_cast %get3A_387 : i32 to index
      %get3A_389 = arith.index_cast %mul3A_172 : i32 to index
      %get3A_390 = tpu.vector_load %arg6[%get3A_388, %get3A_389] {strides = array<i32>} : memref<48x768xf32, #tpu.memory_space<vmem>>, vector<1x16xf32>,
      %get3A_391 = vector.shape_cast %get3A_390 : vector<1x16xf32> to vector<16xf32>
      %get3A_392 = arith.constant 33 : i32
      %get3A_393 = arith.index_cast %get3A_392 : i32 to index
      %get3A_394 = arith.index_cast %mul3A_172 : i32 to index
      %get3A_395 = tpu.vector_load %arg6[%get3A_393, %get3A_394] {strides = array<i32>} : memref<48x768xf32, #tpu.memory_space<vmem>>, vector<1x16xf32>,
      %get3A_396 = vector.shape_cast %get3A_395 : vector<1x16xf32> to vector<16xf32>
      %get3A_397 = arith.constant 34 : i32
      %get3A_398 = arith.index_cast %get3A_397 : i32 to index
      %get3A_399 = arith.index_cast %mul3A_172 : i32 to index
      %get3A_400 = tpu.vector_load %arg6[%get3A_398, %get3A_399] {strides = array<i32>} : memref<48x768xf32, #tpu.memory_space<vmem>>, vector<1x16xf32>,
      %get3A_401 = vector.shape_cast %get3A_400 : vector<1x16xf32> to vector<16xf32>
      %get3A_402 = arith.constant 35 : i32
      %get3A_403 = arith.index_cast %get3A_402 : i32 to index
      %get3A_404 = arith.index_cast %mul3A_172 : i32 to index
      %get3A_405 = tpu.vector_load %arg6[%get3A_403, %get3A_404] {strides = array<i32>} : memref<48x768xf32, #tpu.memory_space<vmem>>, vector<1x16xf32>,
      %get3A_406 = vector.shape_cast %get3A_405 : vector<1x16xf32> to vector<16xf32>
      %max3A_407 = arith.maximumf %max3A_379, %get3A_391 : vector<16xf32>
      %max3A_408 = arith.maximumf %max3A_380, %get3A_396 : vector<16xf32>
      %max3A_409 = arith.maximumf %max3A_381, %get3A_401 : vector<16xf32>
      %max3A_410 = arith.maximumf %max3A_382, %get3A_406 : vector<16xf32>
      %add3A_411 = arith.addf %add3A_383, %get3A_391 : vector<16xf32>
      %add3A_412 = arith.addf %add3A_384, %get3A_396 : vector<16xf32>
      %add3A_413 = arith.addf %add3A_385, %get3A_401 : vector<16xf32>
      %add3A_414 = arith.addf %add3A_386, %get3A_406 : vector<16xf32>
      %get3A_415 = arith.constant 36 : i32
      %get3A_416 = arith.index_cast %get3A_415 : i32 to index
      %get3A_417 = arith.index_cast %mul3A_172 : i32 to index
      %get3A_418 = tpu.vector_load %arg6[%get3A_416, %get3A_417] {strides = array<i32>} : memref<48x768xf32, #tpu.memory_space<vmem>>, vector<1x16xf32>,
      %get3A_419 = vector.shape_cast %get3A_418 : vector<1x16xf32> to vector<16xf32>
      %get3A_420 = arith.constant 37 : i32
      %get3A_421 = arith.index_cast %get3A_420 : i32 to index
      %get3A_422 = arith.index_cast %mul3A_172 : i32 to index
      %get3A_423 = tpu.vector_load %arg6[%get3A_421, %get3A_422] {strides = array<i32>} : memref<48x768xf32, #tpu.memory_space<vmem>>, vector<1x16xf32>,
      %get3A_424 = vector.shape_cast %get3A_423 : vector<1x16xf32> to vector<16xf32>
      %get3A_425 = arith.constant 38 : i32
      %get3A_426 = arith.index_cast %get3A_425 : i32 to index
      %get3A_427 = arith.index_cast %mul3A_172 : i32 to index
      %get3A_428 = tpu.vector_load %arg6[%get3A_426, %get3A_427] {strides = array<i32>} : memref<48x768xf32, #tpu.memory_space<vmem>>, vector<1x16xf32>,
      %get3A_429 = vector.shape_cast %get3A_428 : vector<1x16xf32> to vector<16xf32>
      %get3A_430 = arith.constant 39 : i32
      %get3A_431 = arith.index_cast %get3A_430 : i32 to index
      %get3A_432 = arith.index_cast %mul3A_172 : i32 to index
      %get3A_433 = tpu.vector_load %arg6[%get3A_431, %get3A_432] {strides = array<i32>} : memref<48x768xf32, #tpu.memory_space<vmem>>, vector<1x16xf32>,
      %get3A_434 = vector.shape_cast %get3A_433 : vector<1x16xf32> to vector<16xf32>
      %max3A_435 = arith.maximumf %max3A_407, %get3A_419 : vector<16xf32>
      %max3A_436 = arith.maximumf %max3A_408, %get3A_424 : vector<16xf32>
      %max3A_437 = arith.maximumf %max3A_409, %get3A_429 : vector<16xf32>
      %max3A_438 = arith.maximumf %max3A_410, %get3A_434 : vector<16xf32>
      %add3A_439 = arith.addf %add3A_411, %get3A_419 : vector<16xf32>
      %add3A_440 = arith.addf %add3A_412, %get3A_424 : vector<16xf32>
      %add3A_441 = arith.addf %add3A_413, %get3A_429 : vector<16xf32>
      %add3A_442 = arith.addf %add3A_414, %get3A_434 : vector<16xf32>
      %get3A_443 = arith.constant 40 : i32
      %get3A_444 = arith.index_cast %get3A_443 : i32 to index
      %get3A_445 = arith.index_cast %mul3A_172 : i32 to index
      %get3A_446 = tpu.vector_load %arg6[%get3A_444, %get3A_445] {strides = array<i32>} : memref<48x768xf32, #tpu.memory_space<vmem>>, vector<1x16xf32>,
      %get3A_447 = vector.shape_cast %get3A_446 : vector<1x16xf32> to vector<16xf32>
      %get3A_448 = arith.constant 41 : i32
      %get3A_449 = arith.index_cast %get3A_448 : i32 to index
      %get3A_450 = arith.index_cast %mul3A_172 : i32 to index
      %get3A_451 = tpu.vector_load %arg6[%get3A_449, %get3A_450] {strides = array<i32>} : memref<48x768xf32, #tpu.memory_space<vmem>>, vector<1x16xf32>,
      %get3A_452 = vector.shape_cast %get3A_451 : vector<1x16xf32> to vector<16xf32>
      %get3A_453 = arith.constant 42 : i32
      %get3A_454 = arith.index_cast %get3A_453 : i32 to index
      %get3A_455 = arith.index_cast %mul3A_172 : i32 to index
      %get3A_456 = tpu.vector_load %arg6[%get3A_454, %get3A_455] {strides = array<i32>} : memref<48x768xf32, #tpu.memory_space<vmem>>, vector<1x16xf32>,
      %get3A_457 = vector.shape_cast %get3A_456 : vector<1x16xf32> to vector<16xf32>
      %get3A_458 = arith.constant 43 : i32
      %get3A_459 = arith.index_cast %get3A_458 : i32 to index
      %get3A_460 = arith.index_cast %mul3A_172 : i32 to index
      %get3A_461 = tpu.vector_load %arg6[%get3A_459, %get3A_460] {strides = array<i32>} : memref<48x768xf32, #tpu.memory_space<vmem>>, vector<1x16xf32>,
      %get3A_462 = vector.shape_cast %get3A_461 : vector<1x16xf32> to vector<16xf32>
      %max3A_463 = arith.maximumf %max3A_435, %get3A_447 : vector<16xf32>
      %max3A_464 = arith.maximumf %max3A_436, %get3A_452 : vector<16xf32>
      %max3A_465 = arith.maximumf %max3A_437, %get3A_457 : vector<16xf32>
      %max3A_466 = arith.maximumf %max3A_438, %get3A_462 : vector<16xf32>
      %add3A_467 = arith.addf %add3A_439, %get3A_447 : vector<16xf32>
      %add3A_468 = arith.addf %add3A_440, %get3A_452 : vector<16xf32>
      %add3A_469 = arith.addf %add3A_441, %get3A_457 : vector<16xf32>
      %add3A_470 = arith.addf %add3A_442, %get3A_462 : vector<16xf32>
      %get3A_471 = arith.constant 44 : i32
      %get3A_472 = arith.index_cast %get3A_471 : i32 to index
      %get3A_473 = arith.index_cast %mul3A_172 : i32 to index
      %get3A_474 = tpu.vector_load %arg6[%get3A_472, %get3A_473] {strides = array<i32>} : memref<48x768xf32, #tpu.memory_space<vmem>>, vector<1x16xf32>,
      %get3A_475 = vector.shape_cast %get3A_474 : vector<1x16xf32> to vector<16xf32>
      %get3A_476 = arith.constant 45 : i32
      %get3A_477 = arith.index_cast %get3A_476 : i32 to index
      %get3A_478 = arith.index_cast %mul3A_172 : i32 to index
      %get3A_479 = tpu.vector_load %arg6[%get3A_477, %get3A_478] {strides = array<i32>} : memref<48x768xf32, #tpu.memory_space<vmem>>, vector<1x16xf32>,
      %get3A_480 = vector.shape_cast %get3A_479 : vector<1x16xf32> to vector<16xf32>
      %get3A_481 = arith.constant 46 : i32
      %get3A_482 = arith.index_cast %get3A_481 : i32 to index
      %get3A_483 = arith.index_cast %mul3A_172 : i32 to index
      %get3A_484 = tpu.vector_load %arg6[%get3A_482, %get3A_483] {strides = array<i32>} : memref<48x768xf32, #tpu.memory_space<vmem>>, vector<1x16xf32>,
      %get3A_485 = vector.shape_cast %get3A_484 : vector<1x16xf32> to vector<16xf32>
      %get3A_486 = arith.constant 47 : i32
      %get3A_487 = arith.index_cast %get3A_486 : i32 to index
      %get3A_488 = arith.index_cast %mul3A_172 : i32 to index
      %get3A_489 = tpu.vector_load %arg6[%get3A_487, %get3A_488] {strides = array<i32>} : memref<48x768xf32, #tpu.memory_space<vmem>>, vector<1x16xf32>,
      %get3A_490 = vector.shape_cast %get3A_489 : vector<1x16xf32> to vector<16xf32>
      %max3A_491 = arith.maximumf %max3A_463, %get3A_475 : vector<16xf32>
      %max3A_492 = arith.maximumf %max3A_464, %get3A_480 : vector<16xf32>
      %max3A_493 = arith.maximumf %max3A_465, %get3A_485 : vector<16xf32>
      %max3A_494 = arith.maximumf %max3A_466, %get3A_490 : vector<16xf32>
      %add3A_495 = arith.addf %add3A_467, %get3A_475 : vector<16xf32>
      %add3A_496 = arith.addf %add3A_468, %get3A_480 : vector<16xf32>
      %add3A_497 = arith.addf %add3A_469, %get3A_485 : vector<16xf32>
      %add3A_498 = arith.addf %add3A_470, %get3A_490 : vector<16xf32>
      %max3A_499 = arith.maximumf %max3A_491, %max3A_492 : vector<16xf32>
      %max3A_500 = arith.maximumf %max3A_493, %max3A_494 : vector<16xf32>
      %max3A_501 = arith.maximumf %max3A_499, %max3A_500 : vector<16xf32>
      %add3A_502 = arith.addf %add3A_495, %add3A_496 : vector<16xf32>
      %add3A_503 = arith.addf %add3A_497, %add3A_498 : vector<16xf32>
      %add3A_504 = arith.addf %add3A_502, %add3A_503 : vector<16xf32>
      %get3A_505 = arith.index_cast %mul3A_172 : i32 to index
      %get3A_506 = tpu.vector_load %arg7[%get3A_505] {strides = array<i32>} : memref<768xf32, #tpu.memory_space<vmem>>, vector<16xf32>,
      %get3A_507 = vector.shape_cast %get3A_506 : vector<16xf32> to vector<16xf32>
      %max3A_508 = arith.maximumf %get3A_507, %max3A_501 : vector<16xf32>
      %swap3A = arith.index_cast %mul3A_172 : i32 to index
      %swap3A_509 = tpu.vector_load %arg7[%swap3A] {strides = array<i32>} : memref<768xf32, #tpu.memory_space<vmem>>, vector<16xf32>,
      %swap3A_510 = vector.shape_cast %swap3A_509 : vector<16xf32> to vector<16xf32>
      %swap3A_511 = vector.shape_cast %max3A_508 : vector<16xf32> to vector<16xf32>
      tpu.vector_store %arg7[%swap3A], %swap3A_511 {strides = array<i32>} : memref<768xf32, #tpu.memory_space<vmem>>, vector<16xf32>,
      %get3A_512 = arith.index_cast %mul3A_172 : i32 to index
      %get3A_513 = tpu.vector_load %arg8[%get3A_512] {strides = array<i32>} : memref<768xf32, #tpu.memory_space<vmem>>, vector<16xf32>,
      %get3A_514 = vector.shape_cast %get3A_513 : vector<16xf32> to vector<16xf32>
      %add3A_515 = arith.addf %get3A_514, %add3A_504 : vector<16xf32>
      %swap3A_516 = arith.index_cast %mul3A_172 : i32 to index
      %swap3A_517 = tpu.vector_load %arg8[%swap3A_516] {strides = array<i32>} : memref<768xf32, #tpu.memory_space<vmem>>, vector<16xf32>,
      %swap3A_518 = vector.shape_cast %swap3A_517 : vector<16xf32> to vector<16xf32>
      %swap3A_519 = vector.shape_cast %add3A_515 : vector<16xf32> to vector<16xf32>
      tpu.vector_store %arg8[%swap3A_516], %swap3A_519 {strides = array<i32>} : memref<768xf32, #tpu.memory_space<vmem>>, vector<16xf32>,
    }
    %scan3A_133 = arith.constant 48 : i32
    %add3A_134 = arith.constant 192 : i32
    %add3A_135 = arith.addi %mul3A_34, %add3A_134 : i32
    %dma_wait3A_136 = arith.constant 0 : i32
    %dma_wait3A_137 = tpu.memref_slice %arg2[%add3A_32, %add3A_135, %dma_wait3A_136] : memref<64x576x768xf32, #tpu.memory_space<hbm>> -> memref<1x48x768xf32, #tpu.memory_space<hbm>>
    %dma_wait3A_138 = tpu.memref_squeeze %dma_wait3A_137 : memref<1x48x768xf32, #tpu.memory_space<hbm>> -> memref<48x768xf32, #tpu.memory_space<hbm>>
    %dma_wait3A_139 = arith.constant 0 : i32
    %dma_wait3A_140 = tpu.memref_slice %arg2[%add3A_32, %add3A_135, %dma_wait3A_139] : memref<64x576x768xf32, #tpu.memory_space<hbm>> -> memref<1x48x768xf32, #tpu.memory_space<hbm>>
    %dma_wait3A_141 = tpu.memref_squeeze %dma_wait3A_140 : memref<1x48x768xf32, #tpu.memory_space<hbm>> -> memref<48x768xf32, #tpu.memory_space<hbm>>
    tpu.wait_dma2 semaphore(%arg9 : memref<!tpu.dma_semaphore, #tpu.memory_space<semaphore_mem>>) src(%dma_wait3A_141 : memref<48x768xf32, #tpu.memory_space<hbm>>) dst(%arg5 : memref<48x768xf32, #tpu.memory_space<vmem>>)
    %add3A_142 = arith.constant 240 : i32
    %add3A_143 = arith.addi %mul3A_34, %add3A_142 : i32
    %dma_start3A_144 = arith.constant 0 : i32
    %dma_start3A_145 = tpu.memref_slice %arg2[%add3A_32, %add3A_143, %dma_start3A_144] : memref<64x576x768xf32, #tpu.memory_space<hbm>> -> memref<1x48x768xf32, #tpu.memory_space<hbm>>
    %dma_start3A_146 = tpu.memref_squeeze %dma_start3A_145 : memref<1x48x768xf32, #tpu.memory_space<hbm>> -> memref<48x768xf32, #tpu.memory_space<hbm>>
    %dma_start3A_147 = arith.constant 0 : i32
    %dma_start3A_148 = tpu.memref_slice %arg2[%add3A_32, %add3A_143, %dma_start3A_147] : memref<64x576x768xf32, #tpu.memory_space<hbm>> -> memref<1x48x768xf32, #tpu.memory_space<hbm>>
    %dma_start3A_149 = tpu.memref_squeeze %dma_start3A_148 : memref<1x48x768xf32, #tpu.memory_space<hbm>> -> memref<48x768xf32, #tpu.memory_space<hbm>>
    tpu.enqueue_dma source(%dma_start3A_149 : memref<48x768xf32, #tpu.memory_space<hbm>>) target(%arg6 : memref<48x768xf32, #tpu.memory_space<vmem>>) target_semaphore(%arg10 : memref<!tpu.dma_semaphore, #tpu.memory_space<semaphore_mem>>)
    %scan3A_150 = arith.constant 0 : i32
    %scan3A_151 = arith.constant 0 : i32
    %scan3A_152 = arith.constant 48 : i32
    %scan3A_153 = arith.addi %scan3A_151, %scan3A_152 : i32
    %scan3A_154 = arith.constant 1 : i32
    scf.for %scan3A_170 = %scan3A_151 to %scan3A_153 step %scan3A_154  : i32 {
      %mul3A_171 = arith.constant 16 : i32
      %mul3A_172 = arith.muli %scan3A_170, %mul3A_171 : i32
      %get3A = arith.constant 0 : i32
      %get3A_173 = arith.index_cast %get3A : i32 to index
      %get3A_174 = arith.index_cast %mul3A_172 : i32 to index
      %get3A_175 = tpu.vector_load %arg5[%get3A_173, %get3A_174] {strides = array<i32>} : memref<48x768xf32, #tpu.memory_space<vmem>>, vector<1x16xf32>,
      %get3A_176 = vector.shape_cast %get3A_175 : vector<1x16xf32> to vector<16xf32>
      %get3A_177 = arith.constant 1 : i32
      %get3A_178 = arith.index_cast %get3A_177 : i32 to index
      %get3A_179 = arith.index_cast %mul3A_172 : i32 to index
      %get3A_180 = tpu.vector_load %arg5[%get3A_178, %get3A_179] {strides = array<i32>} : memref<48x768xf32, #tpu.memory_space<vmem>>, vector<1x16xf32>,
      %get3A_181 = vector.shape_cast %get3A_180 : vector<1x16xf32> to vector<16xf32>
      %get3A_182 = arith.constant 2 : i32
      %get3A_183 = arith.index_cast %get3A_182 : i32 to index
      %get3A_184 = arith.index_cast %mul3A_172 : i32 to index
      %get3A_185 = tpu.vector_load %arg5[%get3A_183, %get3A_184] {strides = array<i32>} : memref<48x768xf32, #tpu.memory_space<vmem>>, vector<1x16xf32>,
      %get3A_186 = vector.shape_cast %get3A_185 : vector<1x16xf32> to vector<16xf32>
      %get3A_187 = arith.constant 3 : i32
      %get3A_188 = arith.index_cast %get3A_187 : i32 to index
      %get3A_189 = arith.index_cast %mul3A_172 : i32 to index
      %get3A_190 = tpu.vector_load %arg5[%get3A_188, %get3A_189] {strides = array<i32>} : memref<48x768xf32, #tpu.memory_space<vmem>>, vector<1x16xf32>,
      %get3A_191 = vector.shape_cast %get3A_190 : vector<1x16xf32> to vector<16xf32>
      %get3A_192 = arith.constant 4 : i32
      %get3A_193 = arith.index_cast %get3A_192 : i32 to index
      %get3A_194 = arith.index_cast %mul3A_172 : i32 to index
      %get3A_195 = tpu.vector_load %arg5[%get3A_193, %get3A_194] {strides = array<i32>} : memref<48x768xf32, #tpu.memory_space<vmem>>, vector<1x16xf32>,
      %get3A_196 = vector.shape_cast %get3A_195 : vector<1x16xf32> to vector<16xf32>
      %get3A_197 = arith.constant 5 : i32
      %get3A_198 = arith.index_cast %get3A_197 : i32 to index
      %get3A_199 = arith.index_cast %mul3A_172 : i32 to index
      %get3A_200 = tpu.vector_load %arg5[%get3A_198, %get3A_199] {strides = array<i32>} : memref<48x768xf32, #tpu.memory_space<vmem>>, vector<1x16xf32>,
      %get3A_201 = vector.shape_cast %get3A_200 : vector<1x16xf32> to vector<16xf32>
      %get3A_202 = arith.constant 6 : i32
      %get3A_203 = arith.index_cast %get3A_202 : i32 to index
      %get3A_204 = arith.index_cast %mul3A_172 : i32 to index
      %get3A_205 = tpu.vector_load %arg5[%get3A_203, %get3A_204] {strides = array<i32>} : memref<48x768xf32, #tpu.memory_space<vmem>>, vector<1x16xf32>,
      %get3A_206 = vector.shape_cast %get3A_205 : vector<1x16xf32> to vector<16xf32>
      %get3A_207 = arith.constant 7 : i32
      %get3A_208 = arith.index_cast %get3A_207 : i32 to index
      %get3A_209 = arith.index_cast %mul3A_172 : i32 to index
      %get3A_210 = tpu.vector_load %arg5[%get3A_208, %get3A_209] {strides = array<i32>} : memref<48x768xf32, #tpu.memory_space<vmem>>, vector<1x16xf32>,
      %get3A_211 = vector.shape_cast %get3A_210 : vector<1x16xf32> to vector<16xf32>
      %max3A = arith.maximumf %get3A_176, %get3A_196 : vector<16xf32>
      %max3A_212 = arith.maximumf %get3A_181, %get3A_201 : vector<16xf32>
      %max3A_213 = arith.maximumf %get3A_186, %get3A_206 : vector<16xf32>
      %max3A_214 = arith.maximumf %get3A_191, %get3A_211 : vector<16xf32>
      %add3A_215 = arith.addf %get3A_176, %get3A_196 : vector<16xf32>
      %add3A_216 = arith.addf %get3A_181, %get3A_201 : vector<16xf32>
      %add3A_217 = arith.addf %get3A_186, %get3A_206 : vector<16xf32>
      %add3A_218 = arith.addf %get3A_191, %get3A_211 : vector<16xf32>
      %get3A_219 = arith.constant 8 : i32
      %get3A_220 = arith.index_cast %get3A_219 : i32 to index
      %get3A_221 = arith.index_cast %mul3A_172 : i32 to index
      %get3A_222 = tpu.vector_load %arg5[%get3A_220, %get3A_221] {strides = array<i32>} : memref<48x768xf32, #tpu.memory_space<vmem>>, vector<1x16xf32>,
      %get3A_223 = vector.shape_cast %get3A_222 : vector<1x16xf32> to vector<16xf32>
      %get3A_224 = arith.constant 9 : i32
      %get3A_225 = arith.index_cast %get3A_224 : i32 to index
      %get3A_226 = arith.index_cast %mul3A_172 : i32 to index
      %get3A_227 = tpu.vector_load %arg5[%get3A_225, %get3A_226] {strides = array<i32>} : memref<48x768xf32, #tpu.memory_space<vmem>>, vector<1x16xf32>,
      %get3A_228 = vector.shape_cast %get3A_227 : vector<1x16xf32> to vector<16xf32>
      %get3A_229 = arith.constant 10 : i32
      %get3A_230 = arith.index_cast %get3A_229 : i32 to index
      %get3A_231 = arith.index_cast %mul3A_172 : i32 to index
      %get3A_232 = tpu.vector_load %arg5[%get3A_230, %get3A_231] {strides = array<i32>} : memref<48x768xf32, #tpu.memory_space<vmem>>, vector<1x16xf32>,
      %get3A_233 = vector.shape_cast %get3A_232 : vector<1x16xf32> to vector<16xf32>
      %get3A_234 = arith.constant 11 : i32
      %get3A_235 = arith.index_cast %get3A_234 : i32 to index
      %get3A_236 = arith.index_cast %mul3A_172 : i32 to index
      %get3A_237 = tpu.vector_load %arg5[%get3A_235, %get3A_236] {strides = array<i32>} : memref<48x768xf32, #tpu.memory_space<vmem>>, vector<1x16xf32>,
      %get3A_238 = vector.shape_cast %get3A_237 : vector<1x16xf32> to vector<16xf32>
      %max3A_239 = arith.maximumf %max3A, %get3A_223 : vector<16xf32>
      %max3A_240 = arith.maximumf %max3A_212, %get3A_228 : vector<16xf32>
      %max3A_241 = arith.maximumf %max3A_213, %get3A_233 : vector<16xf32>
      %max3A_242 = arith.maximumf %max3A_214, %get3A_238 : vector<16xf32>
      %add3A_243 = arith.addf %add3A_215, %get3A_223 : vector<16xf32>
      %add3A_244 = arith.addf %add3A_216, %get3A_228 : vector<16xf32>
      %add3A_245 = arith.addf %add3A_217, %get3A_233 : vector<16xf32>
      %add3A_246 = arith.addf %add3A_218, %get3A_238 : vector<16xf32>
      %get3A_247 = arith.constant 12 : i32
      %get3A_248 = arith.index_cast %get3A_247 : i32 to index
      %get3A_249 = arith.index_cast %mul3A_172 : i32 to index
      %get3A_250 = tpu.vector_load %arg5[%get3A_248, %get3A_249] {strides = array<i32>} : memref<48x768xf32, #tpu.memory_space<vmem>>, vector<1x16xf32>,
      %get3A_251 = vector.shape_cast %get3A_250 : vector<1x16xf32> to vector<16xf32>
      %get3A_252 = arith.constant 13 : i32
      %get3A_253 = arith.index_cast %get3A_252 : i32 to index
      %get3A_254 = arith.index_cast %mul3A_172 : i32 to index
      %get3A_255 = tpu.vector_load %arg5[%get3A_253, %get3A_254] {strides = array<i32>} : memref<48x768xf32, #tpu.memory_space<vmem>>, vector<1x16xf32>,
      %get3A_256 = vector.shape_cast %get3A_255 : vector<1x16xf32> to vector<16xf32>
      %get3A_257 = arith.constant 14 : i32
      %get3A_258 = arith.index_cast %get3A_257 : i32 to index
      %get3A_259 = arith.index_cast %mul3A_172 : i32 to index
      %get3A_260 = tpu.vector_load %arg5[%get3A_258, %get3A_259] {strides = array<i32>} : memref<48x768xf32, #tpu.memory_space<vmem>>, vector<1x16xf32>,
      %get3A_261 = vector.shape_cast %get3A_260 : vector<1x16xf32> to vector<16xf32>
      %get3A_262 = arith.constant 15 : i32
      %get3A_263 = arith.index_cast %get3A_262 : i32 to index
      %get3A_264 = arith.index_cast %mul3A_172 : i32 to index
      %get3A_265 = tpu.vector_load %arg5[%get3A_263, %get3A_264] {strides = array<i32>} : memref<48x768xf32, #tpu.memory_space<vmem>>, vector<1x16xf32>,
      %get3A_266 = vector.shape_cast %get3A_265 : vector<1x16xf32> to vector<16xf32>
      %max3A_267 = arith.maximumf %max3A_239, %get3A_251 : vector<16xf32>
      %max3A_268 = arith.maximumf %max3A_240, %get3A_256 : vector<16xf32>
      %max3A_269 = arith.maximumf %max3A_241, %get3A_261 : vector<16xf32>
      %max3A_270 = arith.maximumf %max3A_242, %get3A_266 : vector<16xf32>
      %add3A_271 = arith.addf %add3A_243, %get3A_251 : vector<16xf32>
      %add3A_272 = arith.addf %add3A_244, %get3A_256 : vector<16xf32>
      %add3A_273 = arith.addf %add3A_245, %get3A_261 : vector<16xf32>
      %add3A_274 = arith.addf %add3A_246, %get3A_266 : vector<16xf32>
      %get3A_275 = arith.constant 16 : i32
      %get3A_276 = arith.index_cast %get3A_275 : i32 to index
      %get3A_277 = arith.index_cast %mul3A_172 : i32 to index
      %get3A_278 = tpu.vector_load %arg5[%get3A_276, %get3A_277] {strides = array<i32>} : memref<48x768xf32, #tpu.memory_space<vmem>>, vector<1x16xf32>,
      %get3A_279 = vector.shape_cast %get3A_278 : vector<1x16xf32> to vector<16xf32>
      %get3A_280 = arith.constant 17 : i32
      %get3A_281 = arith.index_cast %get3A_280 : i32 to index
      %get3A_282 = arith.index_cast %mul3A_172 : i32 to index
      %get3A_283 = tpu.vector_load %arg5[%get3A_281, %get3A_282] {strides = array<i32>} : memref<48x768xf32, #tpu.memory_space<vmem>>, vector<1x16xf32>,
      %get3A_284 = vector.shape_cast %get3A_283 : vector<1x16xf32> to vector<16xf32>
      %get3A_285 = arith.constant 18 : i32
      %get3A_286 = arith.index_cast %get3A_285 : i32 to index
      %get3A_287 = arith.index_cast %mul3A_172 : i32 to index
      %get3A_288 = tpu.vector_load %arg5[%get3A_286, %get3A_287] {strides = array<i32>} : memref<48x768xf32, #tpu.memory_space<vmem>>, vector<1x16xf32>,
      %get3A_289 = vector.shape_cast %get3A_288 : vector<1x16xf32> to vector<16xf32>
      %get3A_290 = arith.constant 19 : i32
      %get3A_291 = arith.index_cast %get3A_290 : i32 to index
      %get3A_292 = arith.index_cast %mul3A_172 : i32 to index
      %get3A_293 = tpu.vector_load %arg5[%get3A_291, %get3A_292] {strides = array<i32>} : memref<48x768xf32, #tpu.memory_space<vmem>>, vector<1x16xf32>,
      %get3A_294 = vector.shape_cast %get3A_293 : vector<1x16xf32> to vector<16xf32>
      %max3A_295 = arith.maximumf %max3A_267, %get3A_279 : vector<16xf32>
      %max3A_296 = arith.maximumf %max3A_268, %get3A_284 : vector<16xf32>
      %max3A_297 = arith.maximumf %max3A_269, %get3A_289 : vector<16xf32>
      %max3A_298 = arith.maximumf %max3A_270, %get3A_294 : vector<16xf32>
      %add3A_299 = arith.addf %add3A_271, %get3A_279 : vector<16xf32>
      %add3A_300 = arith.addf %add3A_272, %get3A_284 : vector<16xf32>
      %add3A_301 = arith.addf %add3A_273, %get3A_289 : vector<16xf32>
      %add3A_302 = arith.addf %add3A_274, %get3A_294 : vector<16xf32>
      %get3A_303 = arith.constant 20 : i32
      %get3A_304 = arith.index_cast %get3A_303 : i32 to index
      %get3A_305 = arith.index_cast %mul3A_172 : i32 to index
      %get3A_306 = tpu.vector_load %arg5[%get3A_304, %get3A_305] {strides = array<i32>} : memref<48x768xf32, #tpu.memory_space<vmem>>, vector<1x16xf32>,
      %get3A_307 = vector.shape_cast %get3A_306 : vector<1x16xf32> to vector<16xf32>
      %get3A_308 = arith.constant 21 : i32
      %get3A_309 = arith.index_cast %get3A_308 : i32 to index
      %get3A_310 = arith.index_cast %mul3A_172 : i32 to index
      %get3A_311 = tpu.vector_load %arg5[%get3A_309, %get3A_310] {strides = array<i32>} : memref<48x768xf32, #tpu.memory_space<vmem>>, vector<1x16xf32>,
      %get3A_312 = vector.shape_cast %get3A_311 : vector<1x16xf32> to vector<16xf32>
      %get3A_313 = arith.constant 22 : i32
      %get3A_314 = arith.index_cast %get3A_313 : i32 to index
      %get3A_315 = arith.index_cast %mul3A_172 : i32 to index
      %get3A_316 = tpu.vector_load %arg5[%get3A_314, %get3A_315] {strides = array<i32>} : memref<48x768xf32, #tpu.memory_space<vmem>>, vector<1x16xf32>,
      %get3A_317 = vector.shape_cast %get3A_316 : vector<1x16xf32> to vector<16xf32>
      %get3A_318 = arith.constant 23 : i32
      %get3A_319 = arith.index_cast %get3A_318 : i32 to index
      %get3A_320 = arith.index_cast %mul3A_172 : i32 to index
      %get3A_321 = tpu.vector_load %arg5[%get3A_319, %get3A_320] {strides = array<i32>} : memref<48x768xf32, #tpu.memory_space<vmem>>, vector<1x16xf32>,
      %get3A_322 = vector.shape_cast %get3A_321 : vector<1x16xf32> to vector<16xf32>
      %max3A_323 = arith.maximumf %max3A_295, %get3A_307 : vector<16xf32>
      %max3A_324 = arith.maximumf %max3A_296, %get3A_312 : vector<16xf32>
      %max3A_325 = arith.maximumf %max3A_297, %get3A_317 : vector<16xf32>
      %max3A_326 = arith.maximumf %max3A_298, %get3A_322 : vector<16xf32>
      %add3A_327 = arith.addf %add3A_299, %get3A_307 : vector<16xf32>
      %add3A_328 = arith.addf %add3A_300, %get3A_312 : vector<16xf32>
      %add3A_329 = arith.addf %add3A_301, %get3A_317 : vector<16xf32>
      %add3A_330 = arith.addf %add3A_302, %get3A_322 : vector<16xf32>
      %get3A_331 = arith.constant 24 : i32
      %get3A_332 = arith.index_cast %get3A_331 : i32 to index
      %get3A_333 = arith.index_cast %mul3A_172 : i32 to index
      %get3A_334 = tpu.vector_load %arg5[%get3A_332, %get3A_333] {strides = array<i32>} : memref<48x768xf32, #tpu.memory_space<vmem>>, vector<1x16xf32>,
      %get3A_335 = vector.shape_cast %get3A_334 : vector<1x16xf32> to vector<16xf32>
      %get3A_336 = arith.constant 25 : i32
      %get3A_337 = arith.index_cast %get3A_336 : i32 to index
      %get3A_338 = arith.index_cast %mul3A_172 : i32 to index
      %get3A_339 = tpu.vector_load %arg5[%get3A_337, %get3A_338] {strides = array<i32>} : memref<48x768xf32, #tpu.memory_space<vmem>>, vector<1x16xf32>,
      %get3A_340 = vector.shape_cast %get3A_339 : vector<1x16xf32> to vector<16xf32>
      %get3A_341 = arith.constant 26 : i32
      %get3A_342 = arith.index_cast %get3A_341 : i32 to index
      %get3A_343 = arith.index_cast %mul3A_172 : i32 to index
      %get3A_344 = tpu.vector_load %arg5[%get3A_342, %get3A_343] {strides = array<i32>} : memref<48x768xf32, #tpu.memory_space<vmem>>, vector<1x16xf32>,
      %get3A_345 = vector.shape_cast %get3A_344 : vector<1x16xf32> to vector<16xf32>
      %get3A_346 = arith.constant 27 : i32
      %get3A_347 = arith.index_cast %get3A_346 : i32 to index
      %get3A_348 = arith.index_cast %mul3A_172 : i32 to index
      %get3A_349 = tpu.vector_load %arg5[%get3A_347, %get3A_348] {strides = array<i32>} : memref<48x768xf32, #tpu.memory_space<vmem>>, vector<1x16xf32>,
      %get3A_350 = vector.shape_cast %get3A_349 : vector<1x16xf32> to vector<16xf32>
      %max3A_351 = arith.maximumf %max3A_323, %get3A_335 : vector<16xf32>
      %max3A_352 = arith.maximumf %max3A_324, %get3A_340 : vector<16xf32>
      %max3A_353 = arith.maximumf %max3A_325, %get3A_345 : vector<16xf32>
      %max3A_354 = arith.maximumf %max3A_326, %get3A_350 : vector<16xf32>
      %add3A_355 = arith.addf %add3A_327, %get3A_335 : vector<16xf32>
      %add3A_356 = arith.addf %add3A_328, %get3A_340 : vector<16xf32>
      %add3A_357 = arith.addf %add3A_329, %get3A_345 : vector<16xf32>
      %add3A_358 = arith.addf %add3A_330, %get3A_350 : vector<16xf32>
      %get3A_359 = arith.constant 28 : i32
      %get3A_360 = arith.index_cast %get3A_359 : i32 to index
      %get3A_361 = arith.index_cast %mul3A_172 : i32 to index
      %get3A_362 = tpu.vector_load %arg5[%get3A_360, %get3A_361] {strides = array<i32>} : memref<48x768xf32, #tpu.memory_space<vmem>>, vector<1x16xf32>,
      %get3A_363 = vector.shape_cast %get3A_362 : vector<1x16xf32> to vector<16xf32>
      %get3A_364 = arith.constant 29 : i32
      %get3A_365 = arith.index_cast %get3A_364 : i32 to index
      %get3A_366 = arith.index_cast %mul3A_172 : i32 to index
      %get3A_367 = tpu.vector_load %arg5[%get3A_365, %get3A_366] {strides = array<i32>} : memref<48x768xf32, #tpu.memory_space<vmem>>, vector<1x16xf32>,
      %get3A_368 = vector.shape_cast %get3A_367 : vector<1x16xf32> to vector<16xf32>
      %get3A_369 = arith.constant 30 : i32
      %get3A_370 = arith.index_cast %get3A_369 : i32 to index
      %get3A_371 = arith.index_cast %mul3A_172 : i32 to index
      %get3A_372 = tpu.vector_load %arg5[%get3A_370, %get3A_371] {strides = array<i32>} : memref<48x768xf32, #tpu.memory_space<vmem>>, vector<1x16xf32>,
      %get3A_373 = vector.shape_cast %get3A_372 : vector<1x16xf32> to vector<16xf32>
      %get3A_374 = arith.constant 31 : i32
      %get3A_375 = arith.index_cast %get3A_374 : i32 to index
      %get3A_376 = arith.index_cast %mul3A_172 : i32 to index
      %get3A_377 = tpu.vector_load %arg5[%get3A_375, %get3A_376] {strides = array<i32>} : memref<48x768xf32, #tpu.memory_space<vmem>>, vector<1x16xf32>,
      %get3A_378 = vector.shape_cast %get3A_377 : vector<1x16xf32> to vector<16xf32>
      %max3A_379 = arith.maximumf %max3A_351, %get3A_363 : vector<16xf32>
      %max3A_380 = arith.maximumf %max3A_352, %get3A_368 : vector<16xf32>
      %max3A_381 = arith.maximumf %max3A_353, %get3A_373 : vector<16xf32>
      %max3A_382 = arith.maximumf %max3A_354, %get3A_378 : vector<16xf32>
      %add3A_383 = arith.addf %add3A_355, %get3A_363 : vector<16xf32>
      %add3A_384 = arith.addf %add3A_356, %get3A_368 : vector<16xf32>
      %add3A_385 = arith.addf %add3A_357, %get3A_373 : vector<16xf32>
      %add3A_386 = arith.addf %add3A_358, %get3A_378 : vector<16xf32>
      %get3A_387 = arith.constant 32 : i32
      %get3A_388 = arith.index_cast %get3A_387 : i32 to index
      %get3A_389 = arith.index_cast %mul3A_172 : i32 to index
      %get3A_390 = tpu.vector_load %arg5[%get3A_388, %get3A_389] {strides = array<i32>} : memref<48x768xf32, #tpu.memory_space<vmem>>, vector<1x16xf32>,
      %get3A_391 = vector.shape_cast %get3A_390 : vector<1x16xf32> to vector<16xf32>
      %get3A_392 = arith.constant 33 : i32
      %get3A_393 = arith.index_cast %get3A_392 : i32 to index
      %get3A_394 = arith.index_cast %mul3A_172 : i32 to index
      %get3A_395 = tpu.vector_load %arg5[%get3A_393, %get3A_394] {strides = array<i32>} : memref<48x768xf32, #tpu.memory_space<vmem>>, vector<1x16xf32>,
      %get3A_396 = vector.shape_cast %get3A_395 : vector<1x16xf32> to vector<16xf32>
      %get3A_397 = arith.constant 34 : i32
      %get3A_398 = arith.index_cast %get3A_397 : i32 to index
      %get3A_399 = arith.index_cast %mul3A_172 : i32 to index
      %get3A_400 = tpu.vector_load %arg5[%get3A_398, %get3A_399] {strides = array<i32>} : memref<48x768xf32, #tpu.memory_space<vmem>>, vector<1x16xf32>,
      %get3A_401 = vector.shape_cast %get3A_400 : vector<1x16xf32> to vector<16xf32>
      %get3A_402 = arith.constant 35 : i32
      %get3A_403 = arith.index_cast %get3A_402 : i32 to index
      %get3A_404 = arith.index_cast %mul3A_172 : i32 to index
      %get3A_405 = tpu.vector_load %arg5[%get3A_403, %get3A_404] {strides = array<i32>} : memref<48x768xf32, #tpu.memory_space<vmem>>, vector<1x16xf32>,
      %get3A_406 = vector.shape_cast %get3A_405 : vector<1x16xf32> to vector<16xf32>
      %max3A_407 = arith.maximumf %max3A_379, %get3A_391 : vector<16xf32>
      %max3A_408 = arith.maximumf %max3A_380, %get3A_396 : vector<16xf32>
      %max3A_409 = arith.maximumf %max3A_381, %get3A_401 : vector<16xf32>
      %max3A_410 = arith.maximumf %max3A_382, %get3A_406 : vector<16xf32>
      %add3A_411 = arith.addf %add3A_383, %get3A_391 : vector<16xf32>
      %add3A_412 = arith.addf %add3A_384, %get3A_396 : vector<16xf32>
      %add3A_413 = arith.addf %add3A_385, %get3A_401 : vector<16xf32>
      %add3A_414 = arith.addf %add3A_386, %get3A_406 : vector<16xf32>
      %get3A_415 = arith.constant 36 : i32
      %get3A_416 = arith.index_cast %get3A_415 : i32 to index
      %get3A_417 = arith.index_cast %mul3A_172 : i32 to index
      %get3A_418 = tpu.vector_load %arg5[%get3A_416, %get3A_417] {strides = array<i32>} : memref<48x768xf32, #tpu.memory_space<vmem>>, vector<1x16xf32>,
      %get3A_419 = vector.shape_cast %get3A_418 : vector<1x16xf32> to vector<16xf32>
      %get3A_420 = arith.constant 37 : i32
      %get3A_421 = arith.index_cast %get3A_420 : i32 to index
      %get3A_422 = arith.index_cast %mul3A_172 : i32 to index
      %get3A_423 = tpu.vector_load %arg5[%get3A_421, %get3A_422] {strides = array<i32>} : memref<48x768xf32, #tpu.memory_space<vmem>>, vector<1x16xf32>,
      %get3A_424 = vector.shape_cast %get3A_423 : vector<1x16xf32> to vector<16xf32>
      %get3A_425 = arith.constant 38 : i32
      %get3A_426 = arith.index_cast %get3A_425 : i32 to index
      %get3A_427 = arith.index_cast %mul3A_172 : i32 to index
      %get3A_428 = tpu.vector_load %arg5[%get3A_426, %get3A_427] {strides = array<i32>} : memref<48x768xf32, #tpu.memory_space<vmem>>, vector<1x16xf32>,
      %get3A_429 = vector.shape_cast %get3A_428 : vector<1x16xf32> to vector<16xf32>
      %get3A_430 = arith.constant 39 : i32
      %get3A_431 = arith.index_cast %get3A_430 : i32 to index
      %get3A_432 = arith.index_cast %mul3A_172 : i32 to index
      %get3A_433 = tpu.vector_load %arg5[%get3A_431, %get3A_432] {strides = array<i32>} : memref<48x768xf32, #tpu.memory_space<vmem>>, vector<1x16xf32>,
      %get3A_434 = vector.shape_cast %get3A_433 : vector<1x16xf32> to vector<16xf32>
      %max3A_435 = arith.maximumf %max3A_407, %get3A_419 : vector<16xf32>
      %max3A_436 = arith.maximumf %max3A_408, %get3A_424 : vector<16xf32>
      %max3A_437 = arith.maximumf %max3A_409, %get3A_429 : vector<16xf32>
      %max3A_438 = arith.maximumf %max3A_410, %get3A_434 : vector<16xf32>
      %add3A_439 = arith.addf %add3A_411, %get3A_419 : vector<16xf32>
      %add3A_440 = arith.addf %add3A_412, %get3A_424 : vector<16xf32>
      %add3A_441 = arith.addf %add3A_413, %get3A_429 : vector<16xf32>
      %add3A_442 = arith.addf %add3A_414, %get3A_434 : vector<16xf32>
      %get3A_443 = arith.constant 40 : i32
      %get3A_444 = arith.index_cast %get3A_443 : i32 to index
      %get3A_445 = arith.index_cast %mul3A_172 : i32 to index
      %get3A_446 = tpu.vector_load %arg5[%get3A_444, %get3A_445] {strides = array<i32>} : memref<48x768xf32, #tpu.memory_space<vmem>>, vector<1x16xf32>,
      %get3A_447 = vector.shape_cast %get3A_446 : vector<1x16xf32> to vector<16xf32>
      %get3A_448 = arith.constant 41 : i32
      %get3A_449 = arith.index_cast %get3A_448 : i32 to index
      %get3A_450 = arith.index_cast %mul3A_172 : i32 to index
      %get3A_451 = tpu.vector_load %arg5[%get3A_449, %get3A_450] {strides = array<i32>} : memref<48x768xf32, #tpu.memory_space<vmem>>, vector<1x16xf32>,
      %get3A_452 = vector.shape_cast %get3A_451 : vector<1x16xf32> to vector<16xf32>
      %get3A_453 = arith.constant 42 : i32
      %get3A_454 = arith.index_cast %get3A_453 : i32 to index
      %get3A_455 = arith.index_cast %mul3A_172 : i32 to index
      %get3A_456 = tpu.vector_load %arg5[%get3A_454, %get3A_455] {strides = array<i32>} : memref<48x768xf32, #tpu.memory_space<vmem>>, vector<1x16xf32>,
      %get3A_457 = vector.shape_cast %get3A_456 : vector<1x16xf32> to vector<16xf32>
      %get3A_458 = arith.constant 43 : i32
      %get3A_459 = arith.index_cast %get3A_458 : i32 to index
      %get3A_460 = arith.index_cast %mul3A_172 : i32 to index
      %get3A_461 = tpu.vector_load %arg5[%get3A_459, %get3A_460] {strides = array<i32>} : memref<48x768xf32, #tpu.memory_space<vmem>>, vector<1x16xf32>,
      %get3A_462 = vector.shape_cast %get3A_461 : vector<1x16xf32> to vector<16xf32>
      %max3A_463 = arith.maximumf %max3A_435, %get3A_447 : vector<16xf32>
      %max3A_464 = arith.maximumf %max3A_436, %get3A_452 : vector<16xf32>
      %max3A_465 = arith.maximumf %max3A_437, %get3A_457 : vector<16xf32>
      %max3A_466 = arith.maximumf %max3A_438, %get3A_462 : vector<16xf32>
      %add3A_467 = arith.addf %add3A_439, %get3A_447 : vector<16xf32>
      %add3A_468 = arith.addf %add3A_440, %get3A_452 : vector<16xf32>
      %add3A_469 = arith.addf %add3A_441, %get3A_457 : vector<16xf32>
      %add3A_470 = arith.addf %add3A_442, %get3A_462 : vector<16xf32>
      %get3A_471 = arith.constant 44 : i32
      %get3A_472 = arith.index_cast %get3A_471 : i32 to index
      %get3A_473 = arith.index_cast %mul3A_172 : i32 to index
      %get3A_474 = tpu.vector_load %arg5[%get3A_472, %get3A_473] {strides = array<i32>} : memref<48x768xf32, #tpu.memory_space<vmem>>, vector<1x16xf32>,
      %get3A_475 = vector.shape_cast %get3A_474 : vector<1x16xf32> to vector<16xf32>
      %get3A_476 = arith.constant 45 : i32
      %get3A_477 = arith.index_cast %get3A_476 : i32 to index
      %get3A_478 = arith.index_cast %mul3A_172 : i32 to index
      %get3A_479 = tpu.vector_load %arg5[%get3A_477, %get3A_478] {strides = array<i32>} : memref<48x768xf32, #tpu.memory_space<vmem>>, vector<1x16xf32>,
      %get3A_480 = vector.shape_cast %get3A_479 : vector<1x16xf32> to vector<16xf32>
      %get3A_481 = arith.constant 46 : i32
      %get3A_482 = arith.index_cast %get3A_481 : i32 to index
      %get3A_483 = arith.index_cast %mul3A_172 : i32 to index
      %get3A_484 = tpu.vector_load %arg5[%get3A_482, %get3A_483] {strides = array<i32>} : memref<48x768xf32, #tpu.memory_space<vmem>>, vector<1x16xf32>,
      %get3A_485 = vector.shape_cast %get3A_484 : vector<1x16xf32> to vector<16xf32>
      %get3A_486 = arith.constant 47 : i32
      %get3A_487 = arith.index_cast %get3A_486 : i32 to index
      %get3A_488 = arith.index_cast %mul3A_172 : i32 to index
      %get3A_489 = tpu.vector_load %arg5[%get3A_487, %get3A_488] {strides = array<i32>} : memref<48x768xf32, #tpu.memory_space<vmem>>, vector<1x16xf32>,
      %get3A_490 = vector.shape_cast %get3A_489 : vector<1x16xf32> to vector<16xf32>
      %max3A_491 = arith.maximumf %max3A_463, %get3A_475 : vector<16xf32>
      %max3A_492 = arith.maximumf %max3A_464, %get3A_480 : vector<16xf32>
      %max3A_493 = arith.maximumf %max3A_465, %get3A_485 : vector<16xf32>
      %max3A_494 = arith.maximumf %max3A_466, %get3A_490 : vector<16xf32>
      %add3A_495 = arith.addf %add3A_467, %get3A_475 : vector<16xf32>
      %add3A_496 = arith.addf %add3A_468, %get3A_480 : vector<16xf32>
      %add3A_497 = arith.addf %add3A_469, %get3A_485 : vector<16xf32>
      %add3A_498 = arith.addf %add3A_470, %get3A_490 : vector<16xf32>
      %max3A_499 = arith.maximumf %max3A_491, %max3A_492 : vector<16xf32>
      %max3A_500 = arith.maximumf %max3A_493, %max3A_494 : vector<16xf32>
      %max3A_501 = arith.maximumf %max3A_499, %max3A_500 : vector<16xf32>
      %add3A_502 = arith.addf %add3A_495, %add3A_496 : vector<16xf32>
      %add3A_503 = arith.addf %add3A_497, %add3A_498 : vector<16xf32>
      %add3A_504 = arith.addf %add3A_502, %add3A_503 : vector<16xf32>
      %get3A_505 = arith.index_cast %mul3A_172 : i32 to index
      %get3A_506 = tpu.vector_load %arg7[%get3A_505] {strides = array<i32>} : memref<768xf32, #tpu.memory_space<vmem>>, vector<16xf32>,
      %get3A_507 = vector.shape_cast %get3A_506 : vector<16xf32> to vector<16xf32>
      %max3A_508 = arith.maximumf %get3A_507, %max3A_501 : vector<16xf32>
      %swap3A = arith.index_cast %mul3A_172 : i32 to index
      %swap3A_509 = tpu.vector_load %arg7[%swap3A] {strides = array<i32>} : memref<768xf32, #tpu.memory_space<vmem>>, vector<16xf32>,
      %swap3A_510 = vector.shape_cast %swap3A_509 : vector<16xf32> to vector<16xf32>
      %swap3A_511 = vector.shape_cast %max3A_508 : vector<16xf32> to vector<16xf32>
      tpu.vector_store %arg7[%swap3A], %swap3A_511 {strides = array<i32>} : memref<768xf32, #tpu.memory_space<vmem>>, vector<16xf32>,
      %get3A_512 = arith.index_cast %mul3A_172 : i32 to index
      %get3A_513 = tpu.vector_load %arg8[%get3A_512] {strides = array<i32>} : memref<768xf32, #tpu.memory_space<vmem>>, vector<16xf32>,
      %get3A_514 = vector.shape_cast %get3A_513 : vector<16xf32> to vector<16xf32>
      %add3A_515 = arith.addf %get3A_514, %add3A_504 : vector<16xf32>
      %swap3A_516 = arith.index_cast %mul3A_172 : i32 to index
      %swap3A_517 = tpu.vector_load %arg8[%swap3A_516] {strides = array<i32>} : memref<768xf32, #tpu.memory_space<vmem>>, vector<16xf32>,
      %swap3A_518 = vector.shape_cast %swap3A_517 : vector<16xf32> to vector<16xf32>
      %swap3A_519 = vector.shape_cast %add3A_515 : vector<16xf32> to vector<16xf32>
      tpu.vector_store %arg8[%swap3A_516], %swap3A_519 {strides = array<i32>} : memref<768xf32, #tpu.memory_space<vmem>>, vector<16xf32>,
    }
    %scan3A_155 = arith.constant 48 : i32
    %add3A_156 = arith.constant 240 : i32
    %add3A_157 = arith.addi %mul3A_34, %add3A_156 : i32
    %dma_wait3A_158 = arith.constant 0 : i32
    %dma_wait3A_159 = tpu.memref_slice %arg2[%add3A_32, %add3A_157, %dma_wait3A_158] : memref<64x576x768xf32, #tpu.memory_space<hbm>> -> memref<1x48x768xf32, #tpu.memory_space<hbm>>
    %dma_wait3A_160 = tpu.memref_squeeze %dma_wait3A_159 : memref<1x48x768xf32, #tpu.memory_space<hbm>> -> memref<48x768xf32, #tpu.memory_space<hbm>>
    %dma_wait3A_161 = arith.constant 0 : i32
    %dma_wait3A_162 = tpu.memref_slice %arg2[%add3A_32, %add3A_157, %dma_wait3A_161] : memref<64x576x768xf32, #tpu.memory_space<hbm>> -> memref<1x48x768xf32, #tpu.memory_space<hbm>>
    %dma_wait3A_163 = tpu.memref_squeeze %dma_wait3A_162 : memref<1x48x768xf32, #tpu.memory_space<hbm>> -> memref<48x768xf32, #tpu.memory_space<hbm>>
    tpu.wait_dma2 semaphore(%arg10 : memref<!tpu.dma_semaphore, #tpu.memory_space<semaphore_mem>>) src(%dma_wait3A_163 : memref<48x768xf32, #tpu.memory_space<hbm>>) dst(%arg6 : memref<48x768xf32, #tpu.memory_space<vmem>>)
    %scan3A_164 = arith.constant 0 : i32
    %scan3A_165 = arith.constant 0 : i32
    %scan3A_166 = arith.constant 48 : i32
    %scan3A_167 = arith.addi %scan3A_165, %scan3A_166 : i32
    %scan3A_168 = arith.constant 1 : i32
    scf.for %scan3A_170 = %scan3A_165 to %scan3A_167 step %scan3A_168  : i32 {
      %mul3A_171 = arith.constant 16 : i32
      %mul3A_172 = arith.muli %scan3A_170, %mul3A_171 : i32
      %get3A = arith.constant 0 : i32
      %get3A_173 = arith.index_cast %get3A : i32 to index
      %get3A_174 = arith.index_cast %mul3A_172 : i32 to index
      %get3A_175 = tpu.vector_load %arg6[%get3A_173, %get3A_174] {strides = array<i32>} : memref<48x768xf32, #tpu.memory_space<vmem>>, vector<1x16xf32>,
      %get3A_176 = vector.shape_cast %get3A_175 : vector<1x16xf32> to vector<16xf32>
      %get3A_177 = arith.constant 1 : i32
      %get3A_178 = arith.index_cast %get3A_177 : i32 to index
      %get3A_179 = arith.index_cast %mul3A_172 : i32 to index
      %get3A_180 = tpu.vector_load %arg6[%get3A_178, %get3A_179] {strides = array<i32>} : memref<48x768xf32, #tpu.memory_space<vmem>>, vector<1x16xf32>,
      %get3A_181 = vector.shape_cast %get3A_180 : vector<1x16xf32> to vector<16xf32>
      %get3A_182 = arith.constant 2 : i32
      %get3A_183 = arith.index_cast %get3A_182 : i32 to index
      %get3A_184 = arith.index_cast %mul3A_172 : i32 to index
      %get3A_185 = tpu.vector_load %arg6[%get3A_183, %get3A_184] {strides = array<i32>} : memref<48x768xf32, #tpu.memory_space<vmem>>, vector<1x16xf32>,
      %get3A_186 = vector.shape_cast %get3A_185 : vector<1x16xf32> to vector<16xf32>
      %get3A_187 = arith.constant 3 : i32
      %get3A_188 = arith.index_cast %get3A_187 : i32 to index
      %get3A_189 = arith.index_cast %mul3A_172 : i32 to index
      %get3A_190 = tpu.vector_load %arg6[%get3A_188, %get3A_189] {strides = array<i32>} : memref<48x768xf32, #tpu.memory_space<vmem>>, vector<1x16xf32>,
      %get3A_191 = vector.shape_cast %get3A_190 : vector<1x16xf32> to vector<16xf32>
      %get3A_192 = arith.constant 4 : i32
      %get3A_193 = arith.index_cast %get3A_192 : i32 to index
      %get3A_194 = arith.index_cast %mul3A_172 : i32 to index
      %get3A_195 = tpu.vector_load %arg6[%get3A_193, %get3A_194] {strides = array<i32>} : memref<48x768xf32, #tpu.memory_space<vmem>>, vector<1x16xf32>,
      %get3A_196 = vector.shape_cast %get3A_195 : vector<1x16xf32> to vector<16xf32>
      %get3A_197 = arith.constant 5 : i32
      %get3A_198 = arith.index_cast %get3A_197 : i32 to index
      %get3A_199 = arith.index_cast %mul3A_172 : i32 to index
      %get3A_200 = tpu.vector_load %arg6[%get3A_198, %get3A_199] {strides = array<i32>} : memref<48x768xf32, #tpu.memory_space<vmem>>, vector<1x16xf32>,
      %get3A_201 = vector.shape_cast %get3A_200 : vector<1x16xf32> to vector<16xf32>
      %get3A_202 = arith.constant 6 : i32
      %get3A_203 = arith.index_cast %get3A_202 : i32 to index
      %get3A_204 = arith.index_cast %mul3A_172 : i32 to index
      %get3A_205 = tpu.vector_load %arg6[%get3A_203, %get3A_204] {strides = array<i32>} : memref<48x768xf32, #tpu.memory_space<vmem>>, vector<1x16xf32>,
      %get3A_206 = vector.shape_cast %get3A_205 : vector<1x16xf32> to vector<16xf32>
      %get3A_207 = arith.constant 7 : i32
      %get3A_208 = arith.index_cast %get3A_207 : i32 to index
      %get3A_209 = arith.index_cast %mul3A_172 : i32 to index
      %get3A_210 = tpu.vector_load %arg6[%get3A_208, %get3A_209] {strides = array<i32>} : memref<48x768xf32, #tpu.memory_space<vmem>>, vector<1x16xf32>,
      %get3A_211 = vector.shape_cast %get3A_210 : vector<1x16xf32> to vector<16xf32>
      %max3A = arith.maximumf %get3A_176, %get3A_196 : vector<16xf32>
      %max3A_212 = arith.maximumf %get3A_181, %get3A_201 : vector<16xf32>
      %max3A_213 = arith.maximumf %get3A_186, %get3A_206 : vector<16xf32>
      %max3A_214 = arith.maximumf %get3A_191, %get3A_211 : vector<16xf32>
      %add3A_215 = arith.addf %get3A_176, %get3A_196 : vector<16xf32>
      %add3A_216 = arith.addf %get3A_181, %get3A_201 : vector<16xf32>
      %add3A_217 = arith.addf %get3A_186, %get3A_206 : vector<16xf32>
      %add3A_218 = arith.addf %get3A_191, %get3A_211 : vector<16xf32>
      %get3A_219 = arith.constant 8 : i32
      %get3A_220 = arith.index_cast %get3A_219 : i32 to index
      %get3A_221 = arith.index_cast %mul3A_172 : i32 to index
      %get3A_222 = tpu.vector_load %arg6[%get3A_220, %get3A_221] {strides = array<i32>} : memref<48x768xf32, #tpu.memory_space<vmem>>, vector<1x16xf32>,
      %get3A_223 = vector.shape_cast %get3A_222 : vector<1x16xf32> to vector<16xf32>
      %get3A_224 = arith.constant 9 : i32
      %get3A_225 = arith.index_cast %get3A_224 : i32 to index
      %get3A_226 = arith.index_cast %mul3A_172 : i32 to index
      %get3A_227 = tpu.vector_load %arg6[%get3A_225, %get3A_226] {strides = array<i32>} : memref<48x768xf32, #tpu.memory_space<vmem>>, vector<1x16xf32>,
      %get3A_228 = vector.shape_cast %get3A_227 : vector<1x16xf32> to vector<16xf32>
      %get3A_229 = arith.constant 10 : i32
      %get3A_230 = arith.index_cast %get3A_229 : i32 to index
      %get3A_231 = arith.index_cast %mul3A_172 : i32 to index
      %get3A_232 = tpu.vector_load %arg6[%get3A_230, %get3A_231] {strides = array<i32>} : memref<48x768xf32, #tpu.memory_space<vmem>>, vector<1x16xf32>,
      %get3A_233 = vector.shape_cast %get3A_232 : vector<1x16xf32> to vector<16xf32>
      %get3A_234 = arith.constant 11 : i32
      %get3A_235 = arith.index_cast %get3A_234 : i32 to index
      %get3A_236 = arith.index_cast %mul3A_172 : i32 to index
      %get3A_237 = tpu.vector_load %arg6[%get3A_235, %get3A_236] {strides = array<i32>} : memref<48x768xf32, #tpu.memory_space<vmem>>, vector<1x16xf32>,
      %get3A_238 = vector.shape_cast %get3A_237 : vector<1x16xf32> to vector<16xf32>
      %max3A_239 = arith.maximumf %max3A, %get3A_223 : vector<16xf32>
      %max3A_240 = arith.maximumf %max3A_212, %get3A_228 : vector<16xf32>
      %max3A_241 = arith.maximumf %max3A_213, %get3A_233 : vector<16xf32>
      %max3A_242 = arith.maximumf %max3A_214, %get3A_238 : vector<16xf32>
      %add3A_243 = arith.addf %add3A_215, %get3A_223 : vector<16xf32>
      %add3A_244 = arith.addf %add3A_216, %get3A_228 : vector<16xf32>
      %add3A_245 = arith.addf %add3A_217, %get3A_233 : vector<16xf32>
      %add3A_246 = arith.addf %add3A_218, %get3A_238 : vector<16xf32>
      %get3A_247 = arith.constant 12 : i32
      %get3A_248 = arith.index_cast %get3A_247 : i32 to index
      %get3A_249 = arith.index_cast %mul3A_172 : i32 to index
      %get3A_250 = tpu.vector_load %arg6[%get3A_248, %get3A_249] {strides = array<i32>} : memref<48x768xf32, #tpu.memory_space<vmem>>, vector<1x16xf32>,
      %get3A_251 = vector.shape_cast %get3A_250 : vector<1x16xf32> to vector<16xf32>
      %get3A_252 = arith.constant 13 : i32
      %get3A_253 = arith.index_cast %get3A_252 : i32 to index
      %get3A_254 = arith.index_cast %mul3A_172 : i32 to index
      %get3A_255 = tpu.vector_load %arg6[%get3A_253, %get3A_254] {strides = array<i32>} : memref<48x768xf32, #tpu.memory_space<vmem>>, vector<1x16xf32>,
      %get3A_256 = vector.shape_cast %get3A_255 : vector<1x16xf32> to vector<16xf32>
      %get3A_257 = arith.constant 14 : i32
      %get3A_258 = arith.index_cast %get3A_257 : i32 to index
      %get3A_259 = arith.index_cast %mul3A_172 : i32 to index
      %get3A_260 = tpu.vector_load %arg6[%get3A_258, %get3A_259] {strides = array<i32>} : memref<48x768xf32, #tpu.memory_space<vmem>>, vector<1x16xf32>,
      %get3A_261 = vector.shape_cast %get3A_260 : vector<1x16xf32> to vector<16xf32>
      %get3A_262 = arith.constant 15 : i32
      %get3A_263 = arith.index_cast %get3A_262 : i32 to index
      %get3A_264 = arith.index_cast %mul3A_172 : i32 to index
      %get3A_265 = tpu.vector_load %arg6[%get3A_263, %get3A_264] {strides = array<i32>} : memref<48x768xf32, #tpu.memory_space<vmem>>, vector<1x16xf32>,
      %get3A_266 = vector.shape_cast %get3A_265 : vector<1x16xf32> to vector<16xf32>
      %max3A_267 = arith.maximumf %max3A_239, %get3A_251 : vector<16xf32>
      %max3A_268 = arith.maximumf %max3A_240, %get3A_256 : vector<16xf32>
      %max3A_269 = arith.maximumf %max3A_241, %get3A_261 : vector<16xf32>
      %max3A_270 = arith.maximumf %max3A_242, %get3A_266 : vector<16xf32>
      %add3A_271 = arith.addf %add3A_243, %get3A_251 : vector<16xf32>
      %add3A_272 = arith.addf %add3A_244, %get3A_256 : vector<16xf32>
      %add3A_273 = arith.addf %add3A_245, %get3A_261 : vector<16xf32>
      %add3A_274 = arith.addf %add3A_246, %get3A_266 : vector<16xf32>
      %get3A_275 = arith.constant 16 : i32
      %get3A_276 = arith.index_cast %get3A_275 : i32 to index
      %get3A_277 = arith.index_cast %mul3A_172 : i32 to index
      %get3A_278 = tpu.vector_load %arg6[%get3A_276, %get3A_277] {strides = array<i32>} : memref<48x768xf32, #tpu.memory_space<vmem>>, vector<1x16xf32>,
      %get3A_279 = vector.shape_cast %get3A_278 : vector<1x16xf32> to vector<16xf32>
      %get3A_280 = arith.constant 17 : i32
      %get3A_281 = arith.index_cast %get3A_280 : i32 to index
      %get3A_282 = arith.index_cast %mul3A_172 : i32 to index
      %get3A_283 = tpu.vector_load %arg6[%get3A_281, %get3A_282] {strides = array<i32>} : memref<48x768xf32, #tpu.memory_space<vmem>>, vector<1x16xf32>,
      %get3A_284 = vector.shape_cast %get3A_283 : vector<1x16xf32> to vector<16xf32>
      %get3A_285 = arith.constant 18 : i32
      %get3A_286 = arith.index_cast %get3A_285 : i32 to index
      %get3A_287 = arith.index_cast %mul3A_172 : i32 to index
      %get3A_288 = tpu.vector_load %arg6[%get3A_286, %get3A_287] {strides = array<i32>} : memref<48x768xf32, #tpu.memory_space<vmem>>, vector<1x16xf32>,
      %get3A_289 = vector.shape_cast %get3A_288 : vector<1x16xf32> to vector<16xf32>
      %get3A_290 = arith.constant 19 : i32
      %get3A_291 = arith.index_cast %get3A_290 : i32 to index
      %get3A_292 = arith.index_cast %mul3A_172 : i32 to index
      %get3A_293 = tpu.vector_load %arg6[%get3A_291, %get3A_292] {strides = array<i32>} : memref<48x768xf32, #tpu.memory_space<vmem>>, vector<1x16xf32>,
      %get3A_294 = vector.shape_cast %get3A_293 : vector<1x16xf32> to vector<16xf32>
      %max3A_295 = arith.maximumf %max3A_267, %get3A_279 : vector<16xf32>
      %max3A_296 = arith.maximumf %max3A_268, %get3A_284 : vector<16xf32>
      %max3A_297 = arith.maximumf %max3A_269, %get3A_289 : vector<16xf32>
      %max3A_298 = arith.maximumf %max3A_270, %get3A_294 : vector<16xf32>
      %add3A_299 = arith.addf %add3A_271, %get3A_279 : vector<16xf32>
      %add3A_300 = arith.addf %add3A_272, %get3A_284 : vector<16xf32>
      %add3A_301 = arith.addf %add3A_273, %get3A_289 : vector<16xf32>
      %add3A_302 = arith.addf %add3A_274, %get3A_294 : vector<16xf32>
      %get3A_303 = arith.constant 20 : i32
      %get3A_304 = arith.index_cast %get3A_303 : i32 to index
      %get3A_305 = arith.index_cast %mul3A_172 : i32 to index
      %get3A_306 = tpu.vector_load %arg6[%get3A_304, %get3A_305] {strides = array<i32>} : memref<48x768xf32, #tpu.memory_space<vmem>>, vector<1x16xf32>,
      %get3A_307 = vector.shape_cast %get3A_306 : vector<1x16xf32> to vector<16xf32>
      %get3A_308 = arith.constant 21 : i32
      %get3A_309 = arith.index_cast %get3A_308 : i32 to index
      %get3A_310 = arith.index_cast %mul3A_172 : i32 to index
      %get3A_311 = tpu.vector_load %arg6[%get3A_309, %get3A_310] {strides = array<i32>} : memref<48x768xf32, #tpu.memory_space<vmem>>, vector<1x16xf32>,
      %get3A_312 = vector.shape_cast %get3A_311 : vector<1x16xf32> to vector<16xf32>
      %get3A_313 = arith.constant 22 : i32
      %get3A_314 = arith.index_cast %get3A_313 : i32 to index
      %get3A_315 = arith.index_cast %mul3A_172 : i32 to index
      %get3A_316 = tpu.vector_load %arg6[%get3A_314, %get3A_315] {strides = array<i32>} : memref<48x768xf32, #tpu.memory_space<vmem>>, vector<1x16xf32>,
      %get3A_317 = vector.shape_cast %get3A_316 : vector<1x16xf32> to vector<16xf32>
      %get3A_318 = arith.constant 23 : i32
      %get3A_319 = arith.index_cast %get3A_318 : i32 to index
      %get3A_320 = arith.index_cast %mul3A_172 : i32 to index
      %get3A_321 = tpu.vector_load %arg6[%get3A_319, %get3A_320] {strides = array<i32>} : memref<48x768xf32, #tpu.memory_space<vmem>>, vector<1x16xf32>,
      %get3A_322 = vector.shape_cast %get3A_321 : vector<1x16xf32> to vector<16xf32>
      %max3A_323 = arith.maximumf %max3A_295, %get3A_307 : vector<16xf32>
      %max3A_324 = arith.maximumf %max3A_296, %get3A_312 : vector<16xf32>
      %max3A_325 = arith.maximumf %max3A_297, %get3A_317 : vector<16xf32>
      %max3A_326 = arith.maximumf %max3A_298, %get3A_322 : vector<16xf32>
      %add3A_327 = arith.addf %add3A_299, %get3A_307 : vector<16xf32>
      %add3A_328 = arith.addf %add3A_300, %get3A_312 : vector<16xf32>
      %add3A_329 = arith.addf %add3A_301, %get3A_317 : vector<16xf32>
      %add3A_330 = arith.addf %add3A_302, %get3A_322 : vector<16xf32>
      %get3A_331 = arith.constant 24 : i32
      %get3A_332 = arith.index_cast %get3A_331 : i32 to index
      %get3A_333 = arith.index_cast %mul3A_172 : i32 to index
      %get3A_334 = tpu.vector_load %arg6[%get3A_332, %get3A_333] {strides = array<i32>} : memref<48x768xf32, #tpu.memory_space<vmem>>, vector<1x16xf32>,
      %get3A_335 = vector.shape_cast %get3A_334 : vector<1x16xf32> to vector<16xf32>
      %get3A_336 = arith.constant 25 : i32
      %get3A_337 = arith.index_cast %get3A_336 : i32 to index
      %get3A_338 = arith.index_cast %mul3A_172 : i32 to index
      %get3A_339 = tpu.vector_load %arg6[%get3A_337, %get3A_338] {strides = array<i32>} : memref<48x768xf32, #tpu.memory_space<vmem>>, vector<1x16xf32>,
      %get3A_340 = vector.shape_cast %get3A_339 : vector<1x16xf32> to vector<16xf32>
      %get3A_341 = arith.constant 26 : i32
      %get3A_342 = arith.index_cast %get3A_341 : i32 to index
      %get3A_343 = arith.index_cast %mul3A_172 : i32 to index
      %get3A_344 = tpu.vector_load %arg6[%get3A_342, %get3A_343] {strides = array<i32>} : memref<48x768xf32, #tpu.memory_space<vmem>>, vector<1x16xf32>,
      %get3A_345 = vector.shape_cast %get3A_344 : vector<1x16xf32> to vector<16xf32>
      %get3A_346 = arith.constant 27 : i32
      %get3A_347 = arith.index_cast %get3A_346 : i32 to index
      %get3A_348 = arith.index_cast %mul3A_172 : i32 to index
      %get3A_349 = tpu.vector_load %arg6[%get3A_347, %get3A_348] {strides = array<i32>} : memref<48x768xf32, #tpu.memory_space<vmem>>, vector<1x16xf32>,
      %get3A_350 = vector.shape_cast %get3A_349 : vector<1x16xf32> to vector<16xf32>
      %max3A_351 = arith.maximumf %max3A_323, %get3A_335 : vector<16xf32>
      %max3A_352 = arith.maximumf %max3A_324, %get3A_340 : vector<16xf32>
      %max3A_353 = arith.maximumf %max3A_325, %get3A_345 : vector<16xf32>
      %max3A_354 = arith.maximumf %max3A_326, %get3A_350 : vector<16xf32>
      %add3A_355 = arith.addf %add3A_327, %get3A_335 : vector<16xf32>
      %add3A_356 = arith.addf %add3A_328, %get3A_340 : vector<16xf32>
      %add3A_357 = arith.addf %add3A_329, %get3A_345 : vector<16xf32>
      %add3A_358 = arith.addf %add3A_330, %get3A_350 : vector<16xf32>
      %get3A_359 = arith.constant 28 : i32
      %get3A_360 = arith.index_cast %get3A_359 : i32 to index
      %get3A_361 = arith.index_cast %mul3A_172 : i32 to index
      %get3A_362 = tpu.vector_load %arg6[%get3A_360, %get3A_361] {strides = array<i32>} : memref<48x768xf32, #tpu.memory_space<vmem>>, vector<1x16xf32>,
      %get3A_363 = vector.shape_cast %get3A_362 : vector<1x16xf32> to vector<16xf32>
      %get3A_364 = arith.constant 29 : i32
      %get3A_365 = arith.index_cast %get3A_364 : i32 to index
      %get3A_366 = arith.index_cast %mul3A_172 : i32 to index
      %get3A_367 = tpu.vector_load %arg6[%get3A_365, %get3A_366] {strides = array<i32>} : memref<48x768xf32, #tpu.memory_space<vmem>>, vector<1x16xf32>,
      %get3A_368 = vector.shape_cast %get3A_367 : vector<1x16xf32> to vector<16xf32>
      %get3A_369 = arith.constant 30 : i32
      %get3A_370 = arith.index_cast %get3A_369 : i32 to index
      %get3A_371 = arith.index_cast %mul3A_172 : i32 to index
      %get3A_372 = tpu.vector_load %arg6[%get3A_370, %get3A_371] {strides = array<i32>} : memref<48x768xf32, #tpu.memory_space<vmem>>, vector<1x16xf32>,
      %get3A_373 = vector.shape_cast %get3A_372 : vector<1x16xf32> to vector<16xf32>
      %get3A_374 = arith.constant 31 : i32
      %get3A_375 = arith.index_cast %get3A_374 : i32 to index
      %get3A_376 = arith.index_cast %mul3A_172 : i32 to index
      %get3A_377 = tpu.vector_load %arg6[%get3A_375, %get3A_376] {strides = array<i32>} : memref<48x768xf32, #tpu.memory_space<vmem>>, vector<1x16xf32>,
      %get3A_378 = vector.shape_cast %get3A_377 : vector<1x16xf32> to vector<16xf32>
      %max3A_379 = arith.maximumf %max3A_351, %get3A_363 : vector<16xf32>
      %max3A_380 = arith.maximumf %max3A_352, %get3A_368 : vector<16xf32>
      %max3A_381 = arith.maximumf %max3A_353, %get3A_373 : vector<16xf32>
      %max3A_382 = arith.maximumf %max3A_354, %get3A_378 : vector<16xf32>
      %add3A_383 = arith.addf %add3A_355, %get3A_363 : vector<16xf32>
      %add3A_384 = arith.addf %add3A_356, %get3A_368 : vector<16xf32>
      %add3A_385 = arith.addf %add3A_357, %get3A_373 : vector<16xf32>
      %add3A_386 = arith.addf %add3A_358, %get3A_378 : vector<16xf32>
      %get3A_387 = arith.constant 32 : i32
      %get3A_388 = arith.index_cast %get3A_387 : i32 to index
      %get3A_389 = arith.index_cast %mul3A_172 : i32 to index
      %get3A_390 = tpu.vector_load %arg6[%get3A_388, %get3A_389] {strides = array<i32>} : memref<48x768xf32, #tpu.memory_space<vmem>>, vector<1x16xf32>,
      %get3A_391 = vector.shape_cast %get3A_390 : vector<1x16xf32> to vector<16xf32>
      %get3A_392 = arith.constant 33 : i32
      %get3A_393 = arith.index_cast %get3A_392 : i32 to index
      %get3A_394 = arith.index_cast %mul3A_172 : i32 to index
      %get3A_395 = tpu.vector_load %arg6[%get3A_393, %get3A_394] {strides = array<i32>} : memref<48x768xf32, #tpu.memory_space<vmem>>, vector<1x16xf32>,
      %get3A_396 = vector.shape_cast %get3A_395 : vector<1x16xf32> to vector<16xf32>
      %get3A_397 = arith.constant 34 : i32
      %get3A_398 = arith.index_cast %get3A_397 : i32 to index
      %get3A_399 = arith.index_cast %mul3A_172 : i32 to index
      %get3A_400 = tpu.vector_load %arg6[%get3A_398, %get3A_399] {strides = array<i32>} : memref<48x768xf32, #tpu.memory_space<vmem>>, vector<1x16xf32>,
      %get3A_401 = vector.shape_cast %get3A_400 : vector<1x16xf32> to vector<16xf32>
      %get3A_402 = arith.constant 35 : i32
      %get3A_403 = arith.index_cast %get3A_402 : i32 to index
      %get3A_404 = arith.index_cast %mul3A_172 : i32 to index
      %get3A_405 = tpu.vector_load %arg6[%get3A_403, %get3A_404] {strides = array<i32>} : memref<48x768xf32, #tpu.memory_space<vmem>>, vector<1x16xf32>,
      %get3A_406 = vector.shape_cast %get3A_405 : vector<1x16xf32> to vector<16xf32>
      %max3A_407 = arith.maximumf %max3A_379, %get3A_391 : vector<16xf32>
      %max3A_408 = arith.maximumf %max3A_380, %get3A_396 : vector<16xf32>
      %max3A_409 = arith.maximumf %max3A_381, %get3A_401 : vector<16xf32>
      %max3A_410 = arith.maximumf %max3A_382, %get3A_406 : vector<16xf32>
      %add3A_411 = arith.addf %add3A_383, %get3A_391 : vector<16xf32>
      %add3A_412 = arith.addf %add3A_384, %get3A_396 : vector<16xf32>
      %add3A_413 = arith.addf %add3A_385, %get3A_401 : vector<16xf32>
      %add3A_414 = arith.addf %add3A_386, %get3A_406 : vector<16xf32>
      %get3A_415 = arith.constant 36 : i32
      %get3A_416 = arith.index_cast %get3A_415 : i32 to index
      %get3A_417 = arith.index_cast %mul3A_172 : i32 to index
      %get3A_418 = tpu.vector_load %arg6[%get3A_416, %get3A_417] {strides = array<i32>} : memref<48x768xf32, #tpu.memory_space<vmem>>, vector<1x16xf32>,
      %get3A_419 = vector.shape_cast %get3A_418 : vector<1x16xf32> to vector<16xf32>
      %get3A_420 = arith.constant 37 : i32
      %get3A_421 = arith.index_cast %get3A_420 : i32 to index
      %get3A_422 = arith.index_cast %mul3A_172 : i32 to index
      %get3A_423 = tpu.vector_load %arg6[%get3A_421, %get3A_422] {strides = array<i32>} : memref<48x768xf32, #tpu.memory_space<vmem>>, vector<1x16xf32>,
      %get3A_424 = vector.shape_cast %get3A_423 : vector<1x16xf32> to vector<16xf32>
      %get3A_425 = arith.constant 38 : i32
      %get3A_426 = arith.index_cast %get3A_425 : i32 to index
      %get3A_427 = arith.index_cast %mul3A_172 : i32 to index
      %get3A_428 = tpu.vector_load %arg6[%get3A_426, %get3A_427] {strides = array<i32>} : memref<48x768xf32, #tpu.memory_space<vmem>>, vector<1x16xf32>,
      %get3A_429 = vector.shape_cast %get3A_428 : vector<1x16xf32> to vector<16xf32>
      %get3A_430 = arith.constant 39 : i32
      %get3A_431 = arith.index_cast %get3A_430 : i32 to index
      %get3A_432 = arith.index_cast %mul3A_172 : i32 to index
      %get3A_433 = tpu.vector_load %arg6[%get3A_431, %get3A_432] {strides = array<i32>} : memref<48x768xf32, #tpu.memory_space<vmem>>, vector<1x16xf32>,
      %get3A_434 = vector.shape_cast %get3A_433 : vector<1x16xf32> to vector<16xf32>
      %max3A_435 = arith.maximumf %max3A_407, %get3A_419 : vector<16xf32>
      %max3A_436 = arith.maximumf %max3A_408, %get3A_424 : vector<16xf32>
      %max3A_437 = arith.maximumf %max3A_409, %get3A_429 : vector<16xf32>
      %max3A_438 = arith.maximumf %max3A_410, %get3A_434 : vector<16xf32>
      %add3A_439 = arith.addf %add3A_411, %get3A_419 : vector<16xf32>
      %add3A_440 = arith.addf %add3A_412, %get3A_424 : vector<16xf32>
      %add3A_441 = arith.addf %add3A_413, %get3A_429 : vector<16xf32>
      %add3A_442 = arith.addf %add3A_414, %get3A_434 : vector<16xf32>
      %get3A_443 = arith.constant 40 : i32
      %get3A_444 = arith.index_cast %get3A_443 : i32 to index
      %get3A_445 = arith.index_cast %mul3A_172 : i32 to index
      %get3A_446 = tpu.vector_load %arg6[%get3A_444, %get3A_445] {strides = array<i32>} : memref<48x768xf32, #tpu.memory_space<vmem>>, vector<1x16xf32>,
      %get3A_447 = vector.shape_cast %get3A_446 : vector<1x16xf32> to vector<16xf32>
      %get3A_448 = arith.constant 41 : i32
      %get3A_449 = arith.index_cast %get3A_448 : i32 to index
      %get3A_450 = arith.index_cast %mul3A_172 : i32 to index
      %get3A_451 = tpu.vector_load %arg6[%get3A_449, %get3A_450] {strides = array<i32>} : memref<48x768xf32, #tpu.memory_space<vmem>>, vector<1x16xf32>,
      %get3A_452 = vector.shape_cast %get3A_451 : vector<1x16xf32> to vector<16xf32>
      %get3A_453 = arith.constant 42 : i32
      %get3A_454 = arith.index_cast %get3A_453 : i32 to index
      %get3A_455 = arith.index_cast %mul3A_172 : i32 to index
      %get3A_456 = tpu.vector_load %arg6[%get3A_454, %get3A_455] {strides = array<i32>} : memref<48x768xf32, #tpu.memory_space<vmem>>, vector<1x16xf32>,
      %get3A_457 = vector.shape_cast %get3A_456 : vector<1x16xf32> to vector<16xf32>
      %get3A_458 = arith.constant 43 : i32
      %get3A_459 = arith.index_cast %get3A_458 : i32 to index
      %get3A_460 = arith.index_cast %mul3A_172 : i32 to index
      %get3A_461 = tpu.vector_load %arg6[%get3A_459, %get3A_460] {strides = array<i32>} : memref<48x768xf32, #tpu.memory_space<vmem>>, vector<1x16xf32>,
      %get3A_462 = vector.shape_cast %get3A_461 : vector<1x16xf32> to vector<16xf32>
      %max3A_463 = arith.maximumf %max3A_435, %get3A_447 : vector<16xf32>
      %max3A_464 = arith.maximumf %max3A_436, %get3A_452 : vector<16xf32>
      %max3A_465 = arith.maximumf %max3A_437, %get3A_457 : vector<16xf32>
      %max3A_466 = arith.maximumf %max3A_438, %get3A_462 : vector<16xf32>
      %add3A_467 = arith.addf %add3A_439, %get3A_447 : vector<16xf32>
      %add3A_468 = arith.addf %add3A_440, %get3A_452 : vector<16xf32>
      %add3A_469 = arith.addf %add3A_441, %get3A_457 : vector<16xf32>
      %add3A_470 = arith.addf %add3A_442, %get3A_462 : vector<16xf32>
      %get3A_471 = arith.constant 44 : i32
      %get3A_472 = arith.index_cast %get3A_471 : i32 to index
      %get3A_473 = arith.index_cast %mul3A_172 : i32 to index
      %get3A_474 = tpu.vector_load %arg6[%get3A_472, %get3A_473] {strides = array<i32>} : memref<48x768xf32, #tpu.memory_space<vmem>>, vector<1x16xf32>,
      %get3A_475 = vector.shape_cast %get3A_474 : vector<1x16xf32> to vector<16xf32>
      %get3A_476 = arith.constant 45 : i32
      %get3A_477 = arith.index_cast %get3A_476 : i32 to index
      %get3A_478 = arith.index_cast %mul3A_172 : i32 to index
      %get3A_479 = tpu.vector_load %arg6[%get3A_477, %get3A_478] {strides = array<i32>} : memref<48x768xf32, #tpu.memory_space<vmem>>, vector<1x16xf32>,
      %get3A_480 = vector.shape_cast %get3A_479 : vector<1x16xf32> to vector<16xf32>
      %get3A_481 = arith.constant 46 : i32
      %get3A_482 = arith.index_cast %get3A_481 : i32 to index
      %get3A_483 = arith.index_cast %mul3A_172 : i32 to index
      %get3A_484 = tpu.vector_load %arg6[%get3A_482, %get3A_483] {strides = array<i32>} : memref<48x768xf32, #tpu.memory_space<vmem>>, vector<1x16xf32>,
      %get3A_485 = vector.shape_cast %get3A_484 : vector<1x16xf32> to vector<16xf32>
      %get3A_486 = arith.constant 47 : i32
      %get3A_487 = arith.index_cast %get3A_486 : i32 to index
      %get3A_488 = arith.index_cast %mul3A_172 : i32 to index
      %get3A_489 = tpu.vector_load %arg6[%get3A_487, %get3A_488] {strides = array<i32>} : memref<48x768xf32, #tpu.memory_space<vmem>>, vector<1x16xf32>,
      %get3A_490 = vector.shape_cast %get3A_489 : vector<1x16xf32> to vector<16xf32>
      %max3A_491 = arith.maximumf %max3A_463, %get3A_475 : vector<16xf32>
      %max3A_492 = arith.maximumf %max3A_464, %get3A_480 : vector<16xf32>
      %max3A_493 = arith.maximumf %max3A_465, %get3A_485 : vector<16xf32>
      %max3A_494 = arith.maximumf %max3A_466, %get3A_490 : vector<16xf32>
      %add3A_495 = arith.addf %add3A_467, %get3A_475 : vector<16xf32>
      %add3A_496 = arith.addf %add3A_468, %get3A_480 : vector<16xf32>
      %add3A_497 = arith.addf %add3A_469, %get3A_485 : vector<16xf32>
      %add3A_498 = arith.addf %add3A_470, %get3A_490 : vector<16xf32>
      %max3A_499 = arith.maximumf %max3A_491, %max3A_492 : vector<16xf32>
      %max3A_500 = arith.maximumf %max3A_493, %max3A_494 : vector<16xf32>
      %max3A_501 = arith.maximumf %max3A_499, %max3A_500 : vector<16xf32>
      %add3A_502 = arith.addf %add3A_495, %add3A_496 : vector<16xf32>
      %add3A_503 = arith.addf %add3A_497, %add3A_498 : vector<16xf32>
      %add3A_504 = arith.addf %add3A_502, %add3A_503 : vector<16xf32>
      %get3A_505 = arith.index_cast %mul3A_172 : i32 to index
      %get3A_506 = tpu.vector_load %arg7[%get3A_505] {strides = array<i32>} : memref<768xf32, #tpu.memory_space<vmem>>, vector<16xf32>,
      %get3A_507 = vector.shape_cast %get3A_506 : vector<16xf32> to vector<16xf32>
      %max3A_508 = arith.maximumf %get3A_507, %max3A_501 : vector<16xf32>
      %swap3A = arith.index_cast %mul3A_172 : i32 to index
      %swap3A_509 = tpu.vector_load %arg7[%swap3A] {strides = array<i32>} : memref<768xf32, #tpu.memory_space<vmem>>, vector<16xf32>,
      %swap3A_510 = vector.shape_cast %swap3A_509 : vector<16xf32> to vector<16xf32>
      %swap3A_511 = vector.shape_cast %max3A_508 : vector<16xf32> to vector<16xf32>
      tpu.vector_store %arg7[%swap3A], %swap3A_511 {strides = array<i32>} : memref<768xf32, #tpu.memory_space<vmem>>, vector<16xf32>,
      %get3A_512 = arith.index_cast %mul3A_172 : i32 to index
      %get3A_513 = tpu.vector_load %arg8[%get3A_512] {strides = array<i32>} : memref<768xf32, #tpu.memory_space<vmem>>, vector<16xf32>,
      %get3A_514 = vector.shape_cast %get3A_513 : vector<16xf32> to vector<16xf32>
      %add3A_515 = arith.addf %get3A_514, %add3A_504 : vector<16xf32>
      %swap3A_516 = arith.index_cast %mul3A_172 : i32 to index
      %swap3A_517 = tpu.vector_load %arg8[%swap3A_516] {strides = array<i32>} : memref<768xf32, #tpu.memory_space<vmem>>, vector<16xf32>,
      %swap3A_518 = vector.shape_cast %swap3A_517 : vector<16xf32> to vector<16xf32>
      %swap3A_519 = vector.shape_cast %add3A_515 : vector<16xf32> to vector<16xf32>
      tpu.vector_store %arg8[%swap3A_516], %swap3A_519 {strides = array<i32>} : memref<768xf32, #tpu.memory_space<vmem>>, vector<16xf32>,
    }
    %scan3A_169 = arith.constant 48 : i32
    "tpu.region"() ({
      %run_scoped3A = tpu.sem_alloc : memref<!tpu.dma_semaphore, #tpu.memory_space<semaphore_mem>>
      %dma_start3A_170 = arith.constant 0 : i32
      %dma_start3A_171 = tpu.memref_slice %arg3[%select_n3A_30, %select_n3A, %dma_start3A_170] : memref<2x16x768xf32, #tpu.memory_space<hbm>> -> memref<1x1x768xf32, #tpu.memory_space<hbm>>
      %dma_start3A_172 = tpu.memref_squeeze %dma_start3A_171 : memref<1x1x768xf32, #tpu.memory_space<hbm>> -> memref<768xf32, #tpu.memory_space<hbm>>
      %dma_start3A_173 = arith.constant 0 : i32
      %dma_start3A_174 = tpu.memref_slice %arg3[%select_n3A_30, %select_n3A, %dma_start3A_173] : memref<2x16x768xf32, #tpu.memory_space<hbm>> -> memref<1x1x768xf32, #tpu.memory_space<hbm>>
      %dma_start3A_175 = tpu.memref_squeeze %dma_start3A_174 : memref<1x1x768xf32, #tpu.memory_space<hbm>> -> memref<768xf32, #tpu.memory_space<hbm>>
      tpu.enqueue_dma source(%arg7 : memref<768xf32, #tpu.memory_space<vmem>>) target(%dma_start3A_175 : memref<768xf32, #tpu.memory_space<hbm>>) target_semaphore(%run_scoped3A : memref<!tpu.dma_semaphore, #tpu.memory_space<semaphore_mem>>)
      %dma_wait3A_176 = arith.constant 0 : i32
      %dma_wait3A_177 = tpu.memref_slice %arg3[%select_n3A_30, %select_n3A, %dma_wait3A_176] : memref<2x16x768xf32, #tpu.memory_space<hbm>> -> memref<1x1x768xf32, #tpu.memory_space<hbm>>
      %dma_wait3A_178 = tpu.memref_squeeze %dma_wait3A_177 : memref<1x1x768xf32, #tpu.memory_space<hbm>> -> memref<768xf32, #tpu.memory_space<hbm>>
      %dma_wait3A_179 = arith.constant 0 : i32
      %dma_wait3A_180 = tpu.memref_slice %arg3[%select_n3A_30, %select_n3A, %dma_wait3A_179] : memref<2x16x768xf32, #tpu.memory_space<hbm>> -> memref<1x1x768xf32, #tpu.memory_space<hbm>>
      %dma_wait3A_181 = tpu.memref_squeeze %dma_wait3A_180 : memref<1x1x768xf32, #tpu.memory_space<hbm>> -> memref<768xf32, #tpu.memory_space<hbm>>
      tpu.wait_dma2 semaphore(%run_scoped3A : memref<!tpu.dma_semaphore, #tpu.memory_space<semaphore_mem>>) src(%arg7 : memref<768xf32, #tpu.memory_space<vmem>>) dst(%dma_wait3A_181 : memref<768xf32, #tpu.memory_space<hbm>>)
      tpu.yield
    }) : () -> ()
    "tpu.region"() ({
      %run_scoped3A = tpu.sem_alloc : memref<!tpu.dma_semaphore, #tpu.memory_space<semaphore_mem>>
      %dma_start3A_170 = arith.constant 0 : i32
      %dma_start3A_171 = tpu.memref_slice %arg4[%select_n3A_30, %select_n3A, %dma_start3A_170] : memref<2x16x768xf32, #tpu.memory_space<hbm>> -> memref<1x1x768xf32, #tpu.memory_space<hbm>>
      %dma_start3A_172 = tpu.memref_squeeze %dma_start3A_171 : memref<1x1x768xf32, #tpu.memory_space<hbm>> -> memref<768xf32, #tpu.memory_space<hbm>>
      %dma_start3A_173 = arith.constant 0 : i32
      %dma_start3A_174 = tpu.memref_slice %arg4[%select_n3A_30, %select_n3A, %dma_start3A_173] : memref<2x16x768xf32, #tpu.memory_space<hbm>> -> memref<1x1x768xf32, #tpu.memory_space<hbm>>
      %dma_start3A_175 = tpu.memref_squeeze %dma_start3A_174 : memref<1x1x768xf32, #tpu.memory_space<hbm>> -> memref<768xf32, #tpu.memory_space<hbm>>
      tpu.enqueue_dma source(%arg8 : memref<768xf32, #tpu.memory_space<vmem>>) target(%dma_start3A_175 : memref<768xf32, #tpu.memory_space<hbm>>) target_semaphore(%run_scoped3A : memref<!tpu.dma_semaphore, #tpu.memory_space<semaphore_mem>>)
      %dma_wait3A_176 = arith.constant 0 : i32
      %dma_wait3A_177 = tpu.memref_slice %arg4[%select_n3A_30, %select_n3A, %dma_wait3A_176] : memref<2x16x768xf32, #tpu.memory_space<hbm>> -> memref<1x1x768xf32, #tpu.memory_space<hbm>>
      %dma_wait3A_178 = tpu.memref_squeeze %dma_wait3A_177 : memref<1x1x768xf32, #tpu.memory_space<hbm>> -> memref<768xf32, #tpu.memory_space<hbm>>
      %dma_wait3A_179 = arith.constant 0 : i32
      %dma_wait3A_180 = tpu.memref_slice %arg4[%select_n3A_30, %select_n3A, %dma_wait3A_179] : memref<2x16x768xf32, #tpu.memory_space<hbm>> -> memref<1x1x768xf32, #tpu.memory_space<hbm>>
      %dma_wait3A_181 = tpu.memref_squeeze %dma_wait3A_180 : memref<1x1x768xf32, #tpu.memory_space<hbm>> -> memref<768xf32, #tpu.memory_space<hbm>>
      tpu.wait_dma2 semaphore(%run_scoped3A : memref<!tpu.dma_semaphore, #tpu.memory_space<semaphore_mem>>) src(%arg8 : memref<768xf32, #tpu.memory_space<vmem>>) dst(%dma_wait3A_181 : memref<768xf32, #tpu.memory_space<hbm>>)
      tpu.yield
    }) : () -> ()
    return
  }
}

module attributes {stable_mosaic.version = 14 : i64} {
  func.func @_pool_kernel(%arg0: i32, %arg1: memref<8x576x768xf32, #tpu.memory_space<vmem>>, %arg2: memref<8x768xf32, #tpu.memory_space<vmem>>) attributes {dimension_semantics = [#tpu.dimension_semantics<arbitrary>], iteration_bounds = array<i64: 6>, scalar_prefetch = 0 : i64, scratch_operands = 0 : i64, tpu.core_type = #tpu.core_type<tc>, window_params = [{transform_indices = @transform_0, window_bounds = array<i64: 8, 576, 768>}, {transform_indices = @transform_1, window_bounds = array<i64: 8, 768>}]} {
    %get3A = arith.constant 0 : index
    %get3A_0 = arith.constant 0 : index
    %get3A_1 = arith.constant 0 : index
    %get3A_2 = vector.load %arg1[%get3A, %get3A_0, %get3A_1] : memref<8x576x768xf32, #tpu.memory_space<vmem>>, vector<8x576x768xf32>
    %reduce_max3A = arith.constant dense<0xFF800000> : vector<8x768xf32>
    %reduce_max3A_3 = vector.multi_reduction <maximumf>, %get3A_2, %reduce_max3A [1] : vector<8x576x768xf32> to vector<8x768xf32>
    %reduce_sum3A = arith.constant dense<0.000000e+00> : vector<8x768xf32>
    %reduce_sum3A_4 = vector.multi_reduction <add>, %get3A_2, %reduce_sum3A [1] : vector<8x576x768xf32> to vector<8x768xf32>
    %mul3A = arith.constant 0.00173611112 : f32
    %mul3A_5 = vector.broadcast %mul3A : f32 to vector<8x768xf32>
    %mul3A_6 = arith.mulf %reduce_sum3A_4, %mul3A_5 : vector<8x768xf32>
    %add3A = arith.addf %reduce_max3A_3, %mul3A_6 : vector<8x768xf32>
    %swap3A = arith.constant 0 : index
    %swap3A_7 = arith.constant 0 : index
    %swap3A_8 = vector.load %arg2[%swap3A, %swap3A_7] : memref<8x768xf32, #tpu.memory_space<vmem>>, vector<8x768xf32>
    tpu.vector_store %arg2[%swap3A, %swap3A_7], %add3A {strides = array<i32>} : memref<8x768xf32, #tpu.memory_space<vmem>>, vector<8x768xf32>,
    return
  }
  func.func @transform_0(%arg0: i32) -> (i32, i32, i32) {
    %c0_i32 = arith.constant 0 : i32
    %c0_i32_0 = arith.constant 0 : i32
    %c0_i32_1 = arith.constant 0 : i32
    return %arg0, %c0_i32, %c0_i32_0 : i32, i32, i32
  }
  func.func @transform_1(%arg0: i32) -> (i32, i32) {
    %c0_i32 = arith.constant 0 : i32
    %c0_i32_0 = arith.constant 0 : i32
    return %arg0, %c0_i32 : i32, i32
  }
}

module attributes {stable_mosaic.version = 14 : i64} {
  func.func @_route_kernel(%arg0: memref<48x768xf32, #tpu.memory_space<vmem>>, %arg1: memref<2x16x768xf32, #tpu.memory_space<vmem>>, %arg2: memref<2x16x768xf32, #tpu.memory_space<vmem>>, %arg3: memref<8x768xf32, #tpu.memory_space<vmem>>, %arg4: memref<1x8xf32, #tpu.memory_space<vmem>>, %arg5: memref<8x768xf32, #tpu.memory_space<vmem>>, %arg6: memref<1x8xf32, #tpu.memory_space<vmem>>, %arg7: memref<8x64xf32, #tpu.memory_space<vmem>>) attributes {dimension_semantics = [], scalar_prefetch = 0 : i64, scratch_operands = 0 : i64, tpu.core_type = #tpu.core_type<tc>} {
    %get3A = arith.constant 0 : index
    %get3A_0 = arith.constant 0 : index
    %get3A_1 = arith.constant 0 : index
    %get3A_2 = vector.load %arg1[%get3A, %get3A_0, %get3A_1] : memref<2x16x768xf32, #tpu.memory_space<vmem>>, vector<2x16x768xf32>
    %reduce_max3A = arith.constant dense<0xFF800000> : vector<16x768xf32>
    %reduce_max3A_3 = vector.multi_reduction <maximumf>, %get3A_2, %reduce_max3A [0] : vector<2x16x768xf32> to vector<16x768xf32>
    %get3A_4 = arith.constant 0 : index
    %get3A_5 = arith.constant 0 : index
    %get3A_6 = arith.constant 0 : index
    %get3A_7 = vector.load %arg2[%get3A_4, %get3A_5, %get3A_6] : memref<2x16x768xf32, #tpu.memory_space<vmem>>, vector<2x16x768xf32>
    %reduce_sum3A = arith.constant dense<0.000000e+00> : vector<16x768xf32>
    %reduce_sum3A_8 = vector.multi_reduction <add>, %get3A_7, %reduce_sum3A [0] : vector<2x16x768xf32> to vector<16x768xf32>
    %mul3A = arith.constant 0.00173611112 : f32
    %mul3A_9 = vector.broadcast %mul3A : f32 to vector<16x768xf32>
    %mul3A_10 = arith.mulf %reduce_sum3A_8, %mul3A_9 : vector<16x768xf32>
    %add3A = arith.addf %reduce_max3A_3, %mul3A_10 : vector<16x768xf32>
    %get3A_11 = arith.constant 0 : index
    %get3A_12 = arith.constant 0 : index
    %get3A_13 = vector.load %arg0[%get3A_11, %get3A_12] : memref<48x768xf32, #tpu.memory_space<vmem>>, vector<48x768xf32>
    %concatenate3A = tpu.concatenate %get3A_13, %add3A in 0 : vector<48x768xf32>, vector<16x768xf32> -> vector<64x768xf32>
    %get3A_14 = arith.constant 0 : index
    %get3A_15 = arith.constant 0 : index
    %get3A_16 = vector.load %arg3[%get3A_14, %get3A_15] : memref<8x768xf32, #tpu.memory_space<vmem>>, vector<8x768xf32>
    %dot_general3A = arith.constant dense<0.000000e+00> : vector<64x8xf32>
    %dot_general3A_17 = tpu.matmul %concatenate3A, %get3A_16, %dot_general3A {dimension_numbers = #tpu.dot_dimension_numbers<[1], [1], [0], [0], [0, 0, 1, 0], [], []>, transpose_lhs_hint = false} : vector<64x768xf32>, vector<8x768xf32>, vector<64x8xf32> -> vector<64x8xf32>
    %get3A_18 = arith.constant 0 : index
    %get3A_19 = arith.constant 0 : index
    %get3A_20 = vector.load %arg4[%get3A_18, %get3A_19] : memref<1x8xf32, #tpu.memory_space<vmem>>, vector<1x8xf32>
    %add3A_21 = vector.broadcast %get3A_20 : vector<1x8xf32> to vector<64x8xf32>
    %add3A_22 = arith.addf %dot_general3A_17, %add3A_21 : vector<64x8xf32>
    %ge3A = arith.constant 0.000000e+00 : f32
    %ge3A_23 = vector.broadcast %ge3A : f32 to vector<64x8xf32>
    %ge3A_24 = arith.cmpf oge, %add3A_22, %ge3A_23 : vector<64x8xf32>
    %mul3A_25 = arith.constant 2.000000e-01 : f32
    %mul3A_26 = vector.broadcast %mul3A_25 : f32 to vector<64x8xf32>
    %mul3A_27 = arith.mulf %mul3A_26, %add3A_22 : vector<64x8xf32>
    %select_n3A = arith.select %ge3A_24, %add3A_22, %mul3A_27 : vector<64x8xi1>, vector<64x8xf32>
    %get3A_28 = arith.constant 0 : index
    %get3A_29 = arith.constant 0 : index
    %get3A_30 = vector.load %arg5[%get3A_28, %get3A_29] : memref<8x768xf32, #tpu.memory_space<vmem>>, vector<8x768xf32>
    %dot_general3A_31 = arith.constant dense<0.000000e+00> : vector<64x8xf32>
    %dot_general3A_32 = tpu.matmul %concatenate3A, %get3A_30, %dot_general3A_31 {dimension_numbers = #tpu.dot_dimension_numbers<[1], [1], [0], [0], [0, 0, 1, 0], [], []>, transpose_lhs_hint = false} : vector<64x768xf32>, vector<8x768xf32>, vector<64x8xf32> -> vector<64x8xf32>
    %get3A_33 = arith.constant 0 : index
    %get3A_34 = arith.constant 0 : index
    %get3A_35 = vector.load %arg6[%get3A_33, %get3A_34] : memref<1x8xf32, #tpu.memory_space<vmem>>, vector<1x8xf32>
    %add3A_36 = vector.broadcast %get3A_35 : vector<1x8xf32> to vector<64x8xf32>
    %add3A_37 = arith.addf %dot_general3A_32, %add3A_36 : vector<64x8xf32>
    %max3A = arith.constant 0.000000e+00 : f32
    %max3A_38 = vector.broadcast %max3A : f32 to vector<64x8xf32>
    %max3A_39 = arith.maximumf %add3A_37, %max3A_38 : vector<64x8xf32>
    %abs3A = math.absf %add3A_37 : vector<64x8xf32>
    %neg3A = arith.constant 0.000000e+00 : f32
    %neg3A_40 = vector.broadcast %neg3A : f32 to vector<64x8xf32>
    %neg3A_41 = arith.subf %neg3A_40, %abs3A : vector<64x8xf32>
    %exp3A = math.exp %neg3A_41 : vector<64x8xf32>
    %log1p3A = math.log1p %exp3A : vector<64x8xf32>
    %add3A_42 = arith.addf %max3A_39, %log1p3A : vector<64x8xf32>
    %reduce_sum3A_43 = arith.constant dense<0.000000e+00> : vector<64xf32>
    %reduce_sum3A_44 = vector.multi_reduction <add>, %add3A_42, %reduce_sum3A_43 [1] : vector<64x8xf32> to vector<64xf32>
    %broadcast_in_dim3A = vector.shape_cast %reduce_sum3A_44 : vector<64xf32> to vector<64x1xf32>
    %div3A = arith.constant 8.000000e+00 : f32
    %div3A_45 = vector.broadcast %div3A : f32 to vector<64x1xf32>
    %div3A_46 = arith.divf %broadcast_in_dim3A, %div3A_45 : vector<64x1xf32>
    %sub3A = vector.broadcast %div3A_46 : vector<64x1xf32> to vector<64x8xf32>
    %sub3A_47 = arith.subf %add3A_42, %sub3A : vector<64x8xf32>
    %integer_pow3A = arith.mulf %sub3A_47, %sub3A_47 : vector<64x8xf32>
    %reduce_sum3A_48 = arith.constant dense<0.000000e+00> : vector<64xf32>
    %reduce_sum3A_49 = vector.multi_reduction <add>, %integer_pow3A, %reduce_sum3A_48 [1] : vector<64x8xf32> to vector<64xf32>
    %broadcast_in_dim3A_50 = vector.shape_cast %reduce_sum3A_49 : vector<64xf32> to vector<64x1xf32>
    %div3A_51 = arith.constant 7.000000e+00 : f32
    %div3A_52 = vector.broadcast %div3A_51 : f32 to vector<64x1xf32>
    %div3A_53 = arith.divf %broadcast_in_dim3A_50, %div3A_52 : vector<64x1xf32>
    %sub3A_54 = vector.broadcast %div3A_46 : vector<64x1xf32> to vector<64x8xf32>
    %sub3A_55 = arith.subf %add3A_42, %sub3A_54 : vector<64x8xf32>
    %rsqrt3A = math.rsqrt %div3A_53 : vector<64x1xf32>
    %mul3A_56 = vector.broadcast %rsqrt3A : vector<64x1xf32> to vector<64x8xf32>
    %mul3A_57 = arith.mulf %sub3A_55, %mul3A_56 : vector<64x8xf32>
    %add3A_58 = arith.addf %select_n3A, %mul3A_57 : vector<64x8xf32>
    %iota3A = tpu.iota {dimensions = array<i32: 1>} : vector<64x8xi32>
    %reduce_max3A_59 = arith.constant dense<0xFF800000> : vector<64xf32>
    %reduce_max3A_60 = vector.multi_reduction <maximumf>, %add3A_58, %reduce_max3A_59 [1] : vector<64x8xf32> to vector<64xf32>
    %broadcast_in_dim3A_61 = vector.shape_cast %reduce_max3A_60 : vector<64xf32> to vector<64x1xf32>
    %eq3A = vector.broadcast %broadcast_in_dim3A_61 : vector<64x1xf32> to vector<64x8xf32>
    %eq3A_62 = arith.cmpf oeq, %add3A_58, %eq3A : vector<64x8xf32>
    %jit3A = arith.constant 8 : i32
    %broadcast_in_dim3A_63 = vector.broadcast %jit3A : i32 to vector<64x8xi32>
    %select_n3A_64 = arith.select %eq3A_62, %iota3A, %broadcast_in_dim3A_63 : vector<64x8xi1>, vector<64x8xi32>
    %reduce_min3A = arith.constant dense<2147483647> : vector<64xi32>
    %reduce_min3A_65 = vector.multi_reduction <minsi>, %select_n3A_64, %reduce_min3A [1] : vector<64x8xi32> to vector<64xi32>
    %broadcast_in_dim3A_66 = vector.shape_cast %reduce_min3A_65 : vector<64xi32> to vector<64x1xi32>
    %eq3A_67 = vector.broadcast %broadcast_in_dim3A_66 : vector<64x1xi32> to vector<64x8xi32>
    %eq3A_68 = arith.cmpi eq, %iota3A, %eq3A_67 : vector<64x8xi32>
    %jit3A_69 = arith.constant 0xFF800000 : f32
    %broadcast_in_dim3A_70 = vector.broadcast %jit3A_69 : f32 to vector<64x8xf32>
    %select_n3A_71 = arith.select %eq3A_68, %broadcast_in_dim3A_70, %add3A_58 : vector<64x8xi1>, vector<64x8xf32>
    %reduce_max3A_72 = arith.constant dense<0xFF800000> : vector<64xf32>
    %reduce_max3A_73 = vector.multi_reduction <maximumf>, %select_n3A_71, %reduce_max3A_72 [1] : vector<64x8xf32> to vector<64xf32>
    %broadcast_in_dim3A_74 = vector.shape_cast %reduce_max3A_73 : vector<64xf32> to vector<64x1xf32>
    %eq3A_75 = vector.broadcast %broadcast_in_dim3A_74 : vector<64x1xf32> to vector<64x8xf32>
    %eq3A_76 = arith.cmpf oeq, %select_n3A_71, %eq3A_75 : vector<64x8xf32>
    %jit3A_77 = arith.constant 8 : i32
    %broadcast_in_dim3A_78 = vector.broadcast %jit3A_77 : i32 to vector<64x8xi32>
    %select_n3A_79 = arith.select %eq3A_76, %iota3A, %broadcast_in_dim3A_78 : vector<64x8xi1>, vector<64x8xi32>
    %reduce_min3A_80 = arith.constant dense<2147483647> : vector<64xi32>
    %reduce_min3A_81 = vector.multi_reduction <minsi>, %select_n3A_79, %reduce_min3A_80 [1] : vector<64x8xi32> to vector<64xi32>
    %broadcast_in_dim3A_82 = vector.shape_cast %reduce_min3A_81 : vector<64xi32> to vector<64x1xi32>
    %eq3A_83 = vector.broadcast %broadcast_in_dim3A_82 : vector<64x1xi32> to vector<64x8xi32>
    %eq3A_84 = arith.cmpi eq, %iota3A, %eq3A_83 : vector<64x8xi32>
    %or3A = arith.ori %eq3A_68, %eq3A_84 : vector<64x8xi1>
    %jit3A_85 = arith.constant 0xFF800000 : f32
    %broadcast_in_dim3A_86 = vector.broadcast %jit3A_85 : f32 to vector<64x8xf32>
    %select_n3A_87 = arith.select %or3A, %select_n3A, %broadcast_in_dim3A_86 : vector<64x8xi1>, vector<64x8xf32>
    %reduce_max3A_88 = arith.constant dense<0xFF800000> : vector<64xf32>
    %reduce_max3A_89 = vector.multi_reduction <maximumf>, %select_n3A_87, %reduce_max3A_88 [1] : vector<64x8xf32> to vector<64xf32>
    %broadcast_in_dim3A_90 = vector.shape_cast %reduce_max3A_89 : vector<64xf32> to vector<64x1xf32>
    %sub3A_91 = vector.broadcast %broadcast_in_dim3A_90 : vector<64x1xf32> to vector<64x8xf32>
    %sub3A_92 = arith.subf %select_n3A, %sub3A_91 : vector<64x8xf32>
    %exp3A_93 = math.exp %sub3A_92 : vector<64x8xf32>
    %jit3A_94 = arith.constant 0.000000e+00 : f32
    %broadcast_in_dim3A_95 = vector.broadcast %jit3A_94 : f32 to vector<64x8xf32>
    %select_n3A_96 = arith.select %or3A, %exp3A_93, %broadcast_in_dim3A_95 : vector<64x8xi1>, vector<64x8xf32>
    %reduce_sum3A_97 = arith.constant dense<0.000000e+00> : vector<64xf32>
    %reduce_sum3A_98 = vector.multi_reduction <add>, %select_n3A_96, %reduce_sum3A_97 [1] : vector<64x8xf32> to vector<64xf32>
    %broadcast_in_dim3A_99 = vector.shape_cast %reduce_sum3A_98 : vector<64xf32> to vector<64x1xf32>
    %div3A_100 = vector.broadcast %broadcast_in_dim3A_99 : vector<64x1xf32> to vector<64x8xf32>
    %div3A_101 = arith.divf %select_n3A_96, %div3A_100 : vector<64x8xf32>
    %transpose3A = tpu.transpose %div3A_101, [1, 0] : vector<64x8xf32> -> vector<8x64xf32>
    %swap3A = arith.constant 0 : index
    %swap3A_102 = arith.constant 0 : index
    %swap3A_103 = vector.load %arg7[%swap3A, %swap3A_102] : memref<8x64xf32, #tpu.memory_space<vmem>>, vector<8x64xf32>
    tpu.vector_store %arg7[%swap3A, %swap3A_102], %transpose3A {strides = array<i32>} : memref<8x64xf32, #tpu.memory_space<vmem>>, vector<8x64xf32>,
    return
  }
}

</mosaic_0001>

<sc_bundles>
// kernel: kernel.5.cloned.1.call-start
scs
__scs_entry_jumppad:
0x0: {  	(pc) =	sbr.rel $0x88, $3  }
0x1: {  	(tag) =	ssettag $0x0;
	lr =	simm.s32 $0x1  }
0x2: {  	[smem:$0x3F9C] =	sst lr;
	_ =	strace $0xD0000000  }
0x3: {  	_ = 	snop  }
0x4: {  	_ = 	snop  }
0x5: {  	_ = 	snop  }
0x6: {  	_ = 	snop  }
0x7: {  	_ = 	snop  }
__scs_overlays_trampoline_lowered:
0x8: {  	[smem:$0x3FAB] =	sst s0  }
0x9: {  	[smem:$0x3FAC] =	sst s1  }
0xa: {  	[smem:$0x3FAD] =	sst s2  }
0xb: {  	[smem:$0x3FAE] =	sst s3  }
0xc: {  	[smem:$0x3FAF] =	sst s4  }
0xd: {  	[smem:$0x3FB0] =	sst s5  }
0xe: {  	[smem:$0x3FB1] =	sst s6  }
0xf: {  	[smem:$0x3FB2] =	sst s7  }
0x10: {  	[smem:$0x3FB3] =	sst s8  }
0x11: {  	[smem:$0x3FB4] =	sst s9;
	s0 =	simm.s32 @!p0 $0x0  }
0x12: {  	s1 =	sld [smem:$0x3F9A];
	s0 =	simm.s32 @p0 $0x1  }
0x13: {  	[smem:$0x3FB5] =	sst s0;
	s0 =	simm.s32 @!p1 $0x0  }
0x14: {  	s2 =	sld [smem:$0x3F99];
	s0 =	simm.s32 @p1 $0x1  }
0x15: {  	[smem:$0x3FB6] =	sst s0;
	s0 =	simm.s32 @!p2 $0x0  }
0x16: {  	s3 =	sld [smem:$0x3FDB];
	s0 =	simm.s32 @p2 $0x1  }
0x17: {  	s4 =	simm.s32 $0x1BF5;
	[smem:$0x3FB8] =	sst s0  }
0x18: {  	s0 =	sld [smem:$0x3F9B];
	_ =	swait.ge [sflag:s4], $0x0  }
0x19: {  	s7 =	sld [smem:$0x3F9C]  }
0x1a: {  	s8 =	sadd.s32 $0xFFFFE003, lr  }
0x1b: {  	s9 =	sadd.s32 $0xFFFFFEF7, lr;
	s5 =	simm.s32 $0xFFFFFFFF;
	p2 =	slt.u32 s8, $0xFFFFF086  }
0x1c: {  	p1 =	slt.u32 s9, $0xF7A;
	s5 =	simm.s32 @!p2 $0x0  }
0x1d: {  	s5 =	simm.s32 @p1 $0x1;
	p0 =	seq.s32 s7, s2  }
0x1e: {  	s7 =	smul.u32 @!p0 $0xF7A, s2;
	p2 =	seq.s32 @!p0 s5, $0x0  }
0x1f: {  	s9 =	smul.u32 $0xF7A, s1;
	s8 =	simm.s32 @!p0 $0x1BF5;
	p2 =	por !p2, p0  }
0x20: {  	[sflag:s8] =	ssyncset.s32 @!p0 $0xFFFFF086;
	s6 =	sadd.s32 @!p0 s3, s7;
	s7 =	simm.s32 @!p0 $0x108  }
0x21: {  	s3 =	sadd.s32 s3, s9;
	s6 =	sadd.s32 @!p0 $0x88, s6;
	s7 =	simm.s32 @p2 $0x1082  }
0x22: {  	[simem:s7], [sflag:s8] =	dma.local @!p0 [hbm:s6], $0xF7A  }
0x23: {  	s9 =	sor.u32 $0xD0000000, s2;
	s6 =	simm.s32 $0x108;
	_ =	swait.ge @!p0 [sflag:s8], $0x0  }
0x24: {  	s3 =	sadd.s32 $0x88, s3;
	s6 =	simm.s32 @!p1 $0x1082;
	[sflag:s4] =	ssyncset.s32 $0xFFFFF086  }
0x25: {  	[simem:s6], [sflag:s4] =	dma.local [hbm:s3], $0xF7A  }
0x26: {  	[smem:$0x3F9C] =	sst s1;
	(tag) =	ssettag s2;
	_ =	strace s9  }
0x27: {  	s1 =	sld [smem:$0x3FAC]  }
0x28: {  	s2 =	sld [smem:$0x3FAD]  }
0x29: {  	s4 =	sld [smem:$0x3FAF]  }
0x2a: {  	p0 =	seq.s32 s5, $0x0;
	s5 =	sld [smem:$0x3FB0]  }
0x2b: {  	s6 =	sld [smem:$0x3FB1]  }
0x2c: {  	s7 =	sld [smem:$0x3FB2]  }
0x2d: {  	s3 =	simm.s32 $0x108;
	s8 =	sld [smem:$0x3FB3]  }
0x2e: {  	s3 =	simm.s32 @!p0 $0x1082;
	s9 =	sld [smem:$0x3FB4]  }
0x2f: {  	lr =	sadd.s32 s0, s3;
	s0 =	sld [smem:$0x3FAB]  }
0x30: {  	s3 =	sld [smem:$0x3FAE]  }
0x31: {  	[smem:$0x3FB7] =	sst s10  }
0x32: {  	s10 =	sld [smem:$0x3FB5];
	_ =	sdelay $0x3  }
0x33: {  	p0 =	seq.s32 s10, $0x1;
	s10 =	sld [smem:$0x3FB7];
	_ =	sdelay $0x3  }
0x34: {  	[smem:$0x3FB7] =	sst s10  }
0x35: {  	s10 =	sld [smem:$0x3FB6];
	_ =	sdelay $0x3  }
0x36: {  	p1 =	seq.s32 s10, $0x1;
	s10 =	sld [smem:$0x3FB7];
	_ =	sdelay $0x3  }
0x37: {  	[smem:$0x3FB7] =	sst s10  }
0x38: {  	s10 =	sld [smem:$0x3FB8]  }
0x39: {  	_ = 	snop;
	(pc) =	sbr.ind lr, $3  }
0x3a: {  	_ = 	snop  }
0x3b: {  	_ = 	snop  }
0x3c: {  	p2 =	seq.s32 s10, $0x1;
	s10 =	sld [smem:$0x3FB7]  }
0x3d: {  	_ =	shalt  }
0x3e: {  	_ =	shalt  }
0x3f: {  	_ =	shalt  }
0x40: {  	_ =	shalt  }
0x41: {  	_ =	shalt  }
0x42: {  	_ =	shalt  }
0x43: {  	_ =	shalt  }
0x44: {  	_ =	shalt  }
0x45: {  	_ =	shalt  }
0x46: {  	_ =	shalt  }
0x47: {  	_ =	shalt  }
0x48: {  	_ =	shalt  }
0x49: {  	_ =	shalt  }
0x4a: {  	_ =	shalt  }
0x4b: {  	_ =	shalt  }
0x4c: {  	_ =	shalt  }
0x4d: {  	_ =	shalt  }
0x4e: {  	_ =	shalt  }
0x4f: {  	_ =	shalt  }
0x50: {  	_ =	shalt  }
0x51: {  	_ =	shalt  }
0x52: {  	_ =	shalt  }
0x53: {  	_ =	shalt  }
0x54: {  	_ =	shalt  }
0x55: {  	_ =	shalt  }
0x56: {  	_ =	shalt  }
0x57: {  	_ =	shalt  }
0x58: {  	_ =	shalt  }
0x59: {  	_ =	shalt  }
0x5a: {  	_ =	shalt  }
0x5b: {  	_ =	shalt  }
0x5c: {  	_ =	shalt  }
0x5d: {  	_ =	shalt  }
0x5e: {  	_ =	shalt  }
0x5f: {  	_ =	shalt  }
0x60: {  	_ =	shalt  }
0x61: {  	_ =	shalt  }
0x62: {  	_ =	shalt  }
0x63: {  	_ =	shalt  }
0x64: {  	_ =	shalt  }
0x65: {  	_ =	shalt  }
0x66: {  	_ =	shalt  }
0x67: {  	_ =	shalt  }
0x68: {  	_ =	shalt  }
0x69: {  	_ =	shalt  }
0x6a: {  	_ =	shalt  }
0x6b: {  	_ =	shalt  }
0x6c: {  	_ =	shalt  }
0x6d: {  	_ =	shalt  }
0x6e: {  	_ =	shalt  }
0x6f: {  	_ =	shalt  }
0x70: {  	_ =	shalt  }
0x71: {  	_ =	shalt  }
0x72: {  	_ =	shalt  }
0x73: {  	_ =	shalt  }
0x74: {  	_ =	shalt  }
0x75: {  	_ =	shalt  }
0x76: {  	_ =	shalt  }
0x77: {  	_ =	shalt  }
0x78: {  	_ =	shalt  }
0x79: {  	_ =	shalt  }
0x7a: {  	_ =	shalt  }
0x7b: {  	_ =	shalt  }
0x7c: {  	_ =	shalt  }
0x7d: {  	_ =	shalt  }
0x7e: {  	_ =	shalt  }
0x7f: {  	_ =	shalt  }
0x80: {  	_ =	shalt  }
0x81: {  	_ =	shalt  }
0x82: {  	_ =	shalt  }
0x83: {  	_ =	shalt  }
0x84: {  	_ =	shalt  }
0x85: {  	_ =	shalt  }
0x86: {  	_ =	shalt  }
0x87: {  	_ =	shalt  }
.Lfunc_end0:
.L_simem_size_0:
called_computation_lowered:
.L_overlay_start_0:
0x88: {  	s2 =	sld [smem:$0x3FD9]  }
0x89: {  	s3 =	sld [smem:$0x3FFE];
	_ =	sdelay $0x1  }
0x8a: {  	s1 =	srdreg.scid  }
0x8b: {  	s0 =	sand.u32 $0x1, s1  }
0x8c: {  	s17 =	sshll.u32 s0, $0xA;
	s2 =	sadd.s32 s3, s2  }
0x8d: {  	s2 =	sadd.s32 s2, s17  }
0x8e: {  	[smem:$0x3FC3] =	sst s2  }
0x8f: {  	_ = 	snop  }
0x90: {  	s2 =	sld [smem:$0x3FC9];
	(tm) =	ssettm $0x1  }
0x91: {  	s18 =	sld [smem:$0x3FFB];
	_ =	sdelay $0x3  }
0x92: {  	_ =	strace s18  }
0x93: {  	s3 =	sld [smem:$0x3FFC];
	_ =	sdelay $0x3  }
0x94: {  	_ =	strace s3  }
0x95: {  	s3 =	sld [smem:$0x3FFD];
	_ =	sdelay $0x3  }
0x96: {  	_ =	strace s3  }
0x97: {  	_ =	strace $0x8FFFFFFF  }
0x98: {  	s19 =	sld [smem:$0x3FDB];
	_ =	sdelay $0x1  }
0x99: {  	s4 =	simm.s32 $_scs_section_size  }
0x9a: {  	s5 =	simm.s32 $_size__tile_overlayer_lowered;
	s6 =	simm.s32 $_tile_overlayer_lowered  }
0x9b: {  	s22 =	simm.s32 $0x1BFF;
	s21 =	sshll.u32 s6, $0x1;
	s3 =	sadd.s32 s4, s19  }
0x9c: {  	s7 =	simm.s32 $0x0;
	s20 =	sshll.u32 s5, $0x1;
	s5 =	sadd.s32 s21, s3  }
0x9d: {  	[timem:s7], [sflag:s22] =	dma.local [hbm:s5], s20  }
0x9e: {  	_ =	swait.ge [sflag:s22], s20  }
0x9f: {  	s4 =	ssub.s32 $0x0, s20;
	[sflag:s22] =	ssyncset.done $0x0  }
0xa0: {  	[sflag:s22] =	ssyncadd.s32 s4;
	_ =	sdelay $0x1  }
0xa1: {  	s23 =	simm.s32 $0x1B8B  }
0xa2: {  	_ =	swait.ge [sflag:s23], $0x1  }
0xa3: {  	[sflag:s23] =	ssyncset.done $0x0  }
0xa4: {  	s25 =	simm.s32 $0x1B8E;
	s24 =	sld [smem:$0x3FFE];
	[sflag:s23] =	ssyncadd.s32 $0xFFFFFFFF  }
0xa5: {  	s26 =	simm.s32 $execute0_lowered;
	[smem:$0x3FD2] =	sst s25  }
0xa6: {  	s5 =	sshll.u32 s26, $0x1;
	_ =	strace $0x80000046;
	[dreg:$0x1] =	wrdreg $0xFFFFFFFF  }
0xa7: {  	s28 =	simm.s32 $_size_execute0_lowered;
	s3 =	sadd.s32 s3, s5;
	[dreg:$0x0] =	wrdreg $0x0  }
0xa8: {  	s5 =	sshll.u32 s28, $0x1;
	[dreg:$0x2] =	wrdreg s3  }
0xa9: {  	[dreg:$0x3] =	wrdreg s5  }
0xaa: {  	[dreg:$0x4] =	wrdreg $0xC0  }
0xab: {  	_ =	task [dreg:s7], $0x5FFFF  }
0xac: {  	[dreg:$0x1] =	wrdreg $0xFFFFFFFF  }
0xad: {  	[dreg:$0x0] =	wrdreg $0x60  }
0xae: {  	[dreg:$0x2] =	wrdreg s2  }
0xaf: {  	[dreg:$0x3] =	wrdreg s24  }
0xb0: {  	[dreg:$0x4] =	wrdreg $0x9  }
0xb1: {  	_ =	task.clear_ibuf [dreg:s7], $0x5FFFF;
	_ =	strace $0x90000046  }
0xb2: {  	s29 =	simm.s32 $0x9;
	_ =	strace $0x80000048  }
0xb3: {  	_ =	swait.ge [sflag:s29], $0x1  }
0xb4: {  	[sflag:s29] =	ssyncadd.s32 $0xFFFFFFFF  }
0xb5: {  	_ =	strace $0x90000048  }
0xb6: {  	_ =	sfence  }
0xb7: {  	s30 =	sld [smem:$0x0];
	_ =	sdelay $0x2  }
0xb8: {  	s31 =	sshll.u32 s1, $0xD;
	s1 =	sshrl.u32 s1, $0x2  }
0xb9: {  	s3 =	sand.u32 $0x4000, s31;
	s1 =	sadd.s32 s1, s30  }
0xba: {  	s0 =	sor.u32 s3, s0;
	s1 =	sshll.u32 s1, $0x11  }
0xbb: {  	s0 =	sor.u32 s1, s0  }
0xbc: {  	s0 =	sadd.s32 $0x8F2B, s0  }
0xbd: {  	[sflag:s0] =	ssyncadd.remote.s32 $0x1  }
0xbe: {  	_ =	sfence.sel $0xFFFF  }
0xbf: {  	[dreg:$0x0] =	wrdreg $0xFFFFFFFF;
	(pc) =	sbr.abs _section_cstart, $3  }
0xc0: {  	[dreg:$0x1] =	wrdreg $0xFFFFFFFF  }
0xc1: {  	_ =	task.clear_ibuf [dreg:s7], $0x2FFFF;
	_ =	strace $0x9FFFFFFF  }
0xc2: {  	(tm) =	ssettm $0x7FFFFFFF  }
0xc3: {  	_ =	shalt  }
tec
execute0_lowered:
.L_overlay_start_1:
0x0: {  	(tag) =	ssettag $0x1  }
0x1: {  	s1 =	srdreg.scid;
	s9 =	rddreg [dreg:$0x0]  }
0x2: {  	s0 =	stileid.u32;
	s3 =	simm.s32 $0x1;
	s5 =	rddreg [dreg:$0x1]  }
0x3: {  	s2 =	simm.s32 $0x0;
	s14 =	simm.s32 $0x2;
	s15 =	simm.s32 $0x80  }
0x4: {  	s16 =	simm.s32 $0x400;
	s17 =	simm.s32 $0x12000;
	s4 =	sand.u32 $0x1, s1  }
0x5: {  	s18 =	simm.s32 $0x3;
	s19 =	simm.s32 $0x12300;
	s1 =	sor.u32 s4, s0  }
0x6: {  	p1 =	seq.s32 s4, $0x1;
	s7 =	smul.u32 $0x3000, s4;
	p0 =	seq.s32 s1, $0x0  }
0x7: {  	[smem:$0x7FF] =	sst s2;
	s11 =	smul.u32 $0x120, s4;
	p0 =	por !p0, !p1  }
0x8: {  	s21 =	smul.u32 $0x36000, s4;
	s4 =	ssub.s32 $0x2, s4;
	p0 =	por !p0, !p0  }
0x9: {  	s1 =	rddreg [dreg:$0x2];
	s24 =	sshrl.u32 s4, $0x1;
	s3 =	simm.s32 @!p0 $0x0  }
0xa: {  	_ =	strace $0x80000047;
	s12 =	ssub.s32 s4, s24;
	s6 =	ssub.s32 s0, s3  }
0xb: {  	s3 =	sshrl.u32 s6, $0x3;
	s10 =	sshll.u32 s6, $0x7;
	s6 =	smul.u32 $0x6C000, s6  }
0xc: {  	s22 =	sshrl.u32 s11, $0x3;
	s12 =	smax.u32 s12, $0x1;
	s8 =	smul.u32 $0x1800, s3  }
0xd: {  	s20 =	sand.u32 $0x380, s10;
	s10 =	smul.u32 $0x1800, s22;
	s6 =	sadd.s32 $0x1440000, s6  }
0xe: {  	s3 =	simm.s32 $0x1;
	s7 =	sadd.s32 s7, s8;
	s25 =	sadd.s32 s21, s6  }
0xf: {  	s26 =	sadd.s32 s6, s10;
	s7 =	sor.u32 s20, s7;
	s4 =	sshrl.u32 s25, $0x3  }
0x10: {  	s28 =	sadd.s32 $0x9000, s26;
	s6 =	sadd.s32 $0x12000, s26;
	s29 =	sadd.s32 $0x1B000, s26  }
0x11: {  	s10 =	sadd.s32 $0x24000, s26;
	s13 =	sadd.s32 $0x2D000, s26;
	s7 =	sshrl.u32 s7, $0x3  }
0x12: {  	s4 =	sadd.s32 s9, s4;
	s6 =	sshrl.u32 s6, $0x3;
	s8 =	sshrl.u32 s29, $0x3  }
0x13: {  	s30 =	sshrl.u32 s10, $0x3;
	s31 =	sshrl.u32 s13, $0x3;
	s13 =	simm.s32 $0x9000  }
0x14: {  	s23 =	sadd.s32 s7, s5;
	s5 =	sshrl.u32 s28, $0x3;
	s6 =	sadd.s32 s9, s6  }
0x15: {  	s7 =	sadd.s32 s9, s8;
	s8 =	sadd.s32 s9, s30;
	s5 =	sadd.s32 s9, s5  }
0x16: {  	v0 =	vimm.f32 $-Inf;
	v1 =	vimm.f32 $0.0e+00;
	s9 =	sadd.s32 s9, s31;
	s10 =	sadd.s32 $0x1400, s23;
	s11 =	sadd.s32 $0x2000, s23  }
.LBB2_1:
0x17: {  	s20 =	simm.s32 $0x40;
	s21 =	simm.s32 $0x0  }
.LBB2_2:
0x18: {  	p0 =	sne.s32 s20, $0xBC0;
	[tilespmem:s21+$0x12000] =	vst v0;
	s22 =	smov.u32 s20;
	s20 =	sadd.s32 $0x40, s20  }
.Ltmp0:
0x19: {  	[tilespmem:s21+$0x12300] =	vst v1;
	(pc) =	sbr.rel @p0 .LBB2_2-.Ltmp0, $2  }
0x1a: {  	_ =	sdelay $0x2  }
0x1b: {  	s21 =	sshra.s32 s22, $0x2  }
0x1c: {  	[tilespmem:s21+$0x12000] =	vst v0  }
0x1d: {  	[tilespmem:s21+$0x12300] =	vst v1;
	s23 =	simm.s32 $0x0  }
0x1e: {  	[tilespmem:s23], [sflag:$0x1] =	stream.linear.gather [hbm4b:s4+s23], $0x9000, $0x38;
	[tilespmem:$0x12600] =	vst v63  }
0x1f: {  	_ =	swait.ge [sflag:s3], $0x9000  }
0x20: {  	s20 =	sand.u32 $0x70, s23;
	s31 =	sand.u32 $0x1C00, s23;
	[sflag:s3] =	ssyncset.done $0x0  }
0x21: {  	s22 =	sor.u32 s20, s31;
	[sflag:s3] =	ssyncadd.s32 $0xFFFF7000  }
0x22: {  	[tilespmem:s13], [sflag:$0x2] =	stream.linear.gather [hbm4b:s5+s23], $0x9000, $0x38;
	[tilespmem:$0x12600] =	vst v63  }
0x23: {  	v7 =	vld [tilespmem:s22+$0x3200]  }
0x24: {  	v2 =	vld [tilespmem:s22+$0x6000]  }
0x25: {  	v5 =	vld [tilespmem:s22+$0x4800]  }
0x26: {  	v6 =	vld [tilespmem:s22+$0x3300]  }
0x27: {  	v8 =	vld [tilespmem:s22+$0x3100]  }
0x28: {  	v11 =	vld [tilespmem:s22+$0x1B00]  }
0x29: {  	v15 =	vld [tilespmem:s22+$0x1900]  }
0x2a: {  	v10 =	vld [tilespmem:s22+$0x3000]  }
0x2b: {  	v13 =	vld [tilespmem:s22+$0x1B80]  }
0x2c: {  	v12 =	vld [tilespmem:s22+$0x1A00]  }
0x2d: {  	v20 =	vld [tilespmem:s22+$0x1800]  }
0x2e: {  	v17 =	vld [tilespmem:s22+$0x1A80]  }
0x2f: {  	v18 =	vld [tilespmem:s22+$0x1980]  }
0x30: {  	v4 =	vld [tilespmem:s22+$0x200]  }
0x31: {  	v21 =	vld [tilespmem:s22+$0x1880]  }
0x32: {  	v14 =	vld [tilespmem:s22+$0x380]  }
0x33: {  	v24 =	vld [tilespmem:s22+$0x300]  }
0x34: {  	v16 =	vld [tilespmem:s22+$0x80]  }
0x35: {  	v19 =	vld [tilespmem:s22+$0x280]  }
0x36: {  	v22 =	vld [tilespmem:s22+$0x180]  }
0x37: {  	v25 =	vld [tilespmem:s22+$0x0]  }
0x38: {  	v26 =	vld [tilespmem:s22+$0x100]  }
0x39: {  	v9 =	vld [tilespmem:s22+$0x4980]  }
0x3a: {  	v3 =	vld [tilespmem:s22+$0x6100]  }
0x3b: {  	v27 =	vadd.f32 v19, v16;
	v29 =	vmax.f32 v16, v19;
	v19 =	vmax.f32 v22, v14;
	v16 =	vld [tilespmem:s22+$0x3280]  }
0x3c: {  	v23 =	vadd.f32 v14, v22;
	v14 =	vld [tilespmem:s22+$0x4880];
	v31 =	vmax.f32 v25, v4;
	v25 =	vadd.f32 v4, v25  }
0x3d: {  	v32 =	vadd.f32 v24, v26;
	v22 =	vmax.f32 v19, v18;
	v19 =	vld [tilespmem:s22+$0x3080];
	v30 =	vadd.f32 v21, v27  }
0x3e: {  	s24 =	simm.s32 $0x12000;
	s25 =	simm.s32 $0x12300;
	v28 =	vmax.f32 v26, v24;
	v4 =	vld [tilespmem:s22+$0x6300];
	v24 =	vmax.f32 v31, v20;
	v25 =	vadd.f32 v20, v25  }
0x3f: {  	s26 =	simm.s32 $0x10;
	s21 =	simm.s32 $0x12000;
	s20 =	simm.s32 $0x12300;
	v27 =	vmax.f32 v29, v21;
	v26 =	vadd.f32 v15, v32;
	v20 =	vld [tilespmem:s22+$0x3180];
	v21 =	vadd.f32 v17, v30  }
.LBB2_4:
0x40: {  	v15 =	vmax.f32 v28, v15;
	v18 =	vadd.f32 v18, v23;
	v17 =	vmax.f32 v27, v17;
	v23 =	vld [tilespmem:s22+$0x3380];
	s23 =	sadd.s32 $0x80, s23;
	s24 =	sadd.s32 $0x10, s24;
	s25 =	sadd.s32 $0x10, s25  }
0x41: {  	p0 =	sne.s32 s26, $0x2F0;
	v22 =	vmax.f32 v22, v13;
	s28 =	smov.u32 s26;
	s26 =	sadd.s32 $0x10, s26;
	v25 =	vadd.f32 v12, v25;
	v26 =	vadd.f32 v11, v26;
	v27 =	vld [tilespmem:s22+$0x4B80]  }
0x42: {  	v11 =	vmax.f32 v15, v11;
	v13 =	vadd.f32 v13, v18;
	v15 =	vmax.f32 v17, v19;
	v17 =	vld [tilespmem:s22+$0x4A00]  }
0x43: {  	v12 =	vmax.f32 v24, v12;
	v19 =	vadd.f32 v19, v21;
	v18 =	vadd.f32 v10, v25;
	v21 =	vld [tilespmem:s22+$0x4A80]  }
0x44: {  	v10 =	vmax.f32 v12, v10;
	v12 =	vadd.f32 v8, v26;
	v13 =	vadd.f32 v20, v13;
	v24 =	vld [tilespmem:s22+$0x4900]  }
0x45: {  	v15 =	vmax.f32 v15, v16;
	v20 =	vmax.f32 v22, v20;
	v18 =	vadd.f32 v7, v18;
	v22 =	vld [tilespmem:s22+$0x6080]  }
0x46: {  	v16 =	vadd.f32 v16, v19;
	v15 =	vmax.f32 v15, v14;
	v13 =	vadd.f32 v23, v13;
	v19 =	vld [tilespmem:s22+$0x4B00]  }
0x47: {  	v7 =	vmax.f32 v10, v7;
	v10 =	vadd.f32 v6, v12;
	v12 =	vadd.f32 v5, v18;
	v18 =	vld [tilespmem:s22+$0x6280]  }
0x48: {  	v8 =	vmax.f32 v11, v8;
	v11 =	vadd.f32 v14, v16;
	v14 =	vmax.f32 v15, v21;
	v15 =	vld [tilespmem:s22+$0x7880]  }
0x49: {  	v6 =	vmax.f32 v8, v6;
	v5 =	vmax.f32 v7, v5;
	v7 =	vadd.f32 v17, v12;
	v8 =	vld [tilespmem:s22+$0x6200]  }
0x4a: {  	v11 =	vadd.f32 v21, v11;
	v6 =	vmax.f32 v6, v24;
	v12 =	vmax.f32 v14, v22;
	v14 =	vld [tilespmem:s22+$0x7B00]  }
0x4b: {  	v16 =	vmax.f32 v20, v23;
	v6 =	vmax.f32 v6, v19;
	v7 =	vadd.f32 v2, v7;
	v20 =	vld [tilespmem:s22+$0x7800]  }
0x4c: {  	v11 =	vadd.f32 v22, v11;
	v12 =	vmax.f32 v12, v18;
	v21 =	vld [tilespmem:s22+$0x7900]  }
0x4d: {  	v13 =	vadd.f32 v9, v13;
	v6 =	vmax.f32 v6, v3;
	v22 =	vld [tilespmem:s22+$0x6180];
	v12 =	vmax.f32 v12, v15  }
0x4e: {  	v9 =	vmax.f32 v16, v9;
	v11 =	vadd.f32 v18, v11;
	v16 =	vld [tilespmem:s22+$0x6380];
	v7 =	vadd.f32 v8, v7  }
0x4f: {  	v13 =	vadd.f32 v27, v13;
	v6 =	vmax.f32 v6, v4;
	v18 =	vld [tilespmem:s22+$0x7A80]  }
0x50: {  	v5 =	vmax.f32 v5, v17;
	v9 =	vmax.f32 v9, v27;
	v17 =	vld [tilespmem:s22+$0x7980];
	v7 =	vadd.f32 v20, v7  }
0x51: {  	v10 =	vadd.f32 v24, v10;
	v2 =	vmax.f32 v5, v2;
	v5 =	vmax.f32 v6, v21;
	v6 =	vld [tilespmem:s22+$0x7B80]  }
0x52: {  	v9 =	vmax.f32 v9, v22;
	v13 =	vadd.f32 v22, v13;
	v22 =	vld [tilespmem:s22+$0x7A00]  }
0x53: {  	v10 =	vadd.f32 v19, v10;
	v9 =	vmax.f32 v9, v16  }
0x54: {  	v2 =	vmax.f32 v2, v8;
	v11 =	vadd.f32 v15, v11;
	v8 =	vadd.f32 v16, v13  }
0x55: {  	v3 =	vadd.f32 v3, v10;
	v10 =	vmax.f32 v12, v18;
	v9 =	vmax.f32 v9, v17;
	v12 =	vld [tilespmem:s21+$0x0]  }
0x56: {  	v2 =	vmax.f32 v2, v20;
	v8 =	vadd.f32 v17, v8;
	v9 =	vmax.f32 v9, v6  }
0x57: {  	v3 =	vadd.f32 v4, v3;
	v4 =	vmax.f32 v5, v14;
	v2 =	vmax.f32 v2, v22  }
0x58: {  	v4 =	vmax.f32 v4, v9;
	v2 =	vmax.f32 v2, v10  }
0x59: {  	v3 =	vadd.f32 v21, v3;
	v2 =	vmax.f32 v2, v4  }
0x5a: {  	v5 =	vadd.f32 v18, v11;
	v4 =	vadd.f32 v22, v7;
	v2 =	vmax.f32 v12, v2  }
0x5b: {  	v3 =	vadd.f32 v14, v3;
	v6 =	vadd.f32 v6, v8;
	[tilespmem:s21+$0x0] =	vst v2;
	s21 =	smov.u32 s24  }
0x5c: {  	v2 =	vld [tilespmem:s20+$0x0]  }
0x5d: {  	v3 =	vadd.f32 v6, v3;
	v4 =	vadd.f32 v5, v4  }
0x5e: {  	s22 =	sand.u32 $0x70, s28;
	s28 =	sand.u32 $0x1C00, s23  }
0x5f: {  	s22 =	sor.u32 s22, s28;
	v3 =	vadd.f32 v3, v4;
	_ =	sdelay $0x1  }
0x60: {  	v2 =	vadd.f32 v3, v2;
	_ =	sdelay $0x1  }
0x61: {  	[tilespmem:s20+$0x0] =	vst v2;
	s20 =	smov.u32 s25  }
0x62: {  	v7 =	vld [tilespmem:s22+$0x3200]  }
0x63: {  	v2 =	vld [tilespmem:s22+$0x6000]  }
0x64: {  	v5 =	vld [tilespmem:s22+$0x4800]  }
0x65: {  	v6 =	vld [tilespmem:s22+$0x3300]  }
0x66: {  	v8 =	vld [tilespmem:s22+$0x3100]  }
0x67: {  	v11 =	vld [tilespmem:s22+$0x1B00]  }
0x68: {  	v15 =	vld [tilespmem:s22+$0x1900]  }
0x69: {  	v10 =	vld [tilespmem:s22+$0x3000]  }
0x6a: {  	v13 =	vld [tilespmem:s22+$0x1B80]  }
0x6b: {  	v12 =	vld [tilespmem:s22+$0x1A00]  }
0x6c: {  	v20 =	vld [tilespmem:s22+$0x1800]  }
0x6d: {  	v17 =	vld [tilespmem:s22+$0x1A80]  }
0x6e: {  	v18 =	vld [tilespmem:s22+$0x1980]  }
0x6f: {  	v4 =	vld [tilespmem:s22+$0x200]  }
0x70: {  	v21 =	vld [tilespmem:s22+$0x1880]  }
0x71: {  	v14 =	vld [tilespmem:s22+$0x380]  }
0x72: {  	v24 =	vld [tilespmem:s22+$0x300]  }
0x73: {  	v3 =	vld [tilespmem:s22+$0x80]  }
0x74: {  	v16 =	vld [tilespmem:s22+$0x280]  }
0x75: {  	v19 =	vld [tilespmem:s22+$0x180]  }
0x76: {  	v25 =	vld [tilespmem:s22+$0x0]  }
0x77: {  	v26 =	vld [tilespmem:s22+$0x100]  }
0x78: {  	v9 =	vld [tilespmem:s22+$0x4980]  }
0x79: {  	v27 =	vmax.f32 v3, v16;
	v28 =	vadd.f32 v16, v3;
	v3 =	vld [tilespmem:s22+$0x6100]  }
.Ltmp1:
0x7a: {  	v22 =	vmax.f32 v19, v14;
	v23 =	vadd.f32 v14, v19;
	v16 =	vld [tilespmem:s22+$0x3280];
	(pc) =	sbr.rel @p0 .LBB2_4-.Ltmp1, $4  }
0x7b: {  	v22 =	vmax.f32 v22, v18;
	v29 =	vadd.f32 v21, v28;
	v14 =	vld [tilespmem:s22+$0x4880]  }
0x7c: {  	v30 =	vmax.f32 v25, v4;
	v25 =	vadd.f32 v4, v25;
	v31 =	vadd.f32 v24, v26;
	v19 =	vld [tilespmem:s22+$0x3080]  }
0x7d: {  	v27 =	vmax.f32 v27, v21;
	v28 =	vmax.f32 v26, v24;
	v21 =	vadd.f32 v17, v29;
	v4 =	vld [tilespmem:s22+$0x6300]  }
0x7e: {  	v24 =	vmax.f32 v30, v20;
	v25 =	vadd.f32 v20, v25;
	v26 =	vadd.f32 v15, v31;
	v20 =	vld [tilespmem:s22+$0x3180]  }
0x7f: {  	v29 =	vld [tilespmem:s22+$0x3380]  }
0x80: {  	v30 =	vld [tilespmem:s22+$0x4B80]  }
0x81: {  	v15 =	vmax.f32 v28, v15;
	v18 =	vadd.f32 v18, v23;
	v17 =	vmax.f32 v27, v17;
	v23 =	vld [tilespmem:s22+$0x4A00]  }
0x82: {  	v22 =	vmax.f32 v22, v13;
	v27 =	vld [tilespmem:s22+$0x4A80];
	v25 =	vadd.f32 v12, v25;
	v26 =	vadd.f32 v11, v26  }
0x83: {  	v11 =	vmax.f32 v15, v11;
	v12 =	vmax.f32 v24, v12;
	v24 =	vld [tilespmem:s22+$0x4B00];
	v13 =	vadd.f32 v13, v18  }
0x84: {  	v15 =	vmax.f32 v17, v19;
	v17 =	vld [tilespmem:s22+$0x4900];
	v19 =	vadd.f32 v19, v21;
	v18 =	vadd.f32 v10, v25  }
0x85: {  	v21 =	vld [tilespmem:s22+$0x6080];
	v10 =	vmax.f32 v12, v10;
	v12 =	vadd.f32 v8, v26;
	v15 =	vmax.f32 v15, v16  }
0x86: {  	v8 =	vmax.f32 v11, v8;
	v25 =	vld [tilespmem:s22+$0x7A80];
	v13 =	vadd.f32 v20, v13;
	v20 =	vmax.f32 v22, v20  }
0x87: {  	v22 =	vld [tilespmem:s22+$0x6280];
	v16 =	vadd.f32 v16, v19;
	v15 =	vmax.f32 v15, v14;
	v18 =	vadd.f32 v7, v18  }
0x88: {  	v19 =	vld [tilespmem:s22+$0x7880];
	v7 =	vmax.f32 v10, v7;
	v10 =	vadd.f32 v6, v12;
	v6 =	vmax.f32 v8, v6  }
0x89: {  	v8 =	vld [tilespmem:s22+$0x7800];
	v13 =	vadd.f32 v29, v13;
	v11 =	vadd.f32 v14, v16;
	v14 =	vmax.f32 v15, v27  }
0x8a: {  	v15 =	vld [tilespmem:s22+$0x7B00];
	v16 =	vmax.f32 v20, v29;
	v12 =	vadd.f32 v5, v18;
	v5 =	vmax.f32 v7, v5  }
0x8b: {  	v20 =	vld [tilespmem:s22+$0x6180];
	v6 =	vmax.f32 v6, v17;
	v10 =	vadd.f32 v17, v10;
	v11 =	vadd.f32 v27, v11  }
0x8c: {  	v18 =	vld [tilespmem:s22+$0x6200];
	v6 =	vmax.f32 v6, v24;
	v13 =	vadd.f32 v9, v13;
	v9 =	vmax.f32 v16, v9  }
0x8d: {  	v17 =	vld [tilespmem:s22+$0x7B80];
	v5 =	vmax.f32 v5, v23;
	v7 =	vadd.f32 v23, v12;
	v12 =	vmax.f32 v14, v21  }
0x8e: {  	v14 =	vld [tilespmem:s22+$0x7900];
	v6 =	vmax.f32 v6, v3;
	v9 =	vmax.f32 v9, v30;
	v10 =	vadd.f32 v24, v10  }
0x8f: {  	v11 =	vadd.f32 v21, v11;
	v12 =	vmax.f32 v12, v22;
	v21 =	vld [tilespmem:s22+$0x6380];
	v13 =	vadd.f32 v30, v13  }
0x90: {  	v16 =	vld [tilespmem:s22+$0x7980];
	v6 =	vmax.f32 v6, v4;
	v7 =	vadd.f32 v2, v7;
	v12 =	vmax.f32 v12, v19  }
0x91: {  	v2 =	vmax.f32 v5, v2;
	v5 =	vld [tilespmem:s22+$0x7A00];
	v9 =	vmax.f32 v9, v20;
	v3 =	vadd.f32 v3, v10  }
0x92: {  	v11 =	vadd.f32 v22, v11;
	v13 =	vadd.f32 v20, v13;
	v2 =	vmax.f32 v2, v18  }
0x93: {  	v12 =	vmax.f32 v12, v25;
	v7 =	vadd.f32 v18, v7;
	v2 =	vmax.f32 v2, v8  }
0x94: {  	v10 =	vld [tilespmem:s21+$0x0];
	v3 =	vadd.f32 v4, v3;
	v6 =	vmax.f32 v6, v14;
	v9 =	vmax.f32 v9, v21  }
0x95: {  	v7 =	vadd.f32 v8, v7;
	v13 =	vadd.f32 v21, v13;
	v9 =	vmax.f32 v9, v16  }
0x96: {  	v4 =	vmax.f32 v6, v15;
	v2 =	vmax.f32 v2, v5;
	v8 =	vmax.f32 v9, v17  }
0x97: {  	v3 =	vadd.f32 v14, v3;
	v2 =	vmax.f32 v2, v12;
	v4 =	vmax.f32 v4, v8  }
0x98: {  	v6 =	vadd.f32 v19, v11;
	v8 =	vadd.f32 v16, v13;
	v2 =	vmax.f32 v2, v4  }
0x99: {  	v3 =	vadd.f32 v15, v3;
	v4 =	vadd.f32 v5, v7;
	v2 =	vmax.f32 v10, v2  }
0x9a: {  	v5 =	vadd.f32 v25, v6;
	v6 =	vadd.f32 v17, v8;
	[tilespmem:s21+$0x0] =	vst v2  }
0x9b: {  	v2 =	vld [tilespmem:s20+$0x0]  }
0x9c: {  	v4 =	vadd.f32 v5, v4;
	v3 =	vadd.f32 v6, v3;
	_ =	sdelay $0x1  }
0x9d: {  	v3 =	vadd.f32 v3, v4;
	_ =	sdelay $0x1  }
0x9e: {  	v2 =	vadd.f32 v3, v2;
	_ =	sdelay $0x1  }
0x9f: {  	[tilespmem:s20+$0x0] =	vst v2  }
0xa0: {  	s23 =	simm.s32 $0x0;
	_ =	swait.ge [sflag:s14], $0x9000  }
0xa1: {  	s30 =	sand.u32 $0x70, s23;
	s31 =	sand.u32 $0x1C00, s23;
	[sflag:s14] =	ssyncset.done $0x0  }
0xa2: {  	s22 =	sor.u32 s30, s31;
	[sflag:s14] =	ssyncadd.s32 $0xFFFF7000  }
0xa3: {  	[tilespmem:s23], [sflag:$0x1] =	stream.linear.gather [hbm4b:s6+s23], $0x9000, $0x38;
	[tilespmem:$0x12600] =	vst v63  }
0xa4: {  	v7 =	vld [tilespmem:s22+$0xC200]  }
0xa5: {  	v2 =	vld [tilespmem:s22+$0xF000]  }
0xa6: {  	v5 =	vld [tilespmem:s22+$0xD800]  }
0xa7: {  	v6 =	vld [tilespmem:s22+$0xC300]  }
0xa8: {  	v8 =	vld [tilespmem:s22+$0xC100]  }
0xa9: {  	v11 =	vld [tilespmem:s22+$0xAB00]  }
0xaa: {  	v15 =	vld [tilespmem:s22+$0xA900]  }
0xab: {  	v10 =	vld [tilespmem:s22+$0xC000]  }
0xac: {  	v13 =	vld [tilespmem:s22+$0xAB80]  }
0xad: {  	v12 =	vld [tilespmem:s22+$0xAA00]  }
0xae: {  	v20 =	vld [tilespmem:s22+$0xA800]  }
0xaf: {  	v17 =	vld [tilespmem:s22+$0xAA80]  }
0xb0: {  	v18 =	vld [tilespmem:s22+$0xA980]  }
0xb1: {  	v4 =	vld [tilespmem:s22+$0x9200]  }
0xb2: {  	v21 =	vld [tilespmem:s22+$0xA880]  }
0xb3: {  	v14 =	vld [tilespmem:s22+$0x9380]  }
0xb4: {  	v24 =	vld [tilespmem:s22+$0x9300]  }
0xb5: {  	v16 =	vld [tilespmem:s22+$0x9080]  }
0xb6: {  	v19 =	vld [tilespmem:s22+$0x9280]  }
0xb7: {  	v22 =	vld [tilespmem:s22+$0x9180]  }
0xb8: {  	v25 =	vld [tilespmem:s22+$0x9000]  }
0xb9: {  	v26 =	vld [tilespmem:s22+$0x9100]  }
0xba: {  	v9 =	vld [tilespmem:s22+$0xD980]  }
0xbb: {  	v3 =	vld [tilespmem:s22+$0xF100]  }
0xbc: {  	v27 =	vadd.f32 v19, v16;
	v29 =	vmax.f32 v16, v19;
	v19 =	vmax.f32 v22, v14;
	v16 =	vld [tilespmem:s22+$0xC280]  }
0xbd: {  	v23 =	vadd.f32 v14, v22;
	v14 =	vld [tilespmem:s22+$0xD880];
	v31 =	vmax.f32 v25, v4;
	v25 =	vadd.f32 v4, v25  }
0xbe: {  	v32 =	vadd.f32 v24, v26;
	v22 =	vmax.f32 v19, v18;
	v19 =	vld [tilespmem:s22+$0xC080];
	v30 =	vadd.f32 v21, v27  }
0xbf: {  	s24 =	simm.s32 $0x12000;
	s25 =	simm.s32 $0x12300;
	v28 =	vmax.f32 v26, v24;
	v4 =	vld [tilespmem:s22+$0xF300];
	v24 =	vmax.f32 v31, v20;
	v25 =	vadd.f32 v20, v25  }
0xc0: {  	s26 =	simm.s32 $0x10;
	s21 =	simm.s32 $0x12000;
	s20 =	simm.s32 $0x12300;
	v27 =	vmax.f32 v29, v21;
	v26 =	vadd.f32 v15, v32;
	v20 =	vld [tilespmem:s22+$0xC180];
	v21 =	vadd.f32 v17, v30  }
.LBB2_6:
0xc1: {  	v15 =	vmax.f32 v28, v15;
	v18 =	vadd.f32 v18, v23;
	v17 =	vmax.f32 v27, v17;
	v23 =	vld [tilespmem:s22+$0xC380];
	s23 =	sadd.s32 $0x80, s23;
	s24 =	sadd.s32 $0x10, s24;
	s25 =	sadd.s32 $0x10, s25  }
0xc2: {  	p0 =	sne.s32 s26, $0x2F0;
	v22 =	vmax.f32 v22, v13;
	s28 =	smov.u32 s26;
	s26 =	sadd.s32 $0x10, s26;
	v25 =	vadd.f32 v12, v25;
	v26 =	vadd.f32 v11, v26;
	v27 =	vld [tilespmem:s22+$0xDB80]  }
0xc3: {  	v11 =	vmax.f32 v15, v11;
	v13 =	vadd.f32 v13, v18;
	v15 =	vmax.f32 v17, v19;
	v17 =	vld [tilespmem:s22+$0xDA00]  }
0xc4: {  	v12 =	vmax.f32 v24, v12;
	v19 =	vadd.f32 v19, v21;
	v18 =	vadd.f32 v10, v25;
	v21 =	vld [tilespmem:s22+$0xDA80]  }
0xc5: {  	v10 =	vmax.f32 v12, v10;
	v12 =	vadd.f32 v8, v26;
	v13 =	vadd.f32 v20, v13;
	v24 =	vld [tilespmem:s22+$0xD900]  }
0xc6: {  	v15 =	vmax.f32 v15, v16;
	v20 =	vmax.f32 v22, v20;
	v18 =	vadd.f32 v7, v18;
	v22 =	vld [tilespmem:s22+$0xF080]  }
0xc7: {  	v16 =	vadd.f32 v16, v19;
	v15 =	vmax.f32 v15, v14;
	v13 =	vadd.f32 v23, v13;
	v19 =	vld [tilespmem:s22+$0xDB00]  }
0xc8: {  	v7 =	vmax.f32 v10, v7;
	v10 =	vadd.f32 v6, v12;
	v12 =	vadd.f32 v5, v18;
	v18 =	vld [tilespmem:s22+$0xF280]  }
0xc9: {  	v8 =	vmax.f32 v11, v8;
	v11 =	vadd.f32 v14, v16;
	v14 =	vmax.f32 v15, v21;
	v15 =	vld [tilespmem:s22+$0x10880]  }
0xca: {  	v6 =	vmax.f32 v8, v6;
	v5 =	vmax.f32 v7, v5;
	v7 =	vadd.f32 v17, v12;
	v8 =	vld [tilespmem:s22+$0xF200]  }
0xcb: {  	v11 =	vadd.f32 v21, v11;
	v6 =	vmax.f32 v6, v24;
	v12 =	vmax.f32 v14, v22;
	v14 =	vld [tilespmem:s22+$0x10B00]  }
0xcc: {  	v16 =	vmax.f32 v20, v23;
	v6 =	vmax.f32 v6, v19;
	v7 =	vadd.f32 v2, v7;
	v20 =	vld [tilespmem:s22+$0x10800]  }
0xcd: {  	v11 =	vadd.f32 v22, v11;
	v12 =	vmax.f32 v12, v18;
	v21 =	vld [tilespmem:s22+$0x10900]  }
0xce: {  	v13 =	vadd.f32 v9, v13;
	v6 =	vmax.f32 v6, v3;
	v22 =	vld [tilespmem:s22+$0xF180];
	v12 =	vmax.f32 v12, v15  }
0xcf: {  	v9 =	vmax.f32 v16, v9;
	v11 =	vadd.f32 v18, v11;
	v16 =	vld [tilespmem:s22+$0xF380];
	v7 =	vadd.f32 v8, v7  }
0xd0: {  	v13 =	vadd.f32 v27, v13;
	v6 =	vmax.f32 v6, v4;
	v18 =	vld [tilespmem:s22+$0x10A80]  }
0xd1: {  	v5 =	vmax.f32 v5, v17;
	v9 =	vmax.f32 v9, v27;
	v17 =	vld [tilespmem:s22+$0x10980];
	v7 =	vadd.f32 v20, v7  }
0xd2: {  	v10 =	vadd.f32 v24, v10;
	v2 =	vmax.f32 v5, v2;
	v5 =	vmax.f32 v6, v21;
	v6 =	vld [tilespmem:s22+$0x10B80]  }
0xd3: {  	v9 =	vmax.f32 v9, v22;
	v13 =	vadd.f32 v22, v13;
	v22 =	vld [tilespmem:s22+$0x10A00]  }
0xd4: {  	v10 =	vadd.f32 v19, v10;
	v9 =	vmax.f32 v9, v16  }
0xd5: {  	v2 =	vmax.f32 v2, v8;
	v11 =	vadd.f32 v15, v11;
	v8 =	vadd.f32 v16, v13  }
0xd6: {  	v3 =	vadd.f32 v3, v10;
	v10 =	vmax.f32 v12, v18;
	v9 =	vmax.f32 v9, v17;
	v12 =	vld [tilespmem:s21+$0x0]  }
0xd7: {  	v2 =	vmax.f32 v2, v20;
	v8 =	vadd.f32 v17, v8;
	v9 =	vmax.f32 v9, v6  }
0xd8: {  	v3 =	vadd.f32 v4, v3;
	v4 =	vmax.f32 v5, v14;
	v2 =	vmax.f32 v2, v22  }
0xd9: {  	v4 =	vmax.f32 v4, v9;
	v2 =	vmax.f32 v2, v10  }
0xda: {  	v3 =	vadd.f32 v21, v3;
	v2 =	vmax.f32 v2, v4  }
0xdb: {  	v5 =	vadd.f32 v18, v11;
	v4 =	vadd.f32 v22, v7;
	v2 =	vmax.f32 v12, v2  }
0xdc: {  	v3 =	vadd.f32 v14, v3;
	v6 =	vadd.f32 v6, v8;
	[tilespmem:s21+$0x0] =	vst v2;
	s21 =	smov.u32 s24  }
0xdd: {  	v2 =	vld [tilespmem:s20+$0x0]  }
0xde: {  	v3 =	vadd.f32 v6, v3;
	v4 =	vadd.f32 v5, v4  }
0xdf: {  	s22 =	sand.u32 $0x70, s28;
	s28 =	sand.u32 $0x1C00, s23  }
0xe0: {  	s22 =	sor.u32 s22, s28;
	v3 =	vadd.f32 v3, v4;
	_ =	sdelay $0x1  }
0xe1: {  	v2 =	vadd.f32 v3, v2;
	_ =	sdelay $0x1  }
0xe2: {  	[tilespmem:s20+$0x0] =	vst v2;
	s20 =	smov.u32 s25  }
0xe3: {  	v7 =	vld [tilespmem:s22+$0xC200]  }
0xe4: {  	v2 =	vld [tilespmem:s22+$0xF000]  }
0xe5: {  	v5 =	vld [tilespmem:s22+$0xD800]  }
0xe6: {  	v6 =	vld [tilespmem:s22+$0xC300]  }
0xe7: {  	v8 =	vld [tilespmem:s22+$0xC100]  }
0xe8: {  	v11 =	vld [tilespmem:s22+$0xAB00]  }
0xe9: {  	v15 =	vld [tilespmem:s22+$0xA900]  }
0xea: {  	v10 =	vld [tilespmem:s22+$0xC000]  }
0xeb: {  	v13 =	vld [tilespmem:s22+$0xAB80]  }
0xec: {  	v12 =	vld [tilespmem:s22+$0xAA00]  }
0xed: {  	v20 =	vld [tilespmem:s22+$0xA800]  }
0xee: {  	v17 =	vld [tilespmem:s22+$0xAA80]  }
0xef: {  	v18 =	vld [tilespmem:s22+$0xA980]  }
0xf0: {  	v4 =	vld [tilespmem:s22+$0x9200]  }
0xf1: {  	v21 =	vld [tilespmem:s22+$0xA880]  }
0xf2: {  	v14 =	vld [tilespmem:s22+$0x9380]  }
0xf3: {  	v24 =	vld [tilespmem:s22+$0x9300]  }
0xf4: {  	v3 =	vld [tilespmem:s22+$0x9080]  }
0xf5: {  	v16 =	vld [tilespmem:s22+$0x9280]  }
0xf6: {  	v19 =	vld [tilespmem:s22+$0x9180]  }
0xf7: {  	v25 =	vld [tilespmem:s22+$0x9000]  }
0xf8: {  	v26 =	vld [tilespmem:s22+$0x9100]  }
0xf9: {  	v9 =	vld [tilespmem:s22+$0xD980]  }
0xfa: {  	v27 =	vmax.f32 v3, v16;
	v28 =	vadd.f32 v16, v3;
	v3 =	vld [tilespmem:s22+$0xF100]  }
.Ltmp2:
0xfb: {  	v22 =	vmax.f32 v19, v14;
	v23 =	vadd.f32 v14, v19;
	v16 =	vld [tilespmem:s22+$0xC280];
	(pc) =	sbr.rel @p0 .LBB2_6-.Ltmp2, $4  }
0xfc: {  	v22 =	vmax.f32 v22, v18;
	v29 =	vadd.f32 v21, v28;
	v14 =	vld [tilespmem:s22+$0xD880]  }
0xfd: {  	v30 =	vmax.f32 v25, v4;
	v25 =	vadd.f32 v4, v25;
	v31 =	vadd.f32 v24, v26;
	v19 =	vld [tilespmem:s22+$0xC080]  }
0xfe: {  	v27 =	vmax.f32 v27, v21;
	v28 =	vmax.f32 v26, v24;
	v21 =	vadd.f32 v17, v29;
	v4 =	vld [tilespmem:s22+$0xF300]  }
0xff: {  	v24 =	vmax.f32 v30, v20;
	v25 =	vadd.f32 v20, v25;
	v26 =	vadd.f32 v15, v31;
	v20 =	vld [tilespmem:s22+$0xC180]  }
0x100: {  	v29 =	vld [tilespmem:s22+$0xC380]  }
0x101: {  	v30 =	vld [tilespmem:s22+$0xDB80]  }
0x102: {  	v15 =	vmax.f32 v28, v15;
	v18 =	vadd.f32 v18, v23;
	v17 =	vmax.f32 v27, v17;
	v23 =	vld [tilespmem:s22+$0xDA00]  }
0x103: {  	v22 =	vmax.f32 v22, v13;
	v27 =	vld [tilespmem:s22+$0xDA80];
	v25 =	vadd.f32 v12, v25;
	v26 =	vadd.f32 v11, v26  }
0x104: {  	v11 =	vmax.f32 v15, v11;
	v12 =	vmax.f32 v24, v12;
	v24 =	vld [tilespmem:s22+$0xDB00];
	v13 =	vadd.f32 v13, v18  }
0x105: {  	v15 =	vmax.f32 v17, v19;
	v17 =	vld [tilespmem:s22+$0xD900];
	v19 =	vadd.f32 v19, v21;
	v18 =	vadd.f32 v10, v25  }
0x106: {  	v21 =	vld [tilespmem:s22+$0xF080];
	v10 =	vmax.f32 v12, v10;
	v12 =	vadd.f32 v8, v26;
	v15 =	vmax.f32 v15, v16  }
0x107: {  	v8 =	vmax.f32 v11, v8;
	v25 =	vld [tilespmem:s22+$0x10A80];
	v13 =	vadd.f32 v20, v13;
	v20 =	vmax.f32 v22, v20  }
0x108: {  	v22 =	vld [tilespmem:s22+$0xF280];
	v16 =	vadd.f32 v16, v19;
	v15 =	vmax.f32 v15, v14;
	v18 =	vadd.f32 v7, v18  }
0x109: {  	v19 =	vld [tilespmem:s22+$0x10880];
	v7 =	vmax.f32 v10, v7;
	v10 =	vadd.f32 v6, v12;
	v6 =	vmax.f32 v8, v6  }
0x10a: {  	v8 =	vld [tilespmem:s22+$0x10800];
	v13 =	vadd.f32 v29, v13;
	v11 =	vadd.f32 v14, v16;
	v14 =	vmax.f32 v15, v27  }
0x10b: {  	v15 =	vld [tilespmem:s22+$0x10B00];
	v16 =	vmax.f32 v20, v29;
	v12 =	vadd.f32 v5, v18;
	v5 =	vmax.f32 v7, v5  }
0x10c: {  	v20 =	vld [tilespmem:s22+$0xF180];
	v6 =	vmax.f32 v6, v17;
	v10 =	vadd.f32 v17, v10;
	v11 =	vadd.f32 v27, v11  }
0x10d: {  	v18 =	vld [tilespmem:s22+$0xF200];
	v6 =	vmax.f32 v6, v24;
	v13 =	vadd.f32 v9, v13;
	v9 =	vmax.f32 v16, v9  }
0x10e: {  	v17 =	vld [tilespmem:s22+$0x10B80];
	v5 =	vmax.f32 v5, v23;
	v7 =	vadd.f32 v23, v12;
	v12 =	vmax.f32 v14, v21  }
0x10f: {  	v14 =	vld [tilespmem:s22+$0x10900];
	v6 =	vmax.f32 v6, v3;
	v9 =	vmax.f32 v9, v30;
	v10 =	vadd.f32 v24, v10  }
0x110: {  	v11 =	vadd.f32 v21, v11;
	v12 =	vmax.f32 v12, v22;
	v21 =	vld [tilespmem:s22+$0xF380];
	v13 =	vadd.f32 v30, v13  }
0x111: {  	v16 =	vld [tilespmem:s22+$0x10980];
	v6 =	vmax.f32 v6, v4;
	v7 =	vadd.f32 v2, v7;
	v12 =	vmax.f32 v12, v19  }
0x112: {  	v2 =	vmax.f32 v5, v2;
	v5 =	vld [tilespmem:s22+$0x10A00];
	v9 =	vmax.f32 v9, v20;
	v3 =	vadd.f32 v3, v10  }
0x113: {  	v11 =	vadd.f32 v22, v11;
	v13 =	vadd.f32 v20, v13;
	v2 =	vmax.f32 v2, v18  }
0x114: {  	v12 =	vmax.f32 v12, v25;
	v7 =	vadd.f32 v18, v7;
	v2 =	vmax.f32 v2, v8  }
0x115: {  	v10 =	vld [tilespmem:s21+$0x0];
	v3 =	vadd.f32 v4, v3;
	v6 =	vmax.f32 v6, v14;
	v9 =	vmax.f32 v9, v21  }
0x116: {  	v7 =	vadd.f32 v8, v7;
	v13 =	vadd.f32 v21, v13;
	v9 =	vmax.f32 v9, v16  }
0x117: {  	v4 =	vmax.f32 v6, v15;
	v2 =	vmax.f32 v2, v5;
	v8 =	vmax.f32 v9, v17  }
0x118: {  	v3 =	vadd.f32 v14, v3;
	v2 =	vmax.f32 v2, v12;
	v4 =	vmax.f32 v4, v8  }
0x119: {  	v6 =	vadd.f32 v19, v11;
	v8 =	vadd.f32 v16, v13;
	v2 =	vmax.f32 v2, v4  }
0x11a: {  	v3 =	vadd.f32 v15, v3;
	v4 =	vadd.f32 v5, v7;
	v2 =	vmax.f32 v10, v2  }
0x11b: {  	v5 =	vadd.f32 v25, v6;
	v6 =	vadd.f32 v17, v8;
	[tilespmem:s21+$0x0] =	vst v2  }
0x11c: {  	v2 =	vld [tilespmem:s20+$0x0]  }
0x11d: {  	v4 =	vadd.f32 v5, v4;
	v3 =	vadd.f32 v6, v3;
	_ =	sdelay $0x1  }
0x11e: {  	v3 =	vadd.f32 v3, v4;
	_ =	sdelay $0x1  }
0x11f: {  	v2 =	vadd.f32 v3, v2;
	_ =	sdelay $0x1  }
0x120: {  	[tilespmem:s20+$0x0] =	vst v2  }
0x121: {  	s23 =	simm.s32 $0x0;
	_ =	swait.ge [sflag:s3], $0x9000  }
0x122: {  	s30 =	sand.u32 $0x70, s23;
	s31 =	sand.u32 $0x1C00, s23;
	[sflag:s3] =	ssyncset.done $0x0  }
0x123: {  	s22 =	sor.u32 s30, s31;
	[sflag:s3] =	ssyncadd.s32 $0xFFFF7000  }
0x124: {  	[tilespmem:s13], [sflag:$0x2] =	stream.linear.gather [hbm4b:s7+s23], $0x9000, $0x38;
	[tilespmem:$0x12600] =	vst v63  }
0x125: {  	v7 =	vld [tilespmem:s22+$0x3200]  }
0x126: {  	v2 =	vld [tilespmem:s22+$0x6000]  }
0x127: {  	v5 =	vld [tilespmem:s22+$0x4800]  }
0x128: {  	v6 =	vld [tilespmem:s22+$0x3300]  }
0x129: {  	v8 =	vld [tilespmem:s22+$0x3100]  }
0x12a: {  	v11 =	vld [tilespmem:s22+$0x1B00]  }
0x12b: {  	v15 =	vld [tilespmem:s22+$0x1900]  }
0x12c: {  	v10 =	vld [tilespmem:s22+$0x3000]  }
0x12d: {  	v13 =	vld [tilespmem:s22+$0x1B80]  }
0x12e: {  	v12 =	vld [tilespmem:s22+$0x1A00]  }
0x12f: {  	v20 =	vld [tilespmem:s22+$0x1800]  }
0x130: {  	v17 =	vld [tilespmem:s22+$0x1A80]  }
0x131: {  	v18 =	vld [tilespmem:s22+$0x1980]  }
0x132: {  	v4 =	vld [tilespmem:s22+$0x200]  }
0x133: {  	v21 =	vld [tilespmem:s22+$0x1880]  }
0x134: {  	v14 =	vld [tilespmem:s22+$0x380]  }
0x135: {  	v24 =	vld [tilespmem:s22+$0x300]  }
0x136: {  	v16 =	vld [tilespmem:s22+$0x80]  }
0x137: {  	v19 =	vld [tilespmem:s22+$0x280]  }
0x138: {  	v22 =	vld [tilespmem:s22+$0x180]  }
0x139: {  	v25 =	vld [tilespmem:s22+$0x0]  }
0x13a: {  	v26 =	vld [tilespmem:s22+$0x100]  }
0x13b: {  	v9 =	vld [tilespmem:s22+$0x4980]  }
0x13c: {  	v3 =	vld [tilespmem:s22+$0x6100]  }
0x13d: {  	v27 =	vadd.f32 v19, v16;
	v29 =	vmax.f32 v16, v19;
	v19 =	vmax.f32 v22, v14;
	v16 =	vld [tilespmem:s22+$0x3280]  }
0x13e: {  	v23 =	vadd.f32 v14, v22;
	v14 =	vld [tilespmem:s22+$0x4880];
	v31 =	vmax.f32 v25, v4;
	v25 =	vadd.f32 v4, v25  }
0x13f: {  	v32 =	vadd.f32 v24, v26;
	v22 =	vmax.f32 v19, v18;
	v19 =	vld [tilespmem:s22+$0x3080];
	v30 =	vadd.f32 v21, v27  }
0x140: {  	s24 =	simm.s32 $0x12000;
	s25 =	simm.s32 $0x12300;
	v28 =	vmax.f32 v26, v24;
	v4 =	vld [tilespmem:s22+$0x6300];
	v24 =	vmax.f32 v31, v20;
	v25 =	vadd.f32 v20, v25  }
0x141: {  	s26 =	simm.s32 $0x10;
	s21 =	simm.s32 $0x12000;
	s20 =	simm.s32 $0x12300;
	v27 =	vmax.f32 v29, v21;
	v26 =	vadd.f32 v15, v32;
	v20 =	vld [tilespmem:s22+$0x3180];
	v21 =	vadd.f32 v17, v30  }
.LBB2_8:
0x142: {  	v15 =	vmax.f32 v28, v15;
	v18 =	vadd.f32 v18, v23;
	v17 =	vmax.f32 v27, v17;
	v23 =	vld [tilespmem:s22+$0x3380];
	s23 =	sadd.s32 $0x80, s23;
	s24 =	sadd.s32 $0x10, s24;
	s25 =	sadd.s32 $0x10, s25  }
0x143: {  	p0 =	sne.s32 s26, $0x2F0;
	v22 =	vmax.f32 v22, v13;
	s28 =	smov.u32 s26;
	s26 =	sadd.s32 $0x10, s26;
	v25 =	vadd.f32 v12, v25;
	v26 =	vadd.f32 v11, v26;
	v27 =	vld [tilespmem:s22+$0x4B80]  }
0x144: {  	v11 =	vmax.f32 v15, v11;
	v13 =	vadd.f32 v13, v18;
	v15 =	vmax.f32 v17, v19;
	v17 =	vld [tilespmem:s22+$0x4A00]  }
0x145: {  	v12 =	vmax.f32 v24, v12;
	v19 =	vadd.f32 v19, v21;
	v18 =	vadd.f32 v10, v25;
	v21 =	vld [tilespmem:s22+$0x4A80]  }
0x146: {  	v10 =	vmax.f32 v12, v10;
	v12 =	vadd.f32 v8, v26;
	v13 =	vadd.f32 v20, v13;
	v24 =	vld [tilespmem:s22+$0x4900]  }
0x147: {  	v15 =	vmax.f32 v15, v16;
	v20 =	vmax.f32 v22, v20;
	v18 =	vadd.f32 v7, v18;
	v22 =	vld [tilespmem:s22+$0x6080]  }
0x148: {  	v16 =	vadd.f32 v16, v19;
	v15 =	vmax.f32 v15, v14;
	v13 =	vadd.f32 v23, v13;
	v19 =	vld [tilespmem:s22+$0x4B00]  }
0x149: {  	v7 =	vmax.f32 v10, v7;
	v10 =	vadd.f32 v6, v12;
	v12 =	vadd.f32 v5, v18;
	v18 =	vld [tilespmem:s22+$0x6280]  }
0x14a: {  	v8 =	vmax.f32 v11, v8;
	v11 =	vadd.f32 v14, v16;
	v14 =	vmax.f32 v15, v21;
	v15 =	vld [tilespmem:s22+$0x7880]  }
0x14b: {  	v6 =	vmax.f32 v8, v6;
	v5 =	vmax.f32 v7, v5;
	v7 =	vadd.f32 v17, v12;
	v8 =	vld [tilespmem:s22+$0x6200]  }
0x14c: {  	v11 =	vadd.f32 v21, v11;
	v6 =	vmax.f32 v6, v24;
	v12 =	vmax.f32 v14, v22;
	v14 =	vld [tilespmem:s22+$0x7B00]  }
0x14d: {  	v16 =	vmax.f32 v20, v23;
	v6 =	vmax.f32 v6, v19;
	v7 =	vadd.f32 v2, v7;
	v20 =	vld [tilespmem:s22+$0x7800]  }
0x14e: {  	v11 =	vadd.f32 v22, v11;
	v12 =	vmax.f32 v12, v18;
	v21 =	vld [tilespmem:s22+$0x7900]  }
0x14f: {  	v13 =	vadd.f32 v9, v13;
	v6 =	vmax.f32 v6, v3;
	v22 =	vld [tilespmem:s22+$0x6180];
	v12 =	vmax.f32 v12, v15  }
0x150: {  	v9 =	vmax.f32 v16, v9;
	v11 =	vadd.f32 v18, v11;
	v16 =	vld [tilespmem:s22+$0x6380];
	v7 =	vadd.f32 v8, v7  }
0x151: {  	v13 =	vadd.f32 v27, v13;
	v6 =	vmax.f32 v6, v4;
	v18 =	vld [tilespmem:s22+$0x7A80]  }
0x152: {  	v5 =	vmax.f32 v5, v17;
	v9 =	vmax.f32 v9, v27;
	v17 =	vld [tilespmem:s22+$0x7980];
	v7 =	vadd.f32 v20, v7  }
0x153: {  	v10 =	vadd.f32 v24, v10;
	v2 =	vmax.f32 v5, v2;
	v5 =	vmax.f32 v6, v21;
	v6 =	vld [tilespmem:s22+$0x7B80]  }
0x154: {  	v9 =	vmax.f32 v9, v22;
	v13 =	vadd.f32 v22, v13;
	v22 =	vld [tilespmem:s22+$0x7A00]  }
0x155: {  	v10 =	vadd.f32 v19, v10;
	v9 =	vmax.f32 v9, v16  }
0x156: {  	v2 =	vmax.f32 v2, v8;
	v11 =	vadd.f32 v15, v11;
	v8 =	vadd.f32 v16, v13  }
0x157: {  	v3 =	vadd.f32 v3, v10;
	v10 =	vmax.f32 v12, v18;
	v9 =	vmax.f32 v9, v17;
	v12 =	vld [tilespmem:s21+$0x0]  }
0x158: {  	v2 =	vmax.f32 v2, v20;
	v8 =	vadd.f32 v17, v8;
	v9 =	vmax.f32 v9, v6  }
0x159: {  	v3 =	vadd.f32 v4, v3;
	v4 =	vmax.f32 v5, v14;
	v2 =	vmax.f32 v2, v22  }
0x15a: {  	v4 =	vmax.f32 v4, v9;
	v2 =	vmax.f32 v2, v10  }
0x15b: {  	v3 =	vadd.f32 v21, v3;
	v2 =	vmax.f32 v2, v4  }
0x15c: {  	v5 =	vadd.f32 v18, v11;
	v4 =	vadd.f32 v22, v7;
	v2 =	vmax.f32 v12, v2  }
0x15d: {  	v3 =	vadd.f32 v14, v3;
	v6 =	vadd.f32 v6, v8;
	[tilespmem:s21+$0x0] =	vst v2;
	s21 =	smov.u32 s24  }
0x15e: {  	v2 =	vld [tilespmem:s20+$0x0]  }
0x15f: {  	v3 =	vadd.f32 v6, v3;
	v4 =	vadd.f32 v5, v4  }
0x160: {  	s22 =	sand.u32 $0x70, s28;
	s28 =	sand.u32 $0x1C00, s23  }
0x161: {  	s22 =	sor.u32 s22, s28;
	v3 =	vadd.f32 v3, v4;
	_ =	sdelay $0x1  }
0x162: {  	v2 =	vadd.f32 v3, v2;
	_ =	sdelay $0x1  }
0x163: {  	[tilespmem:s20+$0x0] =	vst v2;
	s20 =	smov.u32 s25  }
0x164: {  	v7 =	vld [tilespmem:s22+$0x3200]  }
0x165: {  	v2 =	vld [tilespmem:s22+$0x6000]  }
0x166: {  	v5 =	vld [tilespmem:s22+$0x4800]  }
0x167: {  	v6 =	vld [tilespmem:s22+$0x3300]  }
0x168: {  	v8 =	vld [tilespmem:s22+$0x3100]  }
0x169: {  	v11 =	vld [tilespmem:s22+$0x1B00]  }
0x16a: {  	v15 =	vld [tilespmem:s22+$0x1900]  }
0x16b: {  	v10 =	vld [tilespmem:s22+$0x3000]  }
0x16c: {  	v13 =	vld [tilespmem:s22+$0x1B80]  }
0x16d: {  	v12 =	vld [tilespmem:s22+$0x1A00]  }
0x16e: {  	v20 =	vld [tilespmem:s22+$0x1800]  }
0x16f: {  	v17 =	vld [tilespmem:s22+$0x1A80]  }
0x170: {  	v18 =	vld [tilespmem:s22+$0x1980]  }
0x171: {  	v4 =	vld [tilespmem:s22+$0x200]  }
0x172: {  	v21 =	vld [tilespmem:s22+$0x1880]  }
0x173: {  	v14 =	vld [tilespmem:s22+$0x380]  }
0x174: {  	v24 =	vld [tilespmem:s22+$0x300]  }
0x175: {  	v3 =	vld [tilespmem:s22+$0x80]  }
0x176: {  	v16 =	vld [tilespmem:s22+$0x280]  }
0x177: {  	v19 =	vld [tilespmem:s22+$0x180]  }
0x178: {  	v25 =	vld [tilespmem:s22+$0x0]  }
0x179: {  	v26 =	vld [tilespmem:s22+$0x100]  }
0x17a: {  	v9 =	vld [tilespmem:s22+$0x4980]  }
0x17b: {  	v27 =	vmax.f32 v3, v16;
	v28 =	vadd.f32 v16, v3;
	v3 =	vld [tilespmem:s22+$0x6100]  }
.Ltmp3:
0x17c: {  	v22 =	vmax.f32 v19, v14;
	v23 =	vadd.f32 v14, v19;
	v16 =	vld [tilespmem:s22+$0x3280];
	(pc) =	sbr.rel @p0 .LBB2_8-.Ltmp3, $4  }
0x17d: {  	v22 =	vmax.f32 v22, v18;
	v29 =	vadd.f32 v21, v28;
	v14 =	vld [tilespmem:s22+$0x4880]  }
0x17e: {  	v30 =	vmax.f32 v25, v4;
	v25 =	vadd.f32 v4, v25;
	v31 =	vadd.f32 v24, v26;
	v19 =	vld [tilespmem:s22+$0x3080]  }
0x17f: {  	v27 =	vmax.f32 v27, v21;
	v28 =	vmax.f32 v26, v24;
	v21 =	vadd.f32 v17, v29;
	v4 =	vld [tilespmem:s22+$0x6300]  }
0x180: {  	v24 =	vmax.f32 v30, v20;
	v25 =	vadd.f32 v20, v25;
	v26 =	vadd.f32 v15, v31;
	v20 =	vld [tilespmem:s22+$0x3180]  }
0x181: {  	v29 =	vld [tilespmem:s22+$0x3380]  }
0x182: {  	v30 =	vld [tilespmem:s22+$0x4B80]  }
0x183: {  	v15 =	vmax.f32 v28, v15;
	v18 =	vadd.f32 v18, v23;
	v17 =	vmax.f32 v27, v17;
	v23 =	vld [tilespmem:s22+$0x4A00]  }
0x184: {  	v22 =	vmax.f32 v22, v13;
	v27 =	vld [tilespmem:s22+$0x4A80];
	v25 =	vadd.f32 v12, v25;
	v26 =	vadd.f32 v11, v26  }
0x185: {  	v11 =	vmax.f32 v15, v11;
	v12 =	vmax.f32 v24, v12;
	v24 =	vld [tilespmem:s22+$0x4B00];
	v13 =	vadd.f32 v13, v18  }
0x186: {  	v15 =	vmax.f32 v17, v19;
	v17 =	vld [tilespmem:s22+$0x4900];
	v19 =	vadd.f32 v19, v21;
	v18 =	vadd.f32 v10, v25  }
0x187: {  	v21 =	vld [tilespmem:s22+$0x6080];
	v10 =	vmax.f32 v12, v10;
	v12 =	vadd.f32 v8, v26;
	v15 =	vmax.f32 v15, v16  }
0x188: {  	v8 =	vmax.f32 v11, v8;
	v25 =	vld [tilespmem:s22+$0x7A80];
	v13 =	vadd.f32 v20, v13;
	v20 =	vmax.f32 v22, v20  }
0x189: {  	v22 =	vld [tilespmem:s22+$0x6280];
	v16 =	vadd.f32 v16, v19;
	v15 =	vmax.f32 v15, v14;
	v18 =	vadd.f32 v7, v18  }
0x18a: {  	v19 =	vld [tilespmem:s22+$0x7880];
	v7 =	vmax.f32 v10, v7;
	v10 =	vadd.f32 v6, v12;
	v6 =	vmax.f32 v8, v6  }
0x18b: {  	v8 =	vld [tilespmem:s22+$0x7800];
	v13 =	vadd.f32 v29, v13;
	v11 =	vadd.f32 v14, v16;
	v14 =	vmax.f32 v15, v27  }
0x18c: {  	v15 =	vld [tilespmem:s22+$0x7B00];
	v16 =	vmax.f32 v20, v29;
	v12 =	vadd.f32 v5, v18;
	v5 =	vmax.f32 v7, v5  }
0x18d: {  	v20 =	vld [tilespmem:s22+$0x6180];
	v6 =	vmax.f32 v6, v17;
	v10 =	vadd.f32 v17, v10;
	v11 =	vadd.f32 v27, v11  }
0x18e: {  	v18 =	vld [tilespmem:s22+$0x6200];
	v6 =	vmax.f32 v6, v24;
	v13 =	vadd.f32 v9, v13;
	v9 =	vmax.f32 v16, v9  }
0x18f: {  	v17 =	vld [tilespmem:s22+$0x7B80];
	v5 =	vmax.f32 v5, v23;
	v7 =	vadd.f32 v23, v12;
	v12 =	vmax.f32 v14, v21  }
0x190: {  	v14 =	vld [tilespmem:s22+$0x7900];
	v6 =	vmax.f32 v6, v3;
	v9 =	vmax.f32 v9, v30;
	v10 =	vadd.f32 v24, v10  }
0x191: {  	v11 =	vadd.f32 v21, v11;
	v12 =	vmax.f32 v12, v22;
	v21 =	vld [tilespmem:s22+$0x6380];
	v13 =	vadd.f32 v30, v13  }
0x192: {  	v16 =	vld [tilespmem:s22+$0x7980];
	v6 =	vmax.f32 v6, v4;
	v7 =	vadd.f32 v2, v7;
	v12 =	vmax.f32 v12, v19  }
0x193: {  	v2 =	vmax.f32 v5, v2;
	v5 =	vld [tilespmem:s22+$0x7A00];
	v9 =	vmax.f32 v9, v20;
	v3 =	vadd.f32 v3, v10  }
0x194: {  	v11 =	vadd.f32 v22, v11;
	v13 =	vadd.f32 v20, v13;
	v2 =	vmax.f32 v2, v18  }
0x195: {  	v12 =	vmax.f32 v12, v25;
	v7 =	vadd.f32 v18, v7;
	v2 =	vmax.f32 v2, v8  }
0x196: {  	v10 =	vld [tilespmem:s21+$0x0];
	v3 =	vadd.f32 v4, v3;
	v6 =	vmax.f32 v6, v14;
	v9 =	vmax.f32 v9, v21  }
0x197: {  	v7 =	vadd.f32 v8, v7;
	v13 =	vadd.f32 v21, v13;
	v9 =	vmax.f32 v9, v16  }
0x198: {  	v4 =	vmax.f32 v6, v15;
	v2 =	vmax.f32 v2, v5;
	v8 =	vmax.f32 v9, v17  }
0x199: {  	v3 =	vadd.f32 v14, v3;
	v2 =	vmax.f32 v2, v12;
	v4 =	vmax.f32 v4, v8  }
0x19a: {  	v6 =	vadd.f32 v19, v11;
	v8 =	vadd.f32 v16, v13;
	v2 =	vmax.f32 v2, v4  }
0x19b: {  	v3 =	vadd.f32 v15, v3;
	v4 =	vadd.f32 v5, v7;
	v2 =	vmax.f32 v10, v2  }
0x19c: {  	v5 =	vadd.f32 v25, v6;
	v6 =	vadd.f32 v17, v8;
	[tilespmem:s21+$0x0] =	vst v2  }
0x19d: {  	v2 =	vld [tilespmem:s20+$0x0]  }
0x19e: {  	v4 =	vadd.f32 v5, v4;
	v3 =	vadd.f32 v6, v3;
	_ =	sdelay $0x1  }
0x19f: {  	v3 =	vadd.f32 v3, v4;
	_ =	sdelay $0x1  }
0x1a0: {  	v2 =	vadd.f32 v3, v2;
	_ =	sdelay $0x1  }
0x1a1: {  	[tilespmem:s20+$0x0] =	vst v2  }
0x1a2: {  	s23 =	simm.s32 $0x0;
	_ =	swait.ge [sflag:s14], $0x9000  }
0x1a3: {  	s30 =	sand.u32 $0x70, s23;
	s31 =	sand.u32 $0x1C00, s23;
	[sflag:s14] =	ssyncset.done $0x0  }
0x1a4: {  	s22 =	sor.u32 s30, s31;
	[sflag:s14] =	ssyncadd.s32 $0xFFFF7000  }
0x1a5: {  	[tilespmem:s23], [sflag:$0x1] =	stream.linear.gather [hbm4b:s8+s23], $0x9000, $0x38;
	[tilespmem:$0x12600] =	vst v63  }
0x1a6: {  	v7 =	vld [tilespmem:s22+$0xC200]  }
0x1a7: {  	v2 =	vld [tilespmem:s22+$0xF000]  }
0x1a8: {  	v5 =	vld [tilespmem:s22+$0xD800]  }
0x1a9: {  	v6 =	vld [tilespmem:s22+$0xC300]  }
0x1aa: {  	v8 =	vld [tilespmem:s22+$0xC100]  }
0x1ab: {  	v11 =	vld [tilespmem:s22+$0xAB00]  }
0x1ac: {  	v15 =	vld [tilespmem:s22+$0xA900]  }
0x1ad: {  	v10 =	vld [tilespmem:s22+$0xC000]  }
0x1ae: {  	v13 =	vld [tilespmem:s22+$0xAB80]  }
0x1af: {  	v12 =	vld [tilespmem:s22+$0xAA00]  }
0x1b0: {  	v20 =	vld [tilespmem:s22+$0xA800]  }
0x1b1: {  	v17 =	vld [tilespmem:s22+$0xAA80]  }
0x1b2: {  	v18 =	vld [tilespmem:s22+$0xA980]  }
0x1b3: {  	v4 =	vld [tilespmem:s22+$0x9200]  }
0x1b4: {  	v21 =	vld [tilespmem:s22+$0xA880]  }
0x1b5: {  	v14 =	vld [tilespmem:s22+$0x9380]  }
0x1b6: {  	v24 =	vld [tilespmem:s22+$0x9300]  }
0x1b7: {  	v16 =	vld [tilespmem:s22+$0x9080]  }
0x1b8: {  	v19 =	vld [tilespmem:s22+$0x9280]  }
0x1b9: {  	v22 =	vld [tilespmem:s22+$0x9180]  }
0x1ba: {  	v25 =	vld [tilespmem:s22+$0x9000]  }
0x1bb: {  	v26 =	vld [tilespmem:s22+$0x9100]  }
0x1bc: {  	v9 =	vld [tilespmem:s22+$0xD980]  }
0x1bd: {  	v3 =	vld [tilespmem:s22+$0xF100]  }
0x1be: {  	v27 =	vadd.f32 v19, v16;
	v29 =	vmax.f32 v16, v19;
	v19 =	vmax.f32 v22, v14;
	v16 =	vld [tilespmem:s22+$0xC280]  }
0x1bf: {  	v23 =	vadd.f32 v14, v22;
	v14 =	vld [tilespmem:s22+$0xD880];
	v31 =	vmax.f32 v25, v4;
	v25 =	vadd.f32 v4, v25  }
0x1c0: {  	v32 =	vadd.f32 v24, v26;
	v22 =	vmax.f32 v19, v18;
	v19 =	vld [tilespmem:s22+$0xC080];
	v30 =	vadd.f32 v21, v27  }
0x1c1: {  	s24 =	simm.s32 $0x12000;
	s25 =	simm.s32 $0x12300;
	v28 =	vmax.f32 v26, v24;
	v4 =	vld [tilespmem:s22+$0xF300];
	v24 =	vmax.f32 v31, v20;
	v25 =	vadd.f32 v20, v25  }
0x1c2: {  	s26 =	simm.s32 $0x10;
	s21 =	simm.s32 $0x12000;
	s20 =	simm.s32 $0x12300;
	v27 =	vmax.f32 v29, v21;
	v26 =	vadd.f32 v15, v32;
	v20 =	vld [tilespmem:s22+$0xC180];
	v21 =	vadd.f32 v17, v30  }
.LBB2_10:
0x1c3: {  	v15 =	vmax.f32 v28, v15;
	v18 =	vadd.f32 v18, v23;
	v17 =	vmax.f32 v27, v17;
	v23 =	vld [tilespmem:s22+$0xC380];
	s23 =	sadd.s32 $0x80, s23;
	s24 =	sadd.s32 $0x10, s24;
	s25 =	sadd.s32 $0x10, s25  }
0x1c4: {  	p0 =	sne.s32 s26, $0x2F0;
	v22 =	vmax.f32 v22, v13;
	s28 =	smov.u32 s26;
	s26 =	sadd.s32 $0x10, s26;
	v25 =	vadd.f32 v12, v25;
	v26 =	vadd.f32 v11, v26;
	v27 =	vld [tilespmem:s22+$0xDB80]  }
0x1c5: {  	v11 =	vmax.f32 v15, v11;
	v13 =	vadd.f32 v13, v18;
	v15 =	vmax.f32 v17, v19;
	v17 =	vld [tilespmem:s22+$0xDA00]  }
0x1c6: {  	v12 =	vmax.f32 v24, v12;
	v19 =	vadd.f32 v19, v21;
	v18 =	vadd.f32 v10, v25;
	v21 =	vld [tilespmem:s22+$0xDA80]  }
0x1c7: {  	v10 =	vmax.f32 v12, v10;
	v12 =	vadd.f32 v8, v26;
	v13 =	vadd.f32 v20, v13;
	v24 =	vld [tilespmem:s22+$0xD900]  }
0x1c8: {  	v15 =	vmax.f32 v15, v16;
	v20 =	vmax.f32 v22, v20;
	v18 =	vadd.f32 v7, v18;
	v22 =	vld [tilespmem:s22+$0xF080]  }
0x1c9: {  	v16 =	vadd.f32 v16, v19;
	v15 =	vmax.f32 v15, v14;
	v13 =	vadd.f32 v23, v13;
	v19 =	vld [tilespmem:s22+$0xDB00]  }
0x1ca: {  	v7 =	vmax.f32 v10, v7;
	v10 =	vadd.f32 v6, v12;
	v12 =	vadd.f32 v5, v18;
	v18 =	vld [tilespmem:s22+$0xF280]  }
0x1cb: {  	v8 =	vmax.f32 v11, v8;
	v11 =	vadd.f32 v14, v16;
	v14 =	vmax.f32 v15, v21;
	v15 =	vld [tilespmem:s22+$0x10880]  }
0x1cc: {  	v6 =	vmax.f32 v8, v6;
	v5 =	vmax.f32 v7, v5;
	v7 =	vadd.f32 v17, v12;
	v8 =	vld [tilespmem:s22+$0xF200]  }
0x1cd: {  	v11 =	vadd.f32 v21, v11;
	v6 =	vmax.f32 v6, v24;
	v12 =	vmax.f32 v14, v22;
	v14 =	vld [tilespmem:s22+$0x10B00]  }
0x1ce: {  	v16 =	vmax.f32 v20, v23;
	v6 =	vmax.f32 v6, v19;
	v7 =	vadd.f32 v2, v7;
	v20 =	vld [tilespmem:s22+$0x10800]  }
0x1cf: {  	v11 =	vadd.f32 v22, v11;
	v12 =	vmax.f32 v12, v18;
	v21 =	vld [tilespmem:s22+$0x10900]  }
0x1d0: {  	v13 =	vadd.f32 v9, v13;
	v6 =	vmax.f32 v6, v3;
	v22 =	vld [tilespmem:s22+$0xF180];
	v12 =	vmax.f32 v12, v15  }
0x1d1: {  	v9 =	vmax.f32 v16, v9;
	v11 =	vadd.f32 v18, v11;
	v16 =	vld [tilespmem:s22+$0xF380];
	v7 =	vadd.f32 v8, v7  }
0x1d2: {  	v13 =	vadd.f32 v27, v13;
	v6 =	vmax.f32 v6, v4;
	v18 =	vld [tilespmem:s22+$0x10A80]  }
0x1d3: {  	v5 =	vmax.f32 v5, v17;
	v9 =	vmax.f32 v9, v27;
	v17 =	vld [tilespmem:s22+$0x10980];
	v7 =	vadd.f32 v20, v7  }
0x1d4: {  	v10 =	vadd.f32 v24, v10;
	v2 =	vmax.f32 v5, v2;
	v5 =	vmax.f32 v6, v21;
	v6 =	vld [tilespmem:s22+$0x10B80]  }
0x1d5: {  	v9 =	vmax.f32 v9, v22;
	v13 =	vadd.f32 v22, v13;
	v22 =	vld [tilespmem:s22+$0x10A00]  }
0x1d6: {  	v10 =	vadd.f32 v19, v10;
	v9 =	vmax.f32 v9, v16  }
0x1d7: {  	v2 =	vmax.f32 v2, v8;
	v11 =	vadd.f32 v15, v11;
	v8 =	vadd.f32 v16, v13  }
0x1d8: {  	v3 =	vadd.f32 v3, v10;
	v10 =	vmax.f32 v12, v18;
	v9 =	vmax.f32 v9, v17;
	v12 =	vld [tilespmem:s21+$0x0]  }
0x1d9: {  	v2 =	vmax.f32 v2, v20;
	v8 =	vadd.f32 v17, v8;
	v9 =	vmax.f32 v9, v6  }
0x1da: {  	v3 =	vadd.f32 v4, v3;
	v4 =	vmax.f32 v5, v14;
	v2 =	vmax.f32 v2, v22  }
0x1db: {  	v4 =	vmax.f32 v4, v9;
	v2 =	vmax.f32 v2, v10  }
0x1dc: {  	v3 =	vadd.f32 v21, v3;
	v2 =	vmax.f32 v2, v4  }
0x1dd: {  	v5 =	vadd.f32 v18, v11;
	v4 =	vadd.f32 v22, v7;
	v2 =	vmax.f32 v12, v2  }
0x1de: {  	v3 =	vadd.f32 v14, v3;
	v6 =	vadd.f32 v6, v8;
	[tilespmem:s21+$0x0] =	vst v2;
	s21 =	smov.u32 s24  }
0x1df: {  	v2 =	vld [tilespmem:s20+$0x0]  }
0x1e0: {  	v3 =	vadd.f32 v6, v3;
	v4 =	vadd.f32 v5, v4  }
0x1e1: {  	s22 =	sand.u32 $0x70, s28;
	s28 =	sand.u32 $0x1C00, s23  }
0x1e2: {  	s22 =	sor.u32 s22, s28;
	v3 =	vadd.f32 v3, v4;
	_ =	sdelay $0x1  }
0x1e3: {  	v2 =	vadd.f32 v3, v2;
	_ =	sdelay $0x1  }
0x1e4: {  	[tilespmem:s20+$0x0] =	vst v2;
	s20 =	smov.u32 s25  }
0x1e5: {  	v7 =	vld [tilespmem:s22+$0xC200]  }
0x1e6: {  	v2 =	vld [tilespmem:s22+$0xF000]  }
0x1e7: {  	v5 =	vld [tilespmem:s22+$0xD800]  }
0x1e8: {  	v6 =	vld [tilespmem:s22+$0xC300]  }
0x1e9: {  	v8 =	vld [tilespmem:s22+$0xC100]  }
0x1ea: {  	v11 =	vld [tilespmem:s22+$0xAB00]  }
0x1eb: {  	v15 =	vld [tilespmem:s22+$0xA900]  }
0x1ec: {  	v10 =	vld [tilespmem:s22+$0xC000]  }
0x1ed: {  	v13 =	vld [tilespmem:s22+$0xAB80]  }
0x1ee: {  	v12 =	vld [tilespmem:s22+$0xAA00]  }
0x1ef: {  	v20 =	vld [tilespmem:s22+$0xA800]  }
0x1f0: {  	v17 =	vld [tilespmem:s22+$0xAA80]  }
0x1f1: {  	v18 =	vld [tilespmem:s22+$0xA980]  }
0x1f2: {  	v4 =	vld [tilespmem:s22+$0x9200]  }
0x1f3: {  	v21 =	vld [tilespmem:s22+$0xA880]  }
0x1f4: {  	v14 =	vld [tilespmem:s22+$0x9380]  }
0x1f5: {  	v24 =	vld [tilespmem:s22+$0x9300]  }
0x1f6: {  	v3 =	vld [tilespmem:s22+$0x9080]  }
0x1f7: {  	v16 =	vld [tilespmem:s22+$0x9280]  }
0x1f8: {  	v19 =	vld [tilespmem:s22+$0x9180]  }
0x1f9: {  	v25 =	vld [tilespmem:s22+$0x9000]  }
0x1fa: {  	v26 =	vld [tilespmem:s22+$0x9100]  }
0x1fb: {  	v9 =	vld [tilespmem:s22+$0xD980]  }
0x1fc: {  	v27 =	vmax.f32 v3, v16;
	v28 =	vadd.f32 v16, v3;
	v3 =	vld [tilespmem:s22+$0xF100]  }
.Ltmp4:
0x1fd: {  	v22 =	vmax.f32 v19, v14;
	v23 =	vadd.f32 v14, v19;
	v16 =	vld [tilespmem:s22+$0xC280];
	(pc) =	sbr.rel @p0 .LBB2_10-.Ltmp4, $4  }
0x1fe: {  	v22 =	vmax.f32 v22, v18;
	v29 =	vadd.f32 v21, v28;
	v14 =	vld [tilespmem:s22+$0xD880]  }
0x1ff: {  	v30 =	vmax.f32 v25, v4;
	v25 =	vadd.f32 v4, v25;
	v31 =	vadd.f32 v24, v26;
	v19 =	vld [tilespmem:s22+$0xC080]  }
0x200: {  	v27 =	vmax.f32 v27, v21;
	v28 =	vmax.f32 v26, v24;
	v21 =	vadd.f32 v17, v29;
	v4 =	vld [tilespmem:s22+$0xF300]  }
0x201: {  	v24 =	vmax.f32 v30, v20;
	v25 =	vadd.f32 v20, v25;
	v26 =	vadd.f32 v15, v31;
	v20 =	vld [tilespmem:s22+$0xC180]  }
0x202: {  	v29 =	vld [tilespmem:s22+$0xC380]  }
0x203: {  	v30 =	vld [tilespmem:s22+$0xDB80]  }
0x204: {  	v15 =	vmax.f32 v28, v15;
	v18 =	vadd.f32 v18, v23;
	v17 =	vmax.f32 v27, v17;
	v23 =	vld [tilespmem:s22+$0xDA00]  }
0x205: {  	v22 =	vmax.f32 v22, v13;
	v27 =	vld [tilespmem:s22+$0xDA80];
	v25 =	vadd.f32 v12, v25;
	v26 =	vadd.f32 v11, v26  }
0x206: {  	v11 =	vmax.f32 v15, v11;
	v12 =	vmax.f32 v24, v12;
	v24 =	vld [tilespmem:s22+$0xDB00];
	v13 =	vadd.f32 v13, v18  }
0x207: {  	v15 =	vmax.f32 v17, v19;
	v17 =	vld [tilespmem:s22+$0xD900];
	v19 =	vadd.f32 v19, v21;
	v18 =	vadd.f32 v10, v25  }
0x208: {  	v21 =	vld [tilespmem:s22+$0xF080];
	v10 =	vmax.f32 v12, v10;
	v12 =	vadd.f32 v8, v26;
	v15 =	vmax.f32 v15, v16  }
0x209: {  	v8 =	vmax.f32 v11, v8;
	v25 =	vld [tilespmem:s22+$0x10A80];
	v13 =	vadd.f32 v20, v13;
	v20 =	vmax.f32 v22, v20  }
0x20a: {  	v22 =	vld [tilespmem:s22+$0xF280];
	v16 =	vadd.f32 v16, v19;
	v15 =	vmax.f32 v15, v14;
	v18 =	vadd.f32 v7, v18  }
0x20b: {  	v19 =	vld [tilespmem:s22+$0x10880];
	v7 =	vmax.f32 v10, v7;
	v10 =	vadd.f32 v6, v12;
	v6 =	vmax.f32 v8, v6  }
0x20c: {  	v8 =	vld [tilespmem:s22+$0x10800];
	v13 =	vadd.f32 v29, v13;
	v11 =	vadd.f32 v14, v16;
	v14 =	vmax.f32 v15, v27  }
0x20d: {  	v15 =	vld [tilespmem:s22+$0x10B00];
	v16 =	vmax.f32 v20, v29;
	v12 =	vadd.f32 v5, v18;
	v5 =	vmax.f32 v7, v5  }
0x20e: {  	v20 =	vld [tilespmem:s22+$0xF180];
	v6 =	vmax.f32 v6, v17;
	v10 =	vadd.f32 v17, v10;
	v11 =	vadd.f32 v27, v11  }
0x20f: {  	v18 =	vld [tilespmem:s22+$0xF200];
	v6 =	vmax.f32 v6, v24;
	v13 =	vadd.f32 v9, v13;
	v9 =	vmax.f32 v16, v9  }
0x210: {  	v17 =	vld [tilespmem:s22+$0x10B80];
	v5 =	vmax.f32 v5, v23;
	v7 =	vadd.f32 v23, v12;
	v12 =	vmax.f32 v14, v21  }
0x211: {  	v14 =	vld [tilespmem:s22+$0x10900];
	v6 =	vmax.f32 v6, v3;
	v9 =	vmax.f32 v9, v30;
	v10 =	vadd.f32 v24, v10  }
0x212: {  	v11 =	vadd.f32 v21, v11;
	v12 =	vmax.f32 v12, v22;
	v21 =	vld [tilespmem:s22+$0xF380];
	v13 =	vadd.f32 v30, v13  }
0x213: {  	v16 =	vld [tilespmem:s22+$0x10980];
	v6 =	vmax.f32 v6, v4;
	v7 =	vadd.f32 v2, v7;
	v12 =	vmax.f32 v12, v19  }
0x214: {  	v2 =	vmax.f32 v5, v2;
	v5 =	vld [tilespmem:s22+$0x10A00];
	v9 =	vmax.f32 v9, v20;
	v3 =	vadd.f32 v3, v10  }
0x215: {  	v11 =	vadd.f32 v22, v11;
	v13 =	vadd.f32 v20, v13;
	v2 =	vmax.f32 v2, v18  }
0x216: {  	v12 =	vmax.f32 v12, v25;
	v7 =	vadd.f32 v18, v7;
	v2 =	vmax.f32 v2, v8  }
0x217: {  	v10 =	vld [tilespmem:s21+$0x0];
	v3 =	vadd.f32 v4, v3;
	v6 =	vmax.f32 v6, v14;
	v9 =	vmax.f32 v9, v21  }
0x218: {  	v7 =	vadd.f32 v8, v7;
	v13 =	vadd.f32 v21, v13;
	v9 =	vmax.f32 v9, v16  }
0x219: {  	v4 =	vmax.f32 v6, v15;
	v2 =	vmax.f32 v2, v5;
	v8 =	vmax.f32 v9, v17  }
0x21a: {  	v3 =	vadd.f32 v14, v3;
	v2 =	vmax.f32 v2, v12;
	v4 =	vmax.f32 v4, v8  }
0x21b: {  	v6 =	vadd.f32 v19, v11;
	v8 =	vadd.f32 v16, v13;
	v2 =	vmax.f32 v2, v4  }
0x21c: {  	v3 =	vadd.f32 v15, v3;
	v4 =	vadd.f32 v5, v7;
	v2 =	vmax.f32 v10, v2  }
0x21d: {  	v5 =	vadd.f32 v25, v6;
	v6 =	vadd.f32 v17, v8;
	[tilespmem:s21+$0x0] =	vst v2  }
0x21e: {  	v2 =	vld [tilespmem:s20+$0x0]  }
0x21f: {  	v4 =	vadd.f32 v5, v4;
	v3 =	vadd.f32 v6, v3;
	_ =	sdelay $0x1  }
0x220: {  	v3 =	vadd.f32 v3, v4;
	_ =	sdelay $0x1  }
0x221: {  	v2 =	vadd.f32 v3, v2;
	_ =	sdelay $0x1  }
0x222: {  	[tilespmem:s20+$0x0] =	vst v2  }
0x223: {  	s23 =	simm.s32 $0x0;
	_ =	swait.ge [sflag:s3], $0x9000  }
0x224: {  	s30 =	sand.u32 $0x70, s23;
	s31 =	sand.u32 $0x1C00, s23;
	[sflag:s3] =	ssyncset.done $0x0  }
0x225: {  	s22 =	sor.u32 s30, s31;
	[sflag:s3] =	ssyncadd.s32 $0xFFFF7000  }
0x226: {  	[tilespmem:s13], [sflag:$0x2] =	stream.linear.gather [hbm4b:s9+s23], $0x9000, $0x38;
	[tilespmem:$0x12600] =	vst v63  }
0x227: {  	v7 =	vld [tilespmem:s22+$0x3200]  }
0x228: {  	v2 =	vld [tilespmem:s22+$0x6000]  }
0x229: {  	v5 =	vld [tilespmem:s22+$0x4800]  }
0x22a: {  	v6 =	vld [tilespmem:s22+$0x3300]  }
0x22b: {  	v8 =	vld [tilespmem:s22+$0x3100]  }
0x22c: {  	v11 =	vld [tilespmem:s22+$0x1B00]  }
0x22d: {  	v15 =	vld [tilespmem:s22+$0x1900]  }
0x22e: {  	v10 =	vld [tilespmem:s22+$0x3000]  }
0x22f: {  	v13 =	vld [tilespmem:s22+$0x1B80]  }
0x230: {  	v12 =	vld [tilespmem:s22+$0x1A00]  }
0x231: {  	v20 =	vld [tilespmem:s22+$0x1800]  }
0x232: {  	v17 =	vld [tilespmem:s22+$0x1A80]  }
0x233: {  	v18 =	vld [tilespmem:s22+$0x1980]  }
0x234: {  	v4 =	vld [tilespmem:s22+$0x200]  }
0x235: {  	v21 =	vld [tilespmem:s22+$0x1880]  }
0x236: {  	v14 =	vld [tilespmem:s22+$0x380]  }
0x237: {  	v24 =	vld [tilespmem:s22+$0x300]  }
0x238: {  	v16 =	vld [tilespmem:s22+$0x80]  }
0x239: {  	v19 =	vld [tilespmem:s22+$0x280]  }
0x23a: {  	v22 =	vld [tilespmem:s22+$0x180]  }
0x23b: {  	v25 =	vld [tilespmem:s22+$0x0]  }
0x23c: {  	v26 =	vld [tilespmem:s22+$0x100]  }
0x23d: {  	v9 =	vld [tilespmem:s22+$0x4980]  }
0x23e: {  	v3 =	vld [tilespmem:s22+$0x6100]  }
0x23f: {  	v27 =	vadd.f32 v19, v16;
	v29 =	vmax.f32 v16, v19;
	v19 =	vmax.f32 v22, v14;
	v16 =	vld [tilespmem:s22+$0x3280]  }
0x240: {  	v23 =	vadd.f32 v14, v22;
	v14 =	vld [tilespmem:s22+$0x4880];
	v31 =	vmax.f32 v25, v4;
	v25 =	vadd.f32 v4, v25  }
0x241: {  	v32 =	vadd.f32 v24, v26;
	v22 =	vmax.f32 v19, v18;
	v19 =	vld [tilespmem:s22+$0x3080];
	v30 =	vadd.f32 v21, v27  }
0x242: {  	s24 =	simm.s32 $0x12000;
	s25 =	simm.s32 $0x12300;
	v28 =	vmax.f32 v26, v24;
	v4 =	vld [tilespmem:s22+$0x6300];
	v24 =	vmax.f32 v31, v20;
	v25 =	vadd.f32 v20, v25  }
0x243: {  	s26 =	simm.s32 $0x10;
	s21 =	simm.s32 $0x12000;
	s20 =	simm.s32 $0x12300;
	v27 =	vmax.f32 v29, v21;
	v26 =	vadd.f32 v15, v32;
	v20 =	vld [tilespmem:s22+$0x3180];
	v21 =	vadd.f32 v17, v30  }
.LBB2_12:
0x244: {  	v15 =	vmax.f32 v28, v15;
	v18 =	vadd.f32 v18, v23;
	v17 =	vmax.f32 v27, v17;
	v23 =	vld [tilespmem:s22+$0x3380];
	s23 =	sadd.s32 $0x80, s23;
	s24 =	sadd.s32 $0x10, s24;
	s25 =	sadd.s32 $0x10, s25  }
0x245: {  	p0 =	sne.s32 s26, $0x2F0;
	v22 =	vmax.f32 v22, v13;
	s28 =	smov.u32 s26;
	s26 =	sadd.s32 $0x10, s26;
	v25 =	vadd.f32 v12, v25;
	v26 =	vadd.f32 v11, v26;
	v27 =	vld [tilespmem:s22+$0x4B80]  }
0x246: {  	v11 =	vmax.f32 v15, v11;
	v13 =	vadd.f32 v13, v18;
	v15 =	vmax.f32 v17, v19;
	v17 =	vld [tilespmem:s22+$0x4A00]  }
0x247: {  	v12 =	vmax.f32 v24, v12;
	v19 =	vadd.f32 v19, v21;
	v18 =	vadd.f32 v10, v25;
	v21 =	vld [tilespmem:s22+$0x4A80]  }
0x248: {  	v10 =	vmax.f32 v12, v10;
	v12 =	vadd.f32 v8, v26;
	v13 =	vadd.f32 v20, v13;
	v24 =	vld [tilespmem:s22+$0x4900]  }
0x249: {  	v15 =	vmax.f32 v15, v16;
	v20 =	vmax.f32 v22, v20;
	v18 =	vadd.f32 v7, v18;
	v22 =	vld [tilespmem:s22+$0x6080]  }
0x24a: {  	v16 =	vadd.f32 v16, v19;
	v15 =	vmax.f32 v15, v14;
	v13 =	vadd.f32 v23, v13;
	v19 =	vld [tilespmem:s22+$0x4B00]  }
0x24b: {  	v7 =	vmax.f32 v10, v7;
	v10 =	vadd.f32 v6, v12;
	v12 =	vadd.f32 v5, v18;
	v18 =	vld [tilespmem:s22+$0x6280]  }
0x24c: {  	v8 =	vmax.f32 v11, v8;
	v11 =	vadd.f32 v14, v16;
	v14 =	vmax.f32 v15, v21;
	v15 =	vld [tilespmem:s22+$0x7880]  }
0x24d: {  	v6 =	vmax.f32 v8, v6;
	v5 =	vmax.f32 v7, v5;
	v7 =	vadd.f32 v17, v12;
	v8 =	vld [tilespmem:s22+$0x6200]  }
0x24e: {  	v11 =	vadd.f32 v21, v11;
	v6 =	vmax.f32 v6, v24;
	v12 =	vmax.f32 v14, v22;
	v14 =	vld [tilespmem:s22+$0x7B00]  }
0x24f: {  	v16 =	vmax.f32 v20, v23;
	v6 =	vmax.f32 v6, v19;
	v7 =	vadd.f32 v2, v7;
	v20 =	vld [tilespmem:s22+$0x7800]  }
0x250: {  	v11 =	vadd.f32 v22, v11;
	v12 =	vmax.f32 v12, v18;
	v21 =	vld [tilespmem:s22+$0x7900]  }
0x251: {  	v13 =	vadd.f32 v9, v13;
	v6 =	vmax.f32 v6, v3;
	v22 =	vld [tilespmem:s22+$0x6180];
	v12 =	vmax.f32 v12, v15  }
0x252: {  	v9 =	vmax.f32 v16, v9;
	v11 =	vadd.f32 v18, v11;
	v16 =	vld [tilespmem:s22+$0x6380];
	v7 =	vadd.f32 v8, v7  }
0x253: {  	v13 =	vadd.f32 v27, v13;
	v6 =	vmax.f32 v6, v4;
	v18 =	vld [tilespmem:s22+$0x7A80]  }
0x254: {  	v5 =	vmax.f32 v5, v17;
	v9 =	vmax.f32 v9, v27;
	v17 =	vld [tilespmem:s22+$0x7980];
	v7 =	vadd.f32 v20, v7  }
0x255: {  	v10 =	vadd.f32 v24, v10;
	v2 =	vmax.f32 v5, v2;
	v5 =	vmax.f32 v6, v21;
	v6 =	vld [tilespmem:s22+$0x7B80]  }
0x256: {  	v9 =	vmax.f32 v9, v22;
	v13 =	vadd.f32 v22, v13;
	v22 =	vld [tilespmem:s22+$0x7A00]  }
0x257: {  	v10 =	vadd.f32 v19, v10;
	v9 =	vmax.f32 v9, v16  }
0x258: {  	v2 =	vmax.f32 v2, v8;
	v11 =	vadd.f32 v15, v11;
	v8 =	vadd.f32 v16, v13  }
0x259: {  	v3 =	vadd.f32 v3, v10;
	v10 =	vmax.f32 v12, v18;
	v9 =	vmax.f32 v9, v17;
	v12 =	vld [tilespmem:s21+$0x0]  }
0x25a: {  	v2 =	vmax.f32 v2, v20;
	v8 =	vadd.f32 v17, v8;
	v9 =	vmax.f32 v9, v6  }
0x25b: {  	v3 =	vadd.f32 v4, v3;
	v4 =	vmax.f32 v5, v14;
	v2 =	vmax.f32 v2, v22  }
0x25c: {  	v4 =	vmax.f32 v4, v9;
	v2 =	vmax.f32 v2, v10  }
0x25d: {  	v3 =	vadd.f32 v21, v3;
	v2 =	vmax.f32 v2, v4  }
0x25e: {  	v5 =	vadd.f32 v18, v11;
	v4 =	vadd.f32 v22, v7;
	v2 =	vmax.f32 v12, v2  }
0x25f: {  	v3 =	vadd.f32 v14, v3;
	v6 =	vadd.f32 v6, v8;
	[tilespmem:s21+$0x0] =	vst v2;
	s21 =	smov.u32 s24  }
0x260: {  	v2 =	vld [tilespmem:s20+$0x0]  }
0x261: {  	v3 =	vadd.f32 v6, v3;
	v4 =	vadd.f32 v5, v4  }
0x262: {  	s22 =	sand.u32 $0x70, s28;
	s28 =	sand.u32 $0x1C00, s23  }
0x263: {  	s22 =	sor.u32 s22, s28;
	v3 =	vadd.f32 v3, v4;
	_ =	sdelay $0x1  }
0x264: {  	v2 =	vadd.f32 v3, v2;
	_ =	sdelay $0x1  }
0x265: {  	[tilespmem:s20+$0x0] =	vst v2;
	s20 =	smov.u32 s25  }
0x266: {  	v7 =	vld [tilespmem:s22+$0x3200]  }
0x267: {  	v2 =	vld [tilespmem:s22+$0x6000]  }
0x268: {  	v5 =	vld [tilespmem:s22+$0x4800]  }
0x269: {  	v6 =	vld [tilespmem:s22+$0x3300]  }
0x26a: {  	v8 =	vld [tilespmem:s22+$0x3100]  }
0x26b: {  	v11 =	vld [tilespmem:s22+$0x1B00]  }
0x26c: {  	v15 =	vld [tilespmem:s22+$0x1900]  }
0x26d: {  	v10 =	vld [tilespmem:s22+$0x3000]  }
0x26e: {  	v13 =	vld [tilespmem:s22+$0x1B80]  }
0x26f: {  	v12 =	vld [tilespmem:s22+$0x1A00]  }
0x270: {  	v20 =	vld [tilespmem:s22+$0x1800]  }
0x271: {  	v17 =	vld [tilespmem:s22+$0x1A80]  }
0x272: {  	v18 =	vld [tilespmem:s22+$0x1980]  }
0x273: {  	v4 =	vld [tilespmem:s22+$0x200]  }
0x274: {  	v21 =	vld [tilespmem:s22+$0x1880]  }
0x275: {  	v14 =	vld [tilespmem:s22+$0x380]  }
0x276: {  	v24 =	vld [tilespmem:s22+$0x300]  }
0x277: {  	v3 =	vld [tilespmem:s22+$0x80]  }
0x278: {  	v16 =	vld [tilespmem:s22+$0x280]  }
0x279: {  	v19 =	vld [tilespmem:s22+$0x180]  }
0x27a: {  	v25 =	vld [tilespmem:s22+$0x0]  }
0x27b: {  	v26 =	vld [tilespmem:s22+$0x100]  }
0x27c: {  	v9 =	vld [tilespmem:s22+$0x4980]  }
0x27d: {  	v27 =	vmax.f32 v3, v16;
	v28 =	vadd.f32 v16, v3;
	v3 =	vld [tilespmem:s22+$0x6100]  }
.Ltmp5:
0x27e: {  	v22 =	vmax.f32 v19, v14;
	v23 =	vadd.f32 v14, v19;
	v16 =	vld [tilespmem:s22+$0x3280];
	(pc) =	sbr.rel @p0 .LBB2_12-.Ltmp5, $4  }
0x27f: {  	v22 =	vmax.f32 v22, v18;
	v29 =	vadd.f32 v21, v28;
	v14 =	vld [tilespmem:s22+$0x4880]  }
0x280: {  	v30 =	vmax.f32 v25, v4;
	v25 =	vadd.f32 v4, v25;
	v31 =	vadd.f32 v24, v26;
	v19 =	vld [tilespmem:s22+$0x3080]  }
0x281: {  	v27 =	vmax.f32 v27, v21;
	v28 =	vmax.f32 v26, v24;
	v21 =	vadd.f32 v17, v29;
	v4 =	vld [tilespmem:s22+$0x6300]  }
0x282: {  	v24 =	vmax.f32 v30, v20;
	v25 =	vadd.f32 v20, v25;
	v26 =	vadd.f32 v15, v31;
	v20 =	vld [tilespmem:s22+$0x3180]  }
0x283: {  	v29 =	vld [tilespmem:s22+$0x3380]  }
0x284: {  	v30 =	vld [tilespmem:s22+$0x4B80]  }
0x285: {  	v15 =	vmax.f32 v28, v15;
	v18 =	vadd.f32 v18, v23;
	v17 =	vmax.f32 v27, v17;
	v23 =	vld [tilespmem:s22+$0x4A00]  }
0x286: {  	v22 =	vmax.f32 v22, v13;
	v27 =	vld [tilespmem:s22+$0x4A80];
	v25 =	vadd.f32 v12, v25;
	v26 =	vadd.f32 v11, v26  }
0x287: {  	v11 =	vmax.f32 v15, v11;
	v12 =	vmax.f32 v24, v12;
	v24 =	vld [tilespmem:s22+$0x4B00];
	v13 =	vadd.f32 v13, v18  }
0x288: {  	v15 =	vmax.f32 v17, v19;
	v17 =	vld [tilespmem:s22+$0x4900];
	v19 =	vadd.f32 v19, v21;
	v18 =	vadd.f32 v10, v25  }
0x289: {  	v21 =	vld [tilespmem:s22+$0x6080];
	v10 =	vmax.f32 v12, v10;
	v12 =	vadd.f32 v8, v26;
	v15 =	vmax.f32 v15, v16  }
0x28a: {  	v8 =	vmax.f32 v11, v8;
	v25 =	vld [tilespmem:s22+$0x7A80];
	v13 =	vadd.f32 v20, v13;
	v20 =	vmax.f32 v22, v20  }
0x28b: {  	v22 =	vld [tilespmem:s22+$0x6280];
	v16 =	vadd.f32 v16, v19;
	v15 =	vmax.f32 v15, v14;
	v18 =	vadd.f32 v7, v18  }
0x28c: {  	v19 =	vld [tilespmem:s22+$0x7880];
	v7 =	vmax.f32 v10, v7;
	v10 =	vadd.f32 v6, v12;
	v6 =	vmax.f32 v8, v6  }
0x28d: {  	v8 =	vld [tilespmem:s22+$0x7800];
	v13 =	vadd.f32 v29, v13;
	v11 =	vadd.f32 v14, v16;
	v14 =	vmax.f32 v15, v27  }
0x28e: {  	v15 =	vld [tilespmem:s22+$0x7B00];
	v16 =	vmax.f32 v20, v29;
	v12 =	vadd.f32 v5, v18;
	v5 =	vmax.f32 v7, v5  }
0x28f: {  	v20 =	vld [tilespmem:s22+$0x6180];
	v6 =	vmax.f32 v6, v17;
	v10 =	vadd.f32 v17, v10;
	v11 =	vadd.f32 v27, v11  }
0x290: {  	v18 =	vld [tilespmem:s22+$0x6200];
	v6 =	vmax.f32 v6, v24;
	v13 =	vadd.f32 v9, v13;
	v9 =	vmax.f32 v16, v9  }
0x291: {  	v17 =	vld [tilespmem:s22+$0x7B80];
	v5 =	vmax.f32 v5, v23;
	v7 =	vadd.f32 v23, v12;
	v12 =	vmax.f32 v14, v21  }
0x292: {  	v14 =	vld [tilespmem:s22+$0x7900];
	v6 =	vmax.f32 v6, v3;
	v9 =	vmax.f32 v9, v30;
	v10 =	vadd.f32 v24, v10  }
0x293: {  	v11 =	vadd.f32 v21, v11;
	v12 =	vmax.f32 v12, v22;
	v21 =	vld [tilespmem:s22+$0x6380];
	v13 =	vadd.f32 v30, v13  }
0x294: {  	v16 =	vld [tilespmem:s22+$0x7980];
	v6 =	vmax.f32 v6, v4;
	v7 =	vadd.f32 v2, v7;
	v12 =	vmax.f32 v12, v19  }
0x295: {  	v2 =	vmax.f32 v5, v2;
	v5 =	vld [tilespmem:s22+$0x7A00];
	v9 =	vmax.f32 v9, v20;
	v3 =	vadd.f32 v3, v10  }
0x296: {  	v11 =	vadd.f32 v22, v11;
	v13 =	vadd.f32 v20, v13;
	v2 =	vmax.f32 v2, v18  }
0x297: {  	v12 =	vmax.f32 v12, v25;
	v7 =	vadd.f32 v18, v7;
	v2 =	vmax.f32 v2, v8  }
0x298: {  	v10 =	vld [tilespmem:s21+$0x0];
	v3 =	vadd.f32 v4, v3;
	v6 =	vmax.f32 v6, v14;
	v9 =	vmax.f32 v9, v21  }
0x299: {  	v7 =	vadd.f32 v8, v7;
	v13 =	vadd.f32 v21, v13;
	v9 =	vmax.f32 v9, v16  }
0x29a: {  	v4 =	vmax.f32 v6, v15;
	v2 =	vmax.f32 v2, v5;
	v8 =	vmax.f32 v9, v17  }
0x29b: {  	v3 =	vadd.f32 v14, v3;
	v2 =	vmax.f32 v2, v12;
	v4 =	vmax.f32 v4, v8  }
0x29c: {  	v6 =	vadd.f32 v19, v11;
	v8 =	vadd.f32 v16, v13;
	v2 =	vmax.f32 v2, v4  }
0x29d: {  	v3 =	vadd.f32 v15, v3;
	v4 =	vadd.f32 v5, v7;
	v2 =	vmax.f32 v10, v2  }
0x29e: {  	v5 =	vadd.f32 v25, v6;
	v6 =	vadd.f32 v17, v8;
	[tilespmem:s21+$0x0] =	vst v2  }
0x29f: {  	v2 =	vld [tilespmem:s20+$0x0]  }
0x2a0: {  	v4 =	vadd.f32 v5, v4;
	v3 =	vadd.f32 v6, v3;
	_ =	sdelay $0x1  }
0x2a1: {  	v3 =	vadd.f32 v3, v4;
	_ =	sdelay $0x1  }
0x2a2: {  	v2 =	vadd.f32 v3, v2;
	_ =	sdelay $0x1  }
0x2a3: {  	[tilespmem:s20+$0x0] =	vst v2  }
0x2a4: {  	s23 =	simm.s32 $0x0;
	_ =	swait.ge [sflag:s14], $0x9000  }
0x2a5: {  	s30 =	sand.u32 $0x70, s23;
	s31 =	sand.u32 $0x1C00, s23;
	[sflag:s14] =	ssyncset.done $0x0  }
0x2a6: {  	s22 =	sor.u32 s30, s31;
	[sflag:s14] =	ssyncadd.s32 $0xFFFF7000  }
0x2a7: {  	v7 =	vld [tilespmem:s22+$0xC200]  }
0x2a8: {  	v2 =	vld [tilespmem:s22+$0xF000]  }
0x2a9: {  	v5 =	vld [tilespmem:s22+$0xD800]  }
0x2aa: {  	v6 =	vld [tilespmem:s22+$0xC300]  }
0x2ab: {  	v8 =	vld [tilespmem:s22+$0xC100]  }
0x2ac: {  	v11 =	vld [tilespmem:s22+$0xAB00]  }
0x2ad: {  	v15 =	vld [tilespmem:s22+$0xA900]  }
0x2ae: {  	v10 =	vld [tilespmem:s22+$0xC000]  }
0x2af: {  	v13 =	vld [tilespmem:s22+$0xAB80]  }
0x2b0: {  	v12 =	vld [tilespmem:s22+$0xAA00]  }
0x2b1: {  	v21 =	vld [tilespmem:s22+$0xA800]  }
0x2b2: {  	v17 =	vld [tilespmem:s22+$0xAA80]  }
0x2b3: {  	v18 =	vld [tilespmem:s22+$0xA980]  }
0x2b4: {  	v4 =	vld [tilespmem:s22+$0x9200]  }
0x2b5: {  	v22 =	vld [tilespmem:s22+$0xA880]  }
0x2b6: {  	v14 =	vld [tilespmem:s22+$0x9380]  }
0x2b7: {  	v24 =	vld [tilespmem:s22+$0x9300]  }
0x2b8: {  	v16 =	vld [tilespmem:s22+$0x9080]  }
0x2b9: {  	v19 =	vld [tilespmem:s22+$0x9280]  }
0x2ba: {  	v20 =	vld [tilespmem:s22+$0x9180]  }
0x2bb: {  	v25 =	vld [tilespmem:s22+$0x9000]  }
0x2bc: {  	v26 =	vld [tilespmem:s22+$0x9100]  }
0x2bd: {  	v9 =	vld [tilespmem:s22+$0xD980]  }
0x2be: {  	v3 =	vld [tilespmem:s22+$0xF100]  }
0x2bf: {  	v27 =	vadd.f32 v19, v16;
	v29 =	vmax.f32 v16, v19;
	v19 =	vmax.f32 v20, v14;
	v16 =	vld [tilespmem:s22+$0xC280]  }
0x2c0: {  	v23 =	vadd.f32 v14, v20;
	v14 =	vld [tilespmem:s22+$0xD880];
	v30 =	vmax.f32 v25, v4;
	v31 =	vadd.f32 v4, v25  }
0x2c1: {  	v32 =	vadd.f32 v24, v26;
	v20 =	vmax.f32 v19, v18;
	v19 =	vld [tilespmem:s22+$0xC080];
	v27 =	vadd.f32 v22, v27  }
0x2c2: {  	s24 =	simm.s32 $0x12000;
	s25 =	simm.s32 $0x12300;
	v28 =	vmax.f32 v26, v24;
	v4 =	vld [tilespmem:s22+$0xF300];
	v25 =	vmax.f32 v29, v22;
	v26 =	vadd.f32 v21, v31  }
0x2c3: {  	s26 =	simm.s32 $0x10;
	s21 =	simm.s32 $0x12000;
	s20 =	simm.s32 $0x12300;
	v24 =	vmax.f32 v30, v21;
	v21 =	vld [tilespmem:s22+$0xC180];
	v22 =	vadd.f32 v17, v27;
	v27 =	vadd.f32 v15, v32  }
.LBB2_14:
0x2c4: {  	v15 =	vmax.f32 v28, v15;
	v18 =	vadd.f32 v18, v23;
	v17 =	vmax.f32 v25, v17;
	v23 =	vld [tilespmem:s22+$0xC380];
	s23 =	sadd.s32 $0x80, s23;
	s24 =	sadd.s32 $0x10, s24;
	s25 =	sadd.s32 $0x10, s25  }
0x2c5: {  	p0 =	sne.s32 s26, $0x2F0;
	v20 =	vmax.f32 v20, v13;
	s28 =	smov.u32 s26;
	s26 =	sadd.s32 $0x10, s26;
	v25 =	vadd.f32 v12, v26;
	v26 =	vadd.f32 v11, v27;
	v27 =	vld [tilespmem:s22+$0xDB80]  }
0x2c6: {  	v11 =	vmax.f32 v15, v11;
	v13 =	vadd.f32 v13, v18;
	v15 =	vmax.f32 v17, v19;
	v17 =	vld [tilespmem:s22+$0xDA00]  }
0x2c7: {  	v12 =	vmax.f32 v24, v12;
	v19 =	vadd.f32 v19, v22;
	v18 =	vadd.f32 v10, v25;
	v22 =	vld [tilespmem:s22+$0xDA80]  }
0x2c8: {  	v10 =	vmax.f32 v12, v10;
	v12 =	vadd.f32 v8, v26;
	v13 =	vadd.f32 v21, v13;
	v24 =	vld [tilespmem:s22+$0xD900]  }
0x2c9: {  	v15 =	vmax.f32 v15, v16;
	v20 =	vmax.f32 v20, v21;
	v18 =	vadd.f32 v7, v18;
	v21 =	vld [tilespmem:s22+$0xF080]  }
0x2ca: {  	v16 =	vadd.f32 v16, v19;
	v15 =	vmax.f32 v15, v14;
	v13 =	vadd.f32 v23, v13;
	v19 =	vld [tilespmem:s22+$0xDB00]  }
0x2cb: {  	v7 =	vmax.f32 v10, v7;
	v10 =	vadd.f32 v6, v12;
	v12 =	vadd.f32 v5, v18;
	v18 =	vld [tilespmem:s22+$0xF280]  }
0x2cc: {  	v8 =	vmax.f32 v11, v8;
	v11 =	vadd.f32 v14, v16;
	v14 =	vmax.f32 v15, v22;
	v15 =	vld [tilespmem:s22+$0x10880]  }
0x2cd: {  	v6 =	vmax.f32 v8, v6;
	v5 =	vmax.f32 v7, v5;
	v7 =	vadd.f32 v17, v12;
	v8 =	vld [tilespmem:s22+$0xF200]  }
0x2ce: {  	v11 =	vadd.f32 v22, v11;
	v6 =	vmax.f32 v6, v24;
	v12 =	vmax.f32 v14, v21;
	v14 =	vld [tilespmem:s22+$0x10B00]  }
0x2cf: {  	v16 =	vmax.f32 v20, v23;
	v6 =	vmax.f32 v6, v19;
	v7 =	vadd.f32 v2, v7;
	v20 =	vld [tilespmem:s22+$0x10800]  }
0x2d0: {  	v11 =	vadd.f32 v21, v11;
	v12 =	vmax.f32 v12, v18;
	v21 =	vld [tilespmem:s22+$0x10900]  }
0x2d1: {  	v13 =	vadd.f32 v9, v13;
	v6 =	vmax.f32 v6, v3;
	v22 =	vld [tilespmem:s22+$0xF180];
	v12 =	vmax.f32 v12, v15  }
0x2d2: {  	v9 =	vmax.f32 v16, v9;
	v11 =	vadd.f32 v18, v11;
	v16 =	vld [tilespmem:s22+$0xF380];
	v7 =	vadd.f32 v8, v7  }
0x2d3: {  	v13 =	vadd.f32 v27, v13;
	v6 =	vmax.f32 v6, v4;
	v18 =	vld [tilespmem:s22+$0x10A80]  }
0x2d4: {  	v5 =	vmax.f32 v5, v17;
	v9 =	vmax.f32 v9, v27;
	v17 =	vld [tilespmem:s22+$0x10980];
	v7 =	vadd.f32 v20, v7  }
0x2d5: {  	v10 =	vadd.f32 v24, v10;
	v2 =	vmax.f32 v5, v2;
	v5 =	vmax.f32 v6, v21;
	v6 =	vld [tilespmem:s22+$0x10B80]  }
0x2d6: {  	v9 =	vmax.f32 v9, v22;
	v13 =	vadd.f32 v22, v13;
	v22 =	vld [tilespmem:s22+$0x10A00]  }
0x2d7: {  	v10 =	vadd.f32 v19, v10;
	v9 =	vmax.f32 v9, v16  }
0x2d8: {  	v2 =	vmax.f32 v2, v8;
	v11 =	vadd.f32 v15, v11;
	v8 =	vadd.f32 v16, v13  }
0x2d9: {  	v3 =	vadd.f32 v3, v10;
	v10 =	vmax.f32 v12, v18;
	v9 =	vmax.f32 v9, v17;
	v12 =	vld [tilespmem:s21+$0x0]  }
0x2da: {  	v2 =	vmax.f32 v2, v20;
	v8 =	vadd.f32 v17, v8;
	v9 =	vmax.f32 v9, v6  }
0x2db: {  	v3 =	vadd.f32 v4, v3;
	v4 =	vmax.f32 v5, v14;
	v2 =	vmax.f32 v2, v22  }
0x2dc: {  	v4 =	vmax.f32 v4, v9;
	v2 =	vmax.f32 v2, v10  }
0x2dd: {  	v3 =	vadd.f32 v21, v3;
	v2 =	vmax.f32 v2, v4  }
0x2de: {  	v5 =	vadd.f32 v18, v11;
	v4 =	vadd.f32 v22, v7;
	v2 =	vmax.f32 v12, v2  }
0x2df: {  	v3 =	vadd.f32 v14, v3;
	v6 =	vadd.f32 v6, v8;
	[tilespmem:s21+$0x0] =	vst v2;
	s21 =	smov.u32 s24  }
0x2e0: {  	v2 =	vld [tilespmem:s20+$0x0]  }
0x2e1: {  	v3 =	vadd.f32 v6, v3;
	v4 =	vadd.f32 v5, v4  }
0x2e2: {  	s22 =	sand.u32 $0x70, s28;
	s28 =	sand.u32 $0x1C00, s23  }
0x2e3: {  	s22 =	sor.u32 s22, s28;
	v3 =	vadd.f32 v3, v4;
	_ =	sdelay $0x1  }
0x2e4: {  	v2 =	vadd.f32 v3, v2;
	_ =	sdelay $0x1  }
0x2e5: {  	[tilespmem:s20+$0x0] =	vst v2;
	s20 =	smov.u32 s25  }
0x2e6: {  	v7 =	vld [tilespmem:s22+$0xC200]  }
0x2e7: {  	v2 =	vld [tilespmem:s22+$0xF000]  }
0x2e8: {  	v5 =	vld [tilespmem:s22+$0xD800]  }
0x2e9: {  	v6 =	vld [tilespmem:s22+$0xC300]  }
0x2ea: {  	v8 =	vld [tilespmem:s22+$0xC100]  }
0x2eb: {  	v11 =	vld [tilespmem:s22+$0xAB00]  }
0x2ec: {  	v15 =	vld [tilespmem:s22+$0xA900]  }
0x2ed: {  	v10 =	vld [tilespmem:s22+$0xC000]  }
0x2ee: {  	v13 =	vld [tilespmem:s22+$0xAB80]  }
0x2ef: {  	v12 =	vld [tilespmem:s22+$0xAA00]  }
0x2f0: {  	v21 =	vld [tilespmem:s22+$0xA800]  }
0x2f1: {  	v17 =	vld [tilespmem:s22+$0xAA80]  }
0x2f2: {  	v18 =	vld [tilespmem:s22+$0xA980]  }
0x2f3: {  	v4 =	vld [tilespmem:s22+$0x9200]  }
0x2f4: {  	v22 =	vld [tilespmem:s22+$0xA880]  }
0x2f5: {  	v14 =	vld [tilespmem:s22+$0x9380]  }
0x2f6: {  	v24 =	vld [tilespmem:s22+$0x9300]  }
0x2f7: {  	v3 =	vld [tilespmem:s22+$0x9080]  }
0x2f8: {  	v16 =	vld [tilespmem:s22+$0x9280]  }
0x2f9: {  	v19 =	vld [tilespmem:s22+$0x9180]  }
0x2fa: {  	v25 =	vld [tilespmem:s22+$0x9000]  }
0x2fb: {  	v26 =	vld [tilespmem:s22+$0x9100]  }
0x2fc: {  	v9 =	vld [tilespmem:s22+$0xD980]  }
0x2fd: {  	v27 =	vmax.f32 v3, v16;
	v28 =	vadd.f32 v16, v3;
	v3 =	vld [tilespmem:s22+$0xF100]  }
.Ltmp6:
0x2fe: {  	v20 =	vmax.f32 v19, v14;
	v23 =	vadd.f32 v14, v19;
	v16 =	vld [tilespmem:s22+$0xC280];
	(pc) =	sbr.rel @p0 .LBB2_14-.Ltmp6, $4  }
0x2ff: {  	v20 =	vmax.f32 v20, v18;
	v29 =	vadd.f32 v22, v28;
	v14 =	vld [tilespmem:s22+$0xD880]  }
0x300: {  	v30 =	vmax.f32 v25, v4;
	v31 =	vadd.f32 v4, v25;
	v32 =	vadd.f32 v24, v26;
	v19 =	vld [tilespmem:s22+$0xC080]  }
0x301: {  	v25 =	vmax.f32 v27, v22;
	v28 =	vmax.f32 v26, v24;
	v22 =	vadd.f32 v17, v29;
	v4 =	vld [tilespmem:s22+$0xF300]  }
0x302: {  	v24 =	vmax.f32 v30, v21;
	v26 =	vadd.f32 v21, v31;
	v27 =	vadd.f32 v15, v32;
	v21 =	vld [tilespmem:s22+$0xC180]  }
0x303: {  	v29 =	vld [tilespmem:s22+$0xC380]  }
0x304: {  	v30 =	vld [tilespmem:s22+$0xDB80]  }
0x305: {  	v15 =	vmax.f32 v28, v15;
	v18 =	vadd.f32 v18, v23;
	v17 =	vmax.f32 v25, v17;
	v23 =	vld [tilespmem:s22+$0xDA00]  }
0x306: {  	v54 =	vld [tilespmem:s22+$0xDA80];
	v20 =	vmax.f32 v20, v13;
	v57 =	vmax.f32 v24, v12;
	v51 =	vadd.f32 v12, v26  }
0x307: {  	v56 =	vld [tilespmem:s22+$0xD900];
	v52 =	vadd.f32 v11, v27;
	v53 =	vmax.f32 v15, v11;
	v61 =	vmax.f32 v57, v10  }
0x308: {  	v60 =	vld [tilespmem:s22+$0xF080];
	v55 =	vadd.f32 v13, v18;
	v17 =	vmax.f32 v17, v19;
	v59 =	vadd.f32 v19, v22  }
0x309: {  	v63 =	vld [tilespmem:s22+$0xDB00];
	v34 =	vmax.f32 v61, v7;
	v38 =	vmax.f32 v53, v8;
	v58 =	vadd.f32 v10, v51  }
0x30a: {  	v31 =	vld [tilespmem:s22+$0xF280];
	v62 =	vadd.f32 v8, v52;
	v17 =	vmax.f32 v17, v16;
	v42 =	vmax.f32 v38, v6  }
0x30b: {  	v33 =	vld [tilespmem:s22+$0x10880];
	v43 =	vmax.f32 v34, v5;
	v13 =	vadd.f32 v21, v55;
	v20 =	vmax.f32 v20, v21  }
0x30c: {  	v37 =	vld [tilespmem:s22+$0xF200];
	v32 =	vadd.f32 v16, v59;
	v17 =	vmax.f32 v17, v14;
	v28 =	vadd.f32 v7, v58  }
0x30d: {  	v47 =	vld [tilespmem:s22+$0x10900];
	v35 =	vadd.f32 v6, v62;
	v40 =	vmax.f32 v17, v54;
	v6 =	vmax.f32 v42, v56  }
0x30e: {  	v49 =	vld [tilespmem:s22+$0xF180];
	v48 =	vmax.f32 v20, v29;
	v13 =	vadd.f32 v29, v13;
	v39 =	vadd.f32 v14, v32  }
0x30f: {  	v51 =	vld [tilespmem:s22+$0x10A80];
	v46 =	vmax.f32 v40, v60;
	v6 =	vmax.f32 v6, v63;
	v52 =	vmax.f32 v48, v9  }
0x310: {  	v50 =	vld [tilespmem:s22+$0xF380];
	v36 =	vadd.f32 v5, v28;
	v12 =	vmax.f32 v46, v31;
	v6 =	vmax.f32 v6, v3  }
0x311: {  	v41 =	vld [tilespmem:s22+$0x10B00];
	v5 =	vmax.f32 v43, v23;
	v10 =	vadd.f32 v56, v35;
	v11 =	vadd.f32 v54, v39  }
0x312: {  	v53 =	vld [tilespmem:s22+$0x10980];
	v13 =	vadd.f32 v9, v13;
	v12 =	vmax.f32 v12, v33;
	v9 =	vmax.f32 v52, v30  }
0x313: {  	v45 =	vld [tilespmem:s22+$0x10800];
	v6 =	vmax.f32 v6, v4;
	v44 =	vadd.f32 v23, v36;
	v9 =	vmax.f32 v9, v49  }
0x314: {  	v54 =	vld [tilespmem:s22+$0x10B80];
	v10 =	vadd.f32 v63, v10;
	v6 =	vmax.f32 v6, v47;
	v12 =	vmax.f32 v12, v51  }
0x315: {  	v55 =	vld [tilespmem:s22+$0x10A00];
	v11 =	vadd.f32 v60, v11;
	v13 =	vadd.f32 v30, v13;
	v9 =	vmax.f32 v9, v50  }
0x316: {  	v58 =	vmax.f32 v6, v41;
	v7 =	vadd.f32 v2, v44;
	v2 =	vmax.f32 v5, v2  }
0x317: {  	v3 =	vadd.f32 v3, v10;
	v9 =	vmax.f32 v9, v53;
	v11 =	vadd.f32 v31, v11  }
0x318: {  	v56 =	vld [tilespmem:s21+$0x0];
	v13 =	vadd.f32 v49, v13;
	v2 =	vmax.f32 v2, v37;
	v7 =	vadd.f32 v37, v7  }
0x319: {  	v2 =	vmax.f32 v2, v45;
	v57 =	vmax.f32 v9, v54;
	v3 =	vadd.f32 v4, v3  }
0x31a: {  	v13 =	vadd.f32 v50, v13;
	v2 =	vmax.f32 v2, v55;
	v59 =	vadd.f32 v33, v11  }
0x31b: {  	v4 =	vmax.f32 v58, v57;
	v7 =	vadd.f32 v45, v7;
	v2 =	vmax.f32 v2, v12  }
0x31c: {  	v3 =	vadd.f32 v47, v3;
	v60 =	vadd.f32 v53, v13;
	v2 =	vmax.f32 v2, v4  }
0x31d: {  	v62 =	vadd.f32 v51, v59;
	v61 =	vadd.f32 v55, v7;
	v2 =	vmax.f32 v56, v2  }
0x31e: {  	v3 =	vadd.f32 v41, v3;
	v63 =	vadd.f32 v54, v60;
	[tilespmem:s21+$0x0] =	vst v2  }
0x31f: {  	v2 =	vld [tilespmem:s20+$0x0]  }
0x320: {  	v4 =	vadd.f32 v62, v61;
	v3 =	vadd.f32 v63, v3;
	_ =	sdelay $0x1  }
0x321: {  	v3 =	vadd.f32 v3, v4;
	_ =	sdelay $0x1  }
0x322: {  	v2 =	vadd.f32 v3, v2;
	_ =	sdelay $0x1  }
0x323: {  	[tilespmem:s20+$0x0] =	vst v2  }
0x324: {  	[hbm4b:s10+s15] =	stream.strided.scatter [tilespmem:s17], [sflag:$0x3], $0x300, s16, s15, $0x38;
	[tilespmem:$0x12600] =	vst v63  }
0x325: {  	s2 =	sadd.s32 $0x1, s2;
	_ =	swait.ge [sflag:s18], $0x300  }
0x326: {  	p0 =	sne.s32 s2, s12;
	[sflag:s18] =	ssyncset.done $0x0  }
.Ltmp7:
0x327: {  	[sflag:s18] =	ssyncadd.s32 $0xFFFFFD00;
	(pc) =	sbr.rel @p0 .LBB2_1-.Ltmp7, $4  }
0x328: {  	[hbm4b:s11+s15] =	stream.strided.scatter [tilespmem:s19], [sflag:$0x3], $0x300, s16, s15, $0x38;
	[tilespmem:$0x12600] =	vst v63  }
0x329: {  	_ =	swait.ge [sflag:s18], $0x300  }
0x32a: {  	[sflag:s18] =	ssyncset.done $0x0  }
0x32b: {  	[sflag:s18] =	ssyncadd.s32 $0xFFFFFD00  }
0x32c: {  	_ =	sfence.sel $0x180000  }
0x32d: {  	[bflag:$0x0] =	sbarrier.arrive $0xFFFF  }
0x32e: {  	p0 =	sne.s32 s0, $0x0;
	_ =	strace $0x90000047  }
0x32f: {  	s0 =	sadd.s32 @!p0 $0x100000, s1;
	[bflag:$0x2] =	sbarrier.arrive $0xFFFF  }
0x330: {  	[sflag:s0] =	ssyncadd.tile.s32 @!p0 $0x1;
	_ =	shalt  }
.Lfunc_end2:
_tile_overlayer_lowered:
.L_overlay_start_2:
0x331: {  	(tag) =	ssettag $0x2  }
0x332: {  	s0 =	rddreg [dreg:$0x0];
	s2 =	stileid.u32  }
0x333: {  	s1 =	rddreg [dreg:$0x1];
	p0 =	sne.s32 s2, $0x0  }
0x334: {  	s3 =	rddreg [dreg:$0x2];
	[bflag:$0x3] =	sbarrier.arrive $0xFFFF;
	s2 =	simm.s32 @!p0 $0x1C03  }
0x335: {  	[timem:s3], [sflag:s2] =	dma.local @!p0 [hbm:s0], s1  }
0x336: {  	s0 =	simm.s32 @!p0 $0x3  }
0x337: {  	_ =	swait.ge @!p0 [sflag:s0], s1  }
0x338: {  	s1 =	ssub.s32 @!p0 $0x0, s1;
	[sflag:s0] =	ssyncset.done @!p0 $0x0  }
0x339: {  	[sflag:s0] =	ssyncadd.s32 @!p0 s1  }
0x33a: {  	[bflag:$0x3] =	sbarrier.arrive $0xFFFF  }
0x33b: {  	_ =	shalt  }

</sc_bundles>
